<compile_context>
chip_gen: v7x
topology: tpu7x:2x2x1
jax: 0.10.2.dev20260603
libtpu: 0.0.44.dev20260713+nightly
codegen_flags: <defaults>
</compile_context>

<pallas_src>
import functools

import jax
import jax.numpy as jnp
from jax import lax
from jax.experimental import pallas as pl
from jax.experimental.pallas import tpu as pltpu
from jax.experimental.pallas import tpu_sc as plsc

NC = 2
NS = 16
CHUNK = 80


IRING = 8
RRING = 4
A_IDX = 5
A_GAT = 2


def _make_agg(N, D, E, gather=True):
    NW = NC * NS
    epw = E // NW
    nch = epw // CHUNK
    rpt = N // NS
    assert nch > IRING
    mesh = plsc.VectorSubcoreMesh(core_axis_name="c", subcore_axis_name="s",
                                  num_cores=NC, num_subcores=NS)
    nrows = RRING * CHUNK if gather else CHUNK
    wd = D if gather else 16

    cparams = None if gather else pltpu.CompilerParams(use_tc_tiling_on_sc=False)

    @functools.partial(
        pl.kernel,
        out_type=jax.ShapeDtypeStruct((NC, N, wd), jnp.float32),
        mesh=mesh,
        compiler_params=cparams,
        scratch_types=[
            pltpu.VMEM_SHARED((N, wd), jnp.float32),
            pltpu.VMEM((IRING, CHUNK), jnp.int32),
            pltpu.VMEM((IRING, CHUNK), jnp.int32),
            pltpu.VMEM((nrows, wd), jnp.float32),
            pltpu.SemaphoreType.DMA((IRING,)),
            pltpu.SemaphoreType.DMA((RRING,)),
            pltpu.SemaphoreType.DMA((RRING,)),
        ],
    )
    def agg(g_hbm, src_hbm, dst_hbm, zeros_hbm, out_hbm,
            acc_sh, src_i, dst_i, rows, isem, gsem, ssem):
        cid = lax.axis_index("c")
        sid = lax.axis_index("s")
        wid = cid * NS + sid
        row0 = sid * rpt

        @pl.when(cid == 0)
        def _():
            pltpu.sync_copy(g_hbm.at[pl.ds(row0, rpt)], acc_sh.at[pl.ds(row0, rpt)])

        @pl.when(cid != 0)
        def _():
            pltpu.sync_copy(zeros_hbm, acc_sh.at[pl.ds(row0, rpt)])

        ebase = wid * epw

        def echunk(j):
            return pl.ds(pl.multiple_of(ebase + j * CHUNK, 8), CHUNK)

        def idx_start(j):
            s = lax.rem(j, IRING)
            if gather:
                pltpu.async_copy(src_hbm.at[echunk(j)], src_i.at[s], isem.at[s])
            pltpu.async_copy(dst_hbm.at[echunk(j)], dst_i.at[s], isem.at[s])

        def idx_wait(j):
            s = lax.rem(j, IRING)
            if gather:
                pltpu.make_async_copy(
                    src_hbm.at[echunk(j)], src_i.at[s], isem.at[s]).wait()
            pltpu.make_async_copy(
                dst_hbm.at[echunk(j)], dst_i.at[s], isem.at[s]).wait()

        def rows_at(j):
            if not gather:
                return rows
            return rows.at[pl.ds(lax.rem(j, RRING) * CHUNK, CHUNK)]

        def gather_start(j):
            s = lax.rem(j, IRING)
            pltpu.async_copy(g_hbm.at[src_i.at[s]], rows_at(j),
                             gsem.at[lax.rem(j, RRING)])

        def gather_wait(j):
            s = lax.rem(j, IRING)
            pltpu.make_async_copy(g_hbm.at[src_i.at[s]], rows_at(j),
                                  gsem.at[lax.rem(j, RRING)]).wait()

        def scatter_start(j):
            pltpu.async_copy(rows_at(j), acc_sh.at[dst_i.at[lax.rem(j, IRING)]],
                             ssem.at[lax.rem(j, RRING)], add=True)

        def scatter_wait(j):
            pltpu.make_async_copy(rows_at(j),
                                  acc_sh.at[dst_i.at[lax.rem(j, IRING)]],
                                  ssem.at[lax.rem(j, RRING)]).wait()

        if not gather:
            pltpu.sync_copy(g_hbm.at[pl.ds(0, CHUNK)], rows)
        plsc.subcore_barrier()

        for k in range(A_IDX):
            idx_start(k)
        if gather:
            for k in range(A_GAT):
                idx_wait(k)
                gather_start(k)

        def body(i, carry):
            if gather:
                gather_wait(i)
            else:
                idx_wait(i)

                @pl.when(i >= RRING)
                def _():
                    scatter_wait(i - RRING)

            scatter_start(i)
            j2 = i + A_IDX

            @pl.when(j2 < nch)
            def _():
                idx_start(j2)

            if gather:
                j = i + A_GAT

                @pl.when(j < nch)
                def _():
                    @pl.when(j >= RRING)
                    def _():
                        scatter_wait(j - RRING)
                    idx_wait(j)
                    gather_start(j)
            return carry

        lax.fori_loop(0, nch, body, 0)
        for t in range(RRING):
            scatter_wait(nch - RRING + t)
        plsc.subcore_barrier()
        pltpu.sync_copy(acc_sh.at[pl.ds(row0, rpt)], out_hbm.at[cid, pl.ds(row0, rpt)])

    return agg


def _dis(dref):
    return lax.rsqrt(dref[0][:, 0:1] + dref[1][:, 0:1])


def _scale_mm_body(dref, x, w, o):
    dis = _dis(dref)
    o[...] = jnp.dot(x[...], w[...], preferred_element_type=jnp.float32) * dis


def _mid_body(dref, aref, b, w, o):
    dis = _dis(dref)
    h = jax.nn.relu(dis * (aref[0] + aref[1]) + b[...])
    o[...] = jnp.dot(h, w[...], preferred_element_type=jnp.float32) * dis


def _fin_body(dref, aref, b, o):
    dis = _dis(dref)
    o[...] = jax.nn.relu(dis * (aref[0] + aref[1]) + b[...])


def kernel(x, edge_index, W1, b1, W2, b2):
    N, D = x.shape
    E = edge_index.shape[1]
    src = edge_index[0].astype(jnp.int32)
    dst = edge_index[1].astype(jnp.int32)

    NP = ((N + 127) // 128) * 128
    x = jnp.pad(x, ((0, NP - N), (0, 0)))

    zeros_nd = jnp.zeros((NP // NS, D), jnp.float32)

    agg = _make_agg(NP, D, E)

    degp = _make_agg(NP, D, E, gather=False)(
        jnp.ones((NP, 16), jnp.float32), src, dst,
        jnp.zeros((NP // NS, 16), jnp.float32))

    BR = NP // 16
    grid = (NP // BR,)
    dspec = pl.BlockSpec((2, BR, 16), lambda i: (0, i, 0))
    aspec = pl.BlockSpec((2, BR, D), lambda i: (0, i, 0))
    mat = pl.BlockSpec((BR, D), lambda i: (i, 0))
    wspec = pl.BlockSpec((D, D), lambda i: (0, 0))
    bspec = pl.BlockSpec((1, D), lambda i: (0, 0))
    out_nd = jax.ShapeDtypeStruct((NP, D), jnp.float32)

    g1 = pl.pallas_call(
        _scale_mm_body, grid=grid,
        in_specs=[dspec, mat, wspec], out_specs=mat, out_shape=out_nd,
    )(degp, x, W1)

    acc = agg(g1, src, dst, zeros_nd)

    g2 = pl.pallas_call(
        _mid_body, grid=grid,
        in_specs=[dspec, aspec, bspec, wspec], out_specs=mat,
        out_shape=out_nd,
    )(degp, acc, b1.reshape(1, D), W2)

    acc2 = agg(g2, src, dst, zeros_nd)

    out = pl.pallas_call(
        _fin_body, grid=grid,
        in_specs=[dspec, aspec, bspec], out_specs=mat,
        out_shape=jax.ShapeDtypeStruct((N, D), jnp.float32),
    )(degp, acc2, b2.reshape(1, D))
    return out

# --- scband reference (transcript-rebuilt; emitter-appended) ---
"""Pipeline reference for scband-gnn-75093208203518 (READ-ONLY COPY).

The authoritative reference and input builder live on the scoring server;
editing this copy changes nothing except your own understanding.
"""

import jax, jax.numpy as jnp
import numpy as np

N_NODES = 10000
D = 128
N_EDGES = 320000

def _gcn_layer(x, src, dst, W, b):
    N = x.shape[0]
    # add self loops (as in torch_geometric GCNConv default)
    loop = jnp.arange(N, dtype=src.dtype)
    s = jnp.concatenate([src, loop])
    d = jnp.concatenate([dst, loop])
    # symmetric normalization D^{-1/2} A D^{-1/2}
    ones = jnp.ones(s.shape[0], dtype=x.dtype)
    deg = jax.ops.segment_sum(ones, d, num_segments=N)
    deg_inv_sqrt = jnp.where(deg > 0, 1.0 / jnp.sqrt(deg), 0.0)
    norm = deg_inv_sqrt[s] * deg_inv_sqrt[d]
    h = x @ W
    msgs = jnp.take(h, s, axis=0) * norm[:, None]
    out = jax.ops.segment_sum(msgs, d, num_segments=N)
    return out + b

def setup_inputs(seed: int = 0) -> dict:
    key = jax.random.key(seed)
    k1, k2, k3, k4, k5, k6 = jax.random.split(key, 6)
    x = jax.random.normal(k1, (N_NODES, D), dtype=jnp.float32)
    edge_index = jax.random.randint(k2, (2, N_EDGES), 0, N_NODES, dtype=jnp.int64)
    # glorot-style init for GCN weights
    scale = 1.0 / np.sqrt(D)
    W1 = jax.random.normal(k3, (D, D), dtype=jnp.float32) * scale
    b1 = jnp.zeros((D,), dtype=jnp.float32)
    W2 = jax.random.normal(k4, (D, D), dtype=jnp.float32) * scale
    b2 = jnp.zeros((D,), dtype=jnp.float32)
    return {"x": x, "edge_index": edge_index, "W1": W1, "b1": b1, "W2": W2, "b2": b2}

def reference(x, edge_index, W1, b1, W2, b2):
    src = edge_index[0]
    dst = edge_index[1]
    # layer 1: Dropout(Relu(GC(x))) with dropout p=0.0 (identity)
    h = _gcn_layer(x, src, dst, W1, b1)
    h = jax.nn.relu(h)
    # layer 2
    h = _gcn_layer(h, src, dst, W2, b2)
    h = jax.nn.relu(h)
    return h

if __name__ == "__main__":
    import jax
    _d = setup_inputs()
    print(jax.jit(kernel)(*tuple(_d.values())))

</pallas_src>

<mosaic_0001>
#map = affine_map<(d0, d1) -> (0, 0)>
#map1 = affine_map<(d0, d1) -> (0)>
#map2 = affine_map<(d0, d1) -> (0, 0, 0)>
module attributes {stable_mosaic.version = 14 : i64} {
  func.func @agg(%arg0: i32, %arg1: i32, %arg2: memref<10112x128xf32, #tpu.memory_space<hbm>>, %arg3: memref<320000xi32, #tpu.memory_space<hbm>>, %arg4: memref<320000xi32, #tpu.memory_space<hbm>>, %arg5: memref<632x128xf32, #tpu.memory_space<hbm>>, %arg6: memref<2x10112x128xf32, #tpu.memory_space<hbm>>, %arg7: memref<10112x128xf32, #tpu.memory_space<vmem_shared>>, %arg8: memref<8x80xi32, #tpu.memory_space<vmem>>, %arg9: memref<8x80xi32, #tpu.memory_space<vmem>>, %arg10: memref<320x128xf32, #tpu.memory_space<vmem>>, %arg11: memref<8x!tpu.dma_semaphore, #tpu.memory_space<semaphore_mem>>, %arg12: memref<4x!tpu.dma_semaphore, #tpu.memory_space<semaphore_mem>>, %arg13: memref<4x!tpu.dma_semaphore, #tpu.memory_space<semaphore_mem>>) attributes {dimension_semantics = [#tpu.dimension_semantics<core_parallel>, #tpu.dimension_semantics<subcore_parallel>], iteration_bounds = array<i64: 2, 16>, scalar_prefetch = 0 : i64, scratch_operands = 7 : i64, tpu.core_type = #tpu.core_type<sc_vector_subcore>, window_params = [{transform_indices = #map}, {transform_indices = #map1}, {transform_indices = #map1}, {transform_indices = #map}, {transform_indices = #map2}]} {
    %mul3A = arith.constant 16 : i32
    %mul3A_0 = arith.muli %arg0, %mul3A : i32
    %add3A = arith.addi %mul3A_0, %arg1 : i32
    %mul3A_1 = arith.constant 632 : i32
    %mul3A_2 = arith.muli %arg1, %mul3A_1 : i32
    %eq3A = arith.constant 0 : i32
    %eq3A_3 = arith.cmpi eq, %arg0, %eq3A : i32
    %convert_element_type3A = arith.extui %eq3A_3 : i1 to i32
    %cond3A = arith.constant 0 : i32
    %cond3A_4 = arith.cmpi ne, %convert_element_type3A, %cond3A : i32
    scf.if %cond3A_4 {
      "tpu.region"() ({
        %run_scoped3A = tpu.sem_alloc : memref<!tpu.dma_semaphore, #tpu.memory_space<semaphore_mem>>
        %dma_start3A_342 = arith.constant 0 : i32
        %dma_start3A_343 = tpu.memref_slice %arg7[%mul3A_2, %dma_start3A_342] : memref<10112x128xf32, #tpu.memory_space<vmem_shared>> -> memref<632x128xf32, #tpu.memory_space<vmem_shared>>
        %dma_start3A_344 = arith.constant 0 : i32
        %dma_start3A_345 = tpu.memref_slice %arg2[%mul3A_2, %dma_start3A_344] : memref<10112x128xf32, #tpu.memory_space<hbm>> -> memref<632x128xf32, #tpu.memory_space<hbm>>
        tpu.enqueue_dma source(%dma_start3A_345 : memref<632x128xf32, #tpu.memory_space<hbm>>) target(%dma_start3A_343 : memref<632x128xf32, #tpu.memory_space<vmem_shared>>) target_semaphore(%run_scoped3A : memref<!tpu.dma_semaphore, #tpu.memory_space<semaphore_mem>>)
        %dma_wait3A_346 = arith.constant 0 : i32
        %dma_wait3A_347 = tpu.memref_slice %arg7[%mul3A_2, %dma_wait3A_346] : memref<10112x128xf32, #tpu.memory_space<vmem_shared>> -> memref<632x128xf32, #tpu.memory_space<vmem_shared>>
        %dma_wait3A_348 = arith.constant 0 : i32
        %dma_wait3A_349 = tpu.memref_slice %arg2[%mul3A_2, %dma_wait3A_348] : memref<10112x128xf32, #tpu.memory_space<hbm>> -> memref<632x128xf32, #tpu.memory_space<hbm>>
        tpu.wait_dma2 semaphore(%run_scoped3A : memref<!tpu.dma_semaphore, #tpu.memory_space<semaphore_mem>>) src(%dma_wait3A_349 : memref<632x128xf32, #tpu.memory_space<hbm>>) dst(%dma_wait3A_347 : memref<632x128xf32, #tpu.memory_space<vmem_shared>>)
        tpu.yield
      }) : () -> ()
    } else {
    }
    %ne3A = arith.constant 0 : i32
    %ne3A_5 = arith.cmpi ne, %arg0, %ne3A : i32
    %convert_element_type3A_6 = arith.extui %ne3A_5 : i1 to i32
    %cond3A_7 = arith.constant 0 : i32
    %cond3A_8 = arith.cmpi ne, %convert_element_type3A_6, %cond3A_7 : i32
    scf.if %cond3A_8 {
      "tpu.region"() ({
        %run_scoped3A = tpu.sem_alloc : memref<!tpu.dma_semaphore, #tpu.memory_space<semaphore_mem>>
        %dma_start3A_342 = arith.constant 0 : i32
        %dma_start3A_343 = tpu.memref_slice %arg7[%mul3A_2, %dma_start3A_342] : memref<10112x128xf32, #tpu.memory_space<vmem_shared>> -> memref<632x128xf32, #tpu.memory_space<vmem_shared>>
        tpu.enqueue_dma source(%arg5 : memref<632x128xf32, #tpu.memory_space<hbm>>) target(%dma_start3A_343 : memref<632x128xf32, #tpu.memory_space<vmem_shared>>) target_semaphore(%run_scoped3A : memref<!tpu.dma_semaphore, #tpu.memory_space<semaphore_mem>>)
        %dma_wait3A_344 = arith.constant 0 : i32
        %dma_wait3A_345 = tpu.memref_slice %arg7[%mul3A_2, %dma_wait3A_344] : memref<10112x128xf32, #tpu.memory_space<vmem_shared>> -> memref<632x128xf32, #tpu.memory_space<vmem_shared>>
        tpu.wait_dma2 semaphore(%run_scoped3A : memref<!tpu.dma_semaphore, #tpu.memory_space<semaphore_mem>>) src(%arg5 : memref<632x128xf32, #tpu.memory_space<hbm>>) dst(%dma_wait3A_345 : memref<632x128xf32, #tpu.memory_space<vmem_shared>>)
        tpu.yield
      }) : () -> ()
    } else {
    }
    %mul3A_9 = arith.constant 10000 : i32
    %mul3A_10 = arith.muli %add3A, %mul3A_9 : i32
    %barrier3A = arith.constant 0 : index
    tpu.barrier barrier_id(%barrier3A)
    %rem3A = arith.constant 0 : i32
    %rem3A_11 = arith.constant 8 : i32
    %rem3A_12 = arith.remsi %rem3A, %rem3A_11 : i32
    %add3A_13 = arith.constant 0 : i32
    %add3A_14 = arith.addi %mul3A_10, %add3A_13 : i32
    %multiple_of3A = tpu.assume_multiple %add3A_14, 8 : i32
    %dma_start3A = arith.constant 0 : i32
    %dma_start3A_15 = tpu.memref_slice %arg8[%rem3A_12, %dma_start3A] : memref<8x80xi32, #tpu.memory_space<vmem>> -> memref<1x80xi32, #tpu.memory_space<vmem>>
    %dma_start3A_16 = tpu.memref_squeeze %dma_start3A_15 : memref<1x80xi32, #tpu.memory_space<vmem>> -> memref<80xi32, #tpu.memory_space<vmem>>
    %dma_start3A_17 = tpu.memref_slice %arg3[%multiple_of3A] : memref<320000xi32, #tpu.memory_space<hbm>> -> memref<80xi32, #tpu.memory_space<hbm>>
    %dma_start3A_18 = tpu.memref_slice %arg11[%rem3A_12] : memref<8x!tpu.dma_semaphore, #tpu.memory_space<semaphore_mem>> -> memref<1x!tpu.dma_semaphore, #tpu.memory_space<semaphore_mem>>
    %dma_start3A_19 = tpu.memref_squeeze %dma_start3A_18 : memref<1x!tpu.dma_semaphore, #tpu.memory_space<semaphore_mem>> -> memref<!tpu.dma_semaphore, #tpu.memory_space<semaphore_mem>>
    %dma_start3A_20 = arith.constant 0 : i32
    %dma_start3A_21 = tpu.memref_slice %arg8[%rem3A_12, %dma_start3A_20] : memref<8x80xi32, #tpu.memory_space<vmem>> -> memref<1x80xi32, #tpu.memory_space<vmem>>
    %dma_start3A_22 = tpu.memref_squeeze %dma_start3A_21 : memref<1x80xi32, #tpu.memory_space<vmem>> -> memref<80xi32, #tpu.memory_space<vmem>>
    %dma_start3A_23 = tpu.memref_slice %arg3[%multiple_of3A] : memref<320000xi32, #tpu.memory_space<hbm>> -> memref<80xi32, #tpu.memory_space<hbm>>
    tpu.enqueue_dma source(%dma_start3A_23 : memref<80xi32, #tpu.memory_space<hbm>>) target(%dma_start3A_22 : memref<80xi32, #tpu.memory_space<vmem>>) target_semaphore(%dma_start3A_19 : memref<!tpu.dma_semaphore, #tpu.memory_space<semaphore_mem>>)
    %add3A_24 = arith.constant 0 : i32
    %add3A_25 = arith.addi %mul3A_10, %add3A_24 : i32
    %multiple_of3A_26 = tpu.assume_multiple %add3A_25, 8 : i32
    %dma_start3A_27 = arith.constant 0 : i32
    %dma_start3A_28 = tpu.memref_slice %arg9[%rem3A_12, %dma_start3A_27] : memref<8x80xi32, #tpu.memory_space<vmem>> -> memref<1x80xi32, #tpu.memory_space<vmem>>
    %dma_start3A_29 = tpu.memref_squeeze %dma_start3A_28 : memref<1x80xi32, #tpu.memory_space<vmem>> -> memref<80xi32, #tpu.memory_space<vmem>>
    %dma_start3A_30 = tpu.memref_slice %arg4[%multiple_of3A_26] : memref<320000xi32, #tpu.memory_space<hbm>> -> memref<80xi32, #tpu.memory_space<hbm>>
    %dma_start3A_31 = tpu.memref_slice %arg11[%rem3A_12] : memref<8x!tpu.dma_semaphore, #tpu.memory_space<semaphore_mem>> -> memref<1x!tpu.dma_semaphore, #tpu.memory_space<semaphore_mem>>
    %dma_start3A_32 = tpu.memref_squeeze %dma_start3A_31 : memref<1x!tpu.dma_semaphore, #tpu.memory_space<semaphore_mem>> -> memref<!tpu.dma_semaphore, #tpu.memory_space<semaphore_mem>>
    %dma_start3A_33 = arith.constant 0 : i32
    %dma_start3A_34 = tpu.memref_slice %arg9[%rem3A_12, %dma_start3A_33] : memref<8x80xi32, #tpu.memory_space<vmem>> -> memref<1x80xi32, #tpu.memory_space<vmem>>
    %dma_start3A_35 = tpu.memref_squeeze %dma_start3A_34 : memref<1x80xi32, #tpu.memory_space<vmem>> -> memref<80xi32, #tpu.memory_space<vmem>>
    %dma_start3A_36 = tpu.memref_slice %arg4[%multiple_of3A_26] : memref<320000xi32, #tpu.memory_space<hbm>> -> memref<80xi32, #tpu.memory_space<hbm>>
    tpu.enqueue_dma source(%dma_start3A_36 : memref<80xi32, #tpu.memory_space<hbm>>) target(%dma_start3A_35 : memref<80xi32, #tpu.memory_space<vmem>>) target_semaphore(%dma_start3A_32 : memref<!tpu.dma_semaphore, #tpu.memory_space<semaphore_mem>>)
    %rem3A_37 = arith.constant 1 : i32
    %rem3A_38 = arith.constant 8 : i32
    %rem3A_39 = arith.remsi %rem3A_37, %rem3A_38 : i32
    %add3A_40 = arith.constant 80 : i32
    %add3A_41 = arith.addi %mul3A_10, %add3A_40 : i32
    %multiple_of3A_42 = tpu.assume_multiple %add3A_41, 8 : i32
    %dma_start3A_43 = arith.constant 0 : i32
    %dma_start3A_44 = tpu.memref_slice %arg8[%rem3A_39, %dma_start3A_43] : memref<8x80xi32, #tpu.memory_space<vmem>> -> memref<1x80xi32, #tpu.memory_space<vmem>>
    %dma_start3A_45 = tpu.memref_squeeze %dma_start3A_44 : memref<1x80xi32, #tpu.memory_space<vmem>> -> memref<80xi32, #tpu.memory_space<vmem>>
    %dma_start3A_46 = tpu.memref_slice %arg3[%multiple_of3A_42] : memref<320000xi32, #tpu.memory_space<hbm>> -> memref<80xi32, #tpu.memory_space<hbm>>
    %dma_start3A_47 = tpu.memref_slice %arg11[%rem3A_39] : memref<8x!tpu.dma_semaphore, #tpu.memory_space<semaphore_mem>> -> memref<1x!tpu.dma_semaphore, #tpu.memory_space<semaphore_mem>>
    %dma_start3A_48 = tpu.memref_squeeze %dma_start3A_47 : memref<1x!tpu.dma_semaphore, #tpu.memory_space<semaphore_mem>> -> memref<!tpu.dma_semaphore, #tpu.memory_space<semaphore_mem>>
    %dma_start3A_49 = arith.constant 0 : i32
    %dma_start3A_50 = tpu.memref_slice %arg8[%rem3A_39, %dma_start3A_49] : memref<8x80xi32, #tpu.memory_space<vmem>> -> memref<1x80xi32, #tpu.memory_space<vmem>>
    %dma_start3A_51 = tpu.memref_squeeze %dma_start3A_50 : memref<1x80xi32, #tpu.memory_space<vmem>> -> memref<80xi32, #tpu.memory_space<vmem>>
    %dma_start3A_52 = tpu.memref_slice %arg3[%multiple_of3A_42] : memref<320000xi32, #tpu.memory_space<hbm>> -> memref<80xi32, #tpu.memory_space<hbm>>
    tpu.enqueue_dma source(%dma_start3A_52 : memref<80xi32, #tpu.memory_space<hbm>>) target(%dma_start3A_51 : memref<80xi32, #tpu.memory_space<vmem>>) target_semaphore(%dma_start3A_48 : memref<!tpu.dma_semaphore, #tpu.memory_space<semaphore_mem>>)
    %add3A_53 = arith.constant 80 : i32
    %add3A_54 = arith.addi %mul3A_10, %add3A_53 : i32
    %multiple_of3A_55 = tpu.assume_multiple %add3A_54, 8 : i32
    %dma_start3A_56 = arith.constant 0 : i32
    %dma_start3A_57 = tpu.memref_slice %arg9[%rem3A_39, %dma_start3A_56] : memref<8x80xi32, #tpu.memory_space<vmem>> -> memref<1x80xi32, #tpu.memory_space<vmem>>
    %dma_start3A_58 = tpu.memref_squeeze %dma_start3A_57 : memref<1x80xi32, #tpu.memory_space<vmem>> -> memref<80xi32, #tpu.memory_space<vmem>>
    %dma_start3A_59 = tpu.memref_slice %arg4[%multiple_of3A_55] : memref<320000xi32, #tpu.memory_space<hbm>> -> memref<80xi32, #tpu.memory_space<hbm>>
    %dma_start3A_60 = tpu.memref_slice %arg11[%rem3A_39] : memref<8x!tpu.dma_semaphore, #tpu.memory_space<semaphore_mem>> -> memref<1x!tpu.dma_semaphore, #tpu.memory_space<semaphore_mem>>
    %dma_start3A_61 = tpu.memref_squeeze %dma_start3A_60 : memref<1x!tpu.dma_semaphore, #tpu.memory_space<semaphore_mem>> -> memref<!tpu.dma_semaphore, #tpu.memory_space<semaphore_mem>>
    %dma_start3A_62 = arith.constant 0 : i32
    %dma_start3A_63 = tpu.memref_slice %arg9[%rem3A_39, %dma_start3A_62] : memref<8x80xi32, #tpu.memory_space<vmem>> -> memref<1x80xi32, #tpu.memory_space<vmem>>
    %dma_start3A_64 = tpu.memref_squeeze %dma_start3A_63 : memref<1x80xi32, #tpu.memory_space<vmem>> -> memref<80xi32, #tpu.memory_space<vmem>>
    %dma_start3A_65 = tpu.memref_slice %arg4[%multiple_of3A_55] : memref<320000xi32, #tpu.memory_space<hbm>> -> memref<80xi32, #tpu.memory_space<hbm>>
    tpu.enqueue_dma source(%dma_start3A_65 : memref<80xi32, #tpu.memory_space<hbm>>) target(%dma_start3A_64 : memref<80xi32, #tpu.memory_space<vmem>>) target_semaphore(%dma_start3A_61 : memref<!tpu.dma_semaphore, #tpu.memory_space<semaphore_mem>>)
    %rem3A_66 = arith.constant 2 : i32
    %rem3A_67 = arith.constant 8 : i32
    %rem3A_68 = arith.remsi %rem3A_66, %rem3A_67 : i32
    %add3A_69 = arith.constant 160 : i32
    %add3A_70 = arith.addi %mul3A_10, %add3A_69 : i32
    %multiple_of3A_71 = tpu.assume_multiple %add3A_70, 8 : i32
    %dma_start3A_72 = arith.constant 0 : i32
    %dma_start3A_73 = tpu.memref_slice %arg8[%rem3A_68, %dma_start3A_72] : memref<8x80xi32, #tpu.memory_space<vmem>> -> memref<1x80xi32, #tpu.memory_space<vmem>>
    %dma_start3A_74 = tpu.memref_squeeze %dma_start3A_73 : memref<1x80xi32, #tpu.memory_space<vmem>> -> memref<80xi32, #tpu.memory_space<vmem>>
    %dma_start3A_75 = tpu.memref_slice %arg3[%multiple_of3A_71] : memref<320000xi32, #tpu.memory_space<hbm>> -> memref<80xi32, #tpu.memory_space<hbm>>
    %dma_start3A_76 = tpu.memref_slice %arg11[%rem3A_68] : memref<8x!tpu.dma_semaphore, #tpu.memory_space<semaphore_mem>> -> memref<1x!tpu.dma_semaphore, #tpu.memory_space<semaphore_mem>>
    %dma_start3A_77 = tpu.memref_squeeze %dma_start3A_76 : memref<1x!tpu.dma_semaphore, #tpu.memory_space<semaphore_mem>> -> memref<!tpu.dma_semaphore, #tpu.memory_space<semaphore_mem>>
    %dma_start3A_78 = arith.constant 0 : i32
    %dma_start3A_79 = tpu.memref_slice %arg8[%rem3A_68, %dma_start3A_78] : memref<8x80xi32, #tpu.memory_space<vmem>> -> memref<1x80xi32, #tpu.memory_space<vmem>>
    %dma_start3A_80 = tpu.memref_squeeze %dma_start3A_79 : memref<1x80xi32, #tpu.memory_space<vmem>> -> memref<80xi32, #tpu.memory_space<vmem>>
    %dma_start3A_81 = tpu.memref_slice %arg3[%multiple_of3A_71] : memref<320000xi32, #tpu.memory_space<hbm>> -> memref<80xi32, #tpu.memory_space<hbm>>
    tpu.enqueue_dma source(%dma_start3A_81 : memref<80xi32, #tpu.memory_space<hbm>>) target(%dma_start3A_80 : memref<80xi32, #tpu.memory_space<vmem>>) target_semaphore(%dma_start3A_77 : memref<!tpu.dma_semaphore, #tpu.memory_space<semaphore_mem>>)
    %add3A_82 = arith.constant 160 : i32
    %add3A_83 = arith.addi %mul3A_10, %add3A_82 : i32
    %multiple_of3A_84 = tpu.assume_multiple %add3A_83, 8 : i32
    %dma_start3A_85 = arith.constant 0 : i32
    %dma_start3A_86 = tpu.memref_slice %arg9[%rem3A_68, %dma_start3A_85] : memref<8x80xi32, #tpu.memory_space<vmem>> -> memref<1x80xi32, #tpu.memory_space<vmem>>
    %dma_start3A_87 = tpu.memref_squeeze %dma_start3A_86 : memref<1x80xi32, #tpu.memory_space<vmem>> -> memref<80xi32, #tpu.memory_space<vmem>>
    %dma_start3A_88 = tpu.memref_slice %arg4[%multiple_of3A_84] : memref<320000xi32, #tpu.memory_space<hbm>> -> memref<80xi32, #tpu.memory_space<hbm>>
    %dma_start3A_89 = tpu.memref_slice %arg11[%rem3A_68] : memref<8x!tpu.dma_semaphore, #tpu.memory_space<semaphore_mem>> -> memref<1x!tpu.dma_semaphore, #tpu.memory_space<semaphore_mem>>
    %dma_start3A_90 = tpu.memref_squeeze %dma_start3A_89 : memref<1x!tpu.dma_semaphore, #tpu.memory_space<semaphore_mem>> -> memref<!tpu.dma_semaphore, #tpu.memory_space<semaphore_mem>>
    %dma_start3A_91 = arith.constant 0 : i32
    %dma_start3A_92 = tpu.memref_slice %arg9[%rem3A_68, %dma_start3A_91] : memref<8x80xi32, #tpu.memory_space<vmem>> -> memref<1x80xi32, #tpu.memory_space<vmem>>
    %dma_start3A_93 = tpu.memref_squeeze %dma_start3A_92 : memref<1x80xi32, #tpu.memory_space<vmem>> -> memref<80xi32, #tpu.memory_space<vmem>>
    %dma_start3A_94 = tpu.memref_slice %arg4[%multiple_of3A_84] : memref<320000xi32, #tpu.memory_space<hbm>> -> memref<80xi32, #tpu.memory_space<hbm>>
    tpu.enqueue_dma source(%dma_start3A_94 : memref<80xi32, #tpu.memory_space<hbm>>) target(%dma_start3A_93 : memref<80xi32, #tpu.memory_space<vmem>>) target_semaphore(%dma_start3A_90 : memref<!tpu.dma_semaphore, #tpu.memory_space<semaphore_mem>>)
    %rem3A_95 = arith.constant 3 : i32
    %rem3A_96 = arith.constant 8 : i32
    %rem3A_97 = arith.remsi %rem3A_95, %rem3A_96 : i32
    %add3A_98 = arith.constant 240 : i32
    %add3A_99 = arith.addi %mul3A_10, %add3A_98 : i32
    %multiple_of3A_100 = tpu.assume_multiple %add3A_99, 8 : i32
    %dma_start3A_101 = arith.constant 0 : i32
    %dma_start3A_102 = tpu.memref_slice %arg8[%rem3A_97, %dma_start3A_101] : memref<8x80xi32, #tpu.memory_space<vmem>> -> memref<1x80xi32, #tpu.memory_space<vmem>>
    %dma_start3A_103 = tpu.memref_squeeze %dma_start3A_102 : memref<1x80xi32, #tpu.memory_space<vmem>> -> memref<80xi32, #tpu.memory_space<vmem>>
    %dma_start3A_104 = tpu.memref_slice %arg3[%multiple_of3A_100] : memref<320000xi32, #tpu.memory_space<hbm>> -> memref<80xi32, #tpu.memory_space<hbm>>
    %dma_start3A_105 = tpu.memref_slice %arg11[%rem3A_97] : memref<8x!tpu.dma_semaphore, #tpu.memory_space<semaphore_mem>> -> memref<1x!tpu.dma_semaphore, #tpu.memory_space<semaphore_mem>>
    %dma_start3A_106 = tpu.memref_squeeze %dma_start3A_105 : memref<1x!tpu.dma_semaphore, #tpu.memory_space<semaphore_mem>> -> memref<!tpu.dma_semaphore, #tpu.memory_space<semaphore_mem>>
    %dma_start3A_107 = arith.constant 0 : i32
    %dma_start3A_108 = tpu.memref_slice %arg8[%rem3A_97, %dma_start3A_107] : memref<8x80xi32, #tpu.memory_space<vmem>> -> memref<1x80xi32, #tpu.memory_space<vmem>>
    %dma_start3A_109 = tpu.memref_squeeze %dma_start3A_108 : memref<1x80xi32, #tpu.memory_space<vmem>> -> memref<80xi32, #tpu.memory_space<vmem>>
    %dma_start3A_110 = tpu.memref_slice %arg3[%multiple_of3A_100] : memref<320000xi32, #tpu.memory_space<hbm>> -> memref<80xi32, #tpu.memory_space<hbm>>
    tpu.enqueue_dma source(%dma_start3A_110 : memref<80xi32, #tpu.memory_space<hbm>>) target(%dma_start3A_109 : memref<80xi32, #tpu.memory_space<vmem>>) target_semaphore(%dma_start3A_106 : memref<!tpu.dma_semaphore, #tpu.memory_space<semaphore_mem>>)
    %add3A_111 = arith.constant 240 : i32
    %add3A_112 = arith.addi %mul3A_10, %add3A_111 : i32
    %multiple_of3A_113 = tpu.assume_multiple %add3A_112, 8 : i32
    %dma_start3A_114 = arith.constant 0 : i32
    %dma_start3A_115 = tpu.memref_slice %arg9[%rem3A_97, %dma_start3A_114] : memref<8x80xi32, #tpu.memory_space<vmem>> -> memref<1x80xi32, #tpu.memory_space<vmem>>
    %dma_start3A_116 = tpu.memref_squeeze %dma_start3A_115 : memref<1x80xi32, #tpu.memory_space<vmem>> -> memref<80xi32, #tpu.memory_space<vmem>>
    %dma_start3A_117 = tpu.memref_slice %arg4[%multiple_of3A_113] : memref<320000xi32, #tpu.memory_space<hbm>> -> memref<80xi32, #tpu.memory_space<hbm>>
    %dma_start3A_118 = tpu.memref_slice %arg11[%rem3A_97] : memref<8x!tpu.dma_semaphore, #tpu.memory_space<semaphore_mem>> -> memref<1x!tpu.dma_semaphore, #tpu.memory_space<semaphore_mem>>
    %dma_start3A_119 = tpu.memref_squeeze %dma_start3A_118 : memref<1x!tpu.dma_semaphore, #tpu.memory_space<semaphore_mem>> -> memref<!tpu.dma_semaphore, #tpu.memory_space<semaphore_mem>>
    %dma_start3A_120 = arith.constant 0 : i32
    %dma_start3A_121 = tpu.memref_slice %arg9[%rem3A_97, %dma_start3A_120] : memref<8x80xi32, #tpu.memory_space<vmem>> -> memref<1x80xi32, #tpu.memory_space<vmem>>
    %dma_start3A_122 = tpu.memref_squeeze %dma_start3A_121 : memref<1x80xi32, #tpu.memory_space<vmem>> -> memref<80xi32, #tpu.memory_space<vmem>>
    %dma_start3A_123 = tpu.memref_slice %arg4[%multiple_of3A_113] : memref<320000xi32, #tpu.memory_space<hbm>> -> memref<80xi32, #tpu.memory_space<hbm>>
    tpu.enqueue_dma source(%dma_start3A_123 : memref<80xi32, #tpu.memory_space<hbm>>) target(%dma_start3A_122 : memref<80xi32, #tpu.memory_space<vmem>>) target_semaphore(%dma_start3A_119 : memref<!tpu.dma_semaphore, #tpu.memory_space<semaphore_mem>>)
    %rem3A_124 = arith.constant 4 : i32
    %rem3A_125 = arith.constant 8 : i32
    %rem3A_126 = arith.remsi %rem3A_124, %rem3A_125 : i32
    %add3A_127 = arith.constant 320 : i32
    %add3A_128 = arith.addi %mul3A_10, %add3A_127 : i32
    %multiple_of3A_129 = tpu.assume_multiple %add3A_128, 8 : i32
    %dma_start3A_130 = arith.constant 0 : i32
    %dma_start3A_131 = tpu.memref_slice %arg8[%rem3A_126, %dma_start3A_130] : memref<8x80xi32, #tpu.memory_space<vmem>> -> memref<1x80xi32, #tpu.memory_space<vmem>>
    %dma_start3A_132 = tpu.memref_squeeze %dma_start3A_131 : memref<1x80xi32, #tpu.memory_space<vmem>> -> memref<80xi32, #tpu.memory_space<vmem>>
    %dma_start3A_133 = tpu.memref_slice %arg3[%multiple_of3A_129] : memref<320000xi32, #tpu.memory_space<hbm>> -> memref<80xi32, #tpu.memory_space<hbm>>
    %dma_start3A_134 = tpu.memref_slice %arg11[%rem3A_126] : memref<8x!tpu.dma_semaphore, #tpu.memory_space<semaphore_mem>> -> memref<1x!tpu.dma_semaphore, #tpu.memory_space<semaphore_mem>>
    %dma_start3A_135 = tpu.memref_squeeze %dma_start3A_134 : memref<1x!tpu.dma_semaphore, #tpu.memory_space<semaphore_mem>> -> memref<!tpu.dma_semaphore, #tpu.memory_space<semaphore_mem>>
    %dma_start3A_136 = arith.constant 0 : i32
    %dma_start3A_137 = tpu.memref_slice %arg8[%rem3A_126, %dma_start3A_136] : memref<8x80xi32, #tpu.memory_space<vmem>> -> memref<1x80xi32, #tpu.memory_space<vmem>>
    %dma_start3A_138 = tpu.memref_squeeze %dma_start3A_137 : memref<1x80xi32, #tpu.memory_space<vmem>> -> memref<80xi32, #tpu.memory_space<vmem>>
    %dma_start3A_139 = tpu.memref_slice %arg3[%multiple_of3A_129] : memref<320000xi32, #tpu.memory_space<hbm>> -> memref<80xi32, #tpu.memory_space<hbm>>
    tpu.enqueue_dma source(%dma_start3A_139 : memref<80xi32, #tpu.memory_space<hbm>>) target(%dma_start3A_138 : memref<80xi32, #tpu.memory_space<vmem>>) target_semaphore(%dma_start3A_135 : memref<!tpu.dma_semaphore, #tpu.memory_space<semaphore_mem>>)
    %add3A_140 = arith.constant 320 : i32
    %add3A_141 = arith.addi %mul3A_10, %add3A_140 : i32
    %multiple_of3A_142 = tpu.assume_multiple %add3A_141, 8 : i32
    %dma_start3A_143 = arith.constant 0 : i32
    %dma_start3A_144 = tpu.memref_slice %arg9[%rem3A_126, %dma_start3A_143] : memref<8x80xi32, #tpu.memory_space<vmem>> -> memref<1x80xi32, #tpu.memory_space<vmem>>
    %dma_start3A_145 = tpu.memref_squeeze %dma_start3A_144 : memref<1x80xi32, #tpu.memory_space<vmem>> -> memref<80xi32, #tpu.memory_space<vmem>>
    %dma_start3A_146 = tpu.memref_slice %arg4[%multiple_of3A_142] : memref<320000xi32, #tpu.memory_space<hbm>> -> memref<80xi32, #tpu.memory_space<hbm>>
    %dma_start3A_147 = tpu.memref_slice %arg11[%rem3A_126] : memref<8x!tpu.dma_semaphore, #tpu.memory_space<semaphore_mem>> -> memref<1x!tpu.dma_semaphore, #tpu.memory_space<semaphore_mem>>
    %dma_start3A_148 = tpu.memref_squeeze %dma_start3A_147 : memref<1x!tpu.dma_semaphore, #tpu.memory_space<semaphore_mem>> -> memref<!tpu.dma_semaphore, #tpu.memory_space<semaphore_mem>>
    %dma_start3A_149 = arith.constant 0 : i32
    %dma_start3A_150 = tpu.memref_slice %arg9[%rem3A_126, %dma_start3A_149] : memref<8x80xi32, #tpu.memory_space<vmem>> -> memref<1x80xi32, #tpu.memory_space<vmem>>
    %dma_start3A_151 = tpu.memref_squeeze %dma_start3A_150 : memref<1x80xi32, #tpu.memory_space<vmem>> -> memref<80xi32, #tpu.memory_space<vmem>>
    %dma_start3A_152 = tpu.memref_slice %arg4[%multiple_of3A_142] : memref<320000xi32, #tpu.memory_space<hbm>> -> memref<80xi32, #tpu.memory_space<hbm>>
    tpu.enqueue_dma source(%dma_start3A_152 : memref<80xi32, #tpu.memory_space<hbm>>) target(%dma_start3A_151 : memref<80xi32, #tpu.memory_space<vmem>>) target_semaphore(%dma_start3A_148 : memref<!tpu.dma_semaphore, #tpu.memory_space<semaphore_mem>>)
    %rem3A_153 = arith.constant 0 : i32
    %rem3A_154 = arith.constant 8 : i32
    %rem3A_155 = arith.remsi %rem3A_153, %rem3A_154 : i32
    %add3A_156 = arith.constant 0 : i32
    %add3A_157 = arith.addi %mul3A_10, %add3A_156 : i32
    %multiple_of3A_158 = tpu.assume_multiple %add3A_157, 8 : i32
    %dma_wait3A = arith.constant 0 : i32
    %dma_wait3A_159 = tpu.memref_slice %arg8[%rem3A_155, %dma_wait3A] : memref<8x80xi32, #tpu.memory_space<vmem>> -> memref<1x80xi32, #tpu.memory_space<vmem>>
    %dma_wait3A_160 = tpu.memref_squeeze %dma_wait3A_159 : memref<1x80xi32, #tpu.memory_space<vmem>> -> memref<80xi32, #tpu.memory_space<vmem>>
    %dma_wait3A_161 = tpu.memref_slice %arg3[%multiple_of3A_158] : memref<320000xi32, #tpu.memory_space<hbm>> -> memref<80xi32, #tpu.memory_space<hbm>>
    %dma_wait3A_162 = tpu.memref_slice %arg11[%rem3A_155] : memref<8x!tpu.dma_semaphore, #tpu.memory_space<semaphore_mem>> -> memref<1x!tpu.dma_semaphore, #tpu.memory_space<semaphore_mem>>
    %dma_wait3A_163 = tpu.memref_squeeze %dma_wait3A_162 : memref<1x!tpu.dma_semaphore, #tpu.memory_space<semaphore_mem>> -> memref<!tpu.dma_semaphore, #tpu.memory_space<semaphore_mem>>
    %dma_wait3A_164 = arith.constant 0 : i32
    %dma_wait3A_165 = tpu.memref_slice %arg8[%rem3A_155, %dma_wait3A_164] : memref<8x80xi32, #tpu.memory_space<vmem>> -> memref<1x80xi32, #tpu.memory_space<vmem>>
    %dma_wait3A_166 = tpu.memref_squeeze %dma_wait3A_165 : memref<1x80xi32, #tpu.memory_space<vmem>> -> memref<80xi32, #tpu.memory_space<vmem>>
    %dma_wait3A_167 = tpu.memref_slice %arg3[%multiple_of3A_158] : memref<320000xi32, #tpu.memory_space<hbm>> -> memref<80xi32, #tpu.memory_space<hbm>>
    tpu.wait_dma2 semaphore(%dma_wait3A_163 : memref<!tpu.dma_semaphore, #tpu.memory_space<semaphore_mem>>) src(%dma_wait3A_167 : memref<80xi32, #tpu.memory_space<hbm>>) dst(%dma_wait3A_166 : memref<80xi32, #tpu.memory_space<vmem>>)
    %add3A_168 = arith.constant 0 : i32
    %add3A_169 = arith.addi %mul3A_10, %add3A_168 : i32
    %multiple_of3A_170 = tpu.assume_multiple %add3A_169, 8 : i32
    %dma_wait3A_171 = arith.constant 0 : i32
    %dma_wait3A_172 = tpu.memref_slice %arg9[%rem3A_155, %dma_wait3A_171] : memref<8x80xi32, #tpu.memory_space<vmem>> -> memref<1x80xi32, #tpu.memory_space<vmem>>
    %dma_wait3A_173 = tpu.memref_squeeze %dma_wait3A_172 : memref<1x80xi32, #tpu.memory_space<vmem>> -> memref<80xi32, #tpu.memory_space<vmem>>
    %dma_wait3A_174 = tpu.memref_slice %arg4[%multiple_of3A_170] : memref<320000xi32, #tpu.memory_space<hbm>> -> memref<80xi32, #tpu.memory_space<hbm>>
    %dma_wait3A_175 = tpu.memref_slice %arg11[%rem3A_155] : memref<8x!tpu.dma_semaphore, #tpu.memory_space<semaphore_mem>> -> memref<1x!tpu.dma_semaphore, #tpu.memory_space<semaphore_mem>>
    %dma_wait3A_176 = tpu.memref_squeeze %dma_wait3A_175 : memref<1x!tpu.dma_semaphore, #tpu.memory_space<semaphore_mem>> -> memref<!tpu.dma_semaphore, #tpu.memory_space<semaphore_mem>>
    %dma_wait3A_177 = arith.constant 0 : i32
    %dma_wait3A_178 = tpu.memref_slice %arg9[%rem3A_155, %dma_wait3A_177] : memref<8x80xi32, #tpu.memory_space<vmem>> -> memref<1x80xi32, #tpu.memory_space<vmem>>
    %dma_wait3A_179 = tpu.memref_squeeze %dma_wait3A_178 : memref<1x80xi32, #tpu.memory_space<vmem>> -> memref<80xi32, #tpu.memory_space<vmem>>
    %dma_wait3A_180 = tpu.memref_slice %arg4[%multiple_of3A_170] : memref<320000xi32, #tpu.memory_space<hbm>> -> memref<80xi32, #tpu.memory_space<hbm>>
    tpu.wait_dma2 semaphore(%dma_wait3A_176 : memref<!tpu.dma_semaphore, #tpu.memory_space<semaphore_mem>>) src(%dma_wait3A_180 : memref<80xi32, #tpu.memory_space<hbm>>) dst(%dma_wait3A_179 : memref<80xi32, #tpu.memory_space<vmem>>)
    %rem3A_181 = arith.constant 0 : i32
    %rem3A_182 = arith.constant 8 : i32
    %rem3A_183 = arith.remsi %rem3A_181, %rem3A_182 : i32
    %rem3A_184 = arith.constant 0 : i32
    %rem3A_185 = arith.constant 4 : i32
    %rem3A_186 = arith.remsi %rem3A_184, %rem3A_185 : i32
    %mul3A_187 = arith.constant 80 : i32
    %mul3A_188 = arith.muli %rem3A_186, %mul3A_187 : i32
    %rem3A_189 = arith.constant 0 : i32
    %rem3A_190 = arith.constant 4 : i32
    %rem3A_191 = arith.remsi %rem3A_189, %rem3A_190 : i32
    %dma_start3A_192 = arith.constant 0 : i32
    %dma_start3A_193 = tpu.memref_slice %arg10[%mul3A_188, %dma_start3A_192] : memref<320x128xf32, #tpu.memory_space<vmem>> -> memref<80x128xf32, #tpu.memory_space<vmem>>
    %dma_start3A_194 = arith.constant 0 : i32
    %dma_start3A_195 = tpu.memref_slice %arg8[%rem3A_183, %dma_start3A_194] : memref<8x80xi32, #tpu.memory_space<vmem>> -> memref<1x80xi32, #tpu.memory_space<vmem>>
    %dma_start3A_196 = tpu.memref_squeeze %dma_start3A_195 : memref<1x80xi32, #tpu.memory_space<vmem>> -> memref<80xi32, #tpu.memory_space<vmem>>
    %dma_start3A_197 = arith.constant 0 : i32
    %dma_start3A_198 = arith.constant 0 : i32
    %dma_start3A_199 = tpu.memref_slice %arg2[%dma_start3A_197, %dma_start3A_198] : memref<10112x128xf32, #tpu.memory_space<hbm>> -> memref<10112x128xf32, #tpu.memory_space<hbm>>
    %dma_start3A_200 = tpu.memref_slice %arg12[%rem3A_191] : memref<4x!tpu.dma_semaphore, #tpu.memory_space<semaphore_mem>> -> memref<1x!tpu.dma_semaphore, #tpu.memory_space<semaphore_mem>>
    %dma_start3A_201 = tpu.memref_squeeze %dma_start3A_200 : memref<1x!tpu.dma_semaphore, #tpu.memory_space<semaphore_mem>> -> memref<!tpu.dma_semaphore, #tpu.memory_space<semaphore_mem>>
    tpu.enqueue_indirect_dma source(%dma_start3A_199 : memref<10112x128xf32, #tpu.memory_space<hbm>>) target(%dma_start3A_193 : memref<80x128xf32, #tpu.memory_space<vmem>>) offsets(%dma_start3A_196 : memref<80xi32, #tpu.memory_space<vmem>>) semaphore(%dma_start3A_201 : memref<!tpu.dma_semaphore, #tpu.memory_space<semaphore_mem>>)
    %rem3A_202 = arith.constant 1 : i32
    %rem3A_203 = arith.constant 8 : i32
    %rem3A_204 = arith.remsi %rem3A_202, %rem3A_203 : i32
    %add3A_205 = arith.constant 80 : i32
    %add3A_206 = arith.addi %mul3A_10, %add3A_205 : i32
    %multiple_of3A_207 = tpu.assume_multiple %add3A_206, 8 : i32
    %dma_wait3A_208 = arith.constant 0 : i32
    %dma_wait3A_209 = tpu.memref_slice %arg8[%rem3A_204, %dma_wait3A_208] : memref<8x80xi32, #tpu.memory_space<vmem>> -> memref<1x80xi32, #tpu.memory_space<vmem>>
    %dma_wait3A_210 = tpu.memref_squeeze %dma_wait3A_209 : memref<1x80xi32, #tpu.memory_space<vmem>> -> memref<80xi32, #tpu.memory_space<vmem>>
    %dma_wait3A_211 = tpu.memref_slice %arg3[%multiple_of3A_207] : memref<320000xi32, #tpu.memory_space<hbm>> -> memref<80xi32, #tpu.memory_space<hbm>>
    %dma_wait3A_212 = tpu.memref_slice %arg11[%rem3A_204] : memref<8x!tpu.dma_semaphore, #tpu.memory_space<semaphore_mem>> -> memref<1x!tpu.dma_semaphore, #tpu.memory_space<semaphore_mem>>
    %dma_wait3A_213 = tpu.memref_squeeze %dma_wait3A_212 : memref<1x!tpu.dma_semaphore, #tpu.memory_space<semaphore_mem>> -> memref<!tpu.dma_semaphore, #tpu.memory_space<semaphore_mem>>
    %dma_wait3A_214 = arith.constant 0 : i32
    %dma_wait3A_215 = tpu.memref_slice %arg8[%rem3A_204, %dma_wait3A_214] : memref<8x80xi32, #tpu.memory_space<vmem>> -> memref<1x80xi32, #tpu.memory_space<vmem>>
    %dma_wait3A_216 = tpu.memref_squeeze %dma_wait3A_215 : memref<1x80xi32, #tpu.memory_space<vmem>> -> memref<80xi32, #tpu.memory_space<vmem>>
    %dma_wait3A_217 = tpu.memref_slice %arg3[%multiple_of3A_207] : memref<320000xi32, #tpu.memory_space<hbm>> -> memref<80xi32, #tpu.memory_space<hbm>>
    tpu.wait_dma2 semaphore(%dma_wait3A_213 : memref<!tpu.dma_semaphore, #tpu.memory_space<semaphore_mem>>) src(%dma_wait3A_217 : memref<80xi32, #tpu.memory_space<hbm>>) dst(%dma_wait3A_216 : memref<80xi32, #tpu.memory_space<vmem>>)
    %add3A_218 = arith.constant 80 : i32
    %add3A_219 = arith.addi %mul3A_10, %add3A_218 : i32
    %multiple_of3A_220 = tpu.assume_multiple %add3A_219, 8 : i32
    %dma_wait3A_221 = arith.constant 0 : i32
    %dma_wait3A_222 = tpu.memref_slice %arg9[%rem3A_204, %dma_wait3A_221] : memref<8x80xi32, #tpu.memory_space<vmem>> -> memref<1x80xi32, #tpu.memory_space<vmem>>
    %dma_wait3A_223 = tpu.memref_squeeze %dma_wait3A_222 : memref<1x80xi32, #tpu.memory_space<vmem>> -> memref<80xi32, #tpu.memory_space<vmem>>
    %dma_wait3A_224 = tpu.memref_slice %arg4[%multiple_of3A_220] : memref<320000xi32, #tpu.memory_space<hbm>> -> memref<80xi32, #tpu.memory_space<hbm>>
    %dma_wait3A_225 = tpu.memref_slice %arg11[%rem3A_204] : memref<8x!tpu.dma_semaphore, #tpu.memory_space<semaphore_mem>> -> memref<1x!tpu.dma_semaphore, #tpu.memory_space<semaphore_mem>>
    %dma_wait3A_226 = tpu.memref_squeeze %dma_wait3A_225 : memref<1x!tpu.dma_semaphore, #tpu.memory_space<semaphore_mem>> -> memref<!tpu.dma_semaphore, #tpu.memory_space<semaphore_mem>>
    %dma_wait3A_227 = arith.constant 0 : i32
    %dma_wait3A_228 = tpu.memref_slice %arg9[%rem3A_204, %dma_wait3A_227] : memref<8x80xi32, #tpu.memory_space<vmem>> -> memref<1x80xi32, #tpu.memory_space<vmem>>
    %dma_wait3A_229 = tpu.memref_squeeze %dma_wait3A_228 : memref<1x80xi32, #tpu.memory_space<vmem>> -> memref<80xi32, #tpu.memory_space<vmem>>
    %dma_wait3A_230 = tpu.memref_slice %arg4[%multiple_of3A_220] : memref<320000xi32, #tpu.memory_space<hbm>> -> memref<80xi32, #tpu.memory_space<hbm>>
    tpu.wait_dma2 semaphore(%dma_wait3A_226 : memref<!tpu.dma_semaphore, #tpu.memory_space<semaphore_mem>>) src(%dma_wait3A_230 : memref<80xi32, #tpu.memory_space<hbm>>) dst(%dma_wait3A_229 : memref<80xi32, #tpu.memory_space<vmem>>)
    %rem3A_231 = arith.constant 1 : i32
    %rem3A_232 = arith.constant 8 : i32
    %rem3A_233 = arith.remsi %rem3A_231, %rem3A_232 : i32
    %rem3A_234 = arith.constant 1 : i32
    %rem3A_235 = arith.constant 4 : i32
    %rem3A_236 = arith.remsi %rem3A_234, %rem3A_235 : i32
    %mul3A_237 = arith.constant 80 : i32
    %mul3A_238 = arith.muli %rem3A_236, %mul3A_237 : i32
    %rem3A_239 = arith.constant 1 : i32
    %rem3A_240 = arith.constant 4 : i32
    %rem3A_241 = arith.remsi %rem3A_239, %rem3A_240 : i32
    %dma_start3A_242 = arith.constant 0 : i32
    %dma_start3A_243 = tpu.memref_slice %arg10[%mul3A_238, %dma_start3A_242] : memref<320x128xf32, #tpu.memory_space<vmem>> -> memref<80x128xf32, #tpu.memory_space<vmem>>
    %dma_start3A_244 = arith.constant 0 : i32
    %dma_start3A_245 = tpu.memref_slice %arg8[%rem3A_233, %dma_start3A_244] : memref<8x80xi32, #tpu.memory_space<vmem>> -> memref<1x80xi32, #tpu.memory_space<vmem>>
    %dma_start3A_246 = tpu.memref_squeeze %dma_start3A_245 : memref<1x80xi32, #tpu.memory_space<vmem>> -> memref<80xi32, #tpu.memory_space<vmem>>
    %dma_start3A_247 = arith.constant 0 : i32
    %dma_start3A_248 = arith.constant 0 : i32
    %dma_start3A_249 = tpu.memref_slice %arg2[%dma_start3A_247, %dma_start3A_248] : memref<10112x128xf32, #tpu.memory_space<hbm>> -> memref<10112x128xf32, #tpu.memory_space<hbm>>
    %dma_start3A_250 = tpu.memref_slice %arg12[%rem3A_241] : memref<4x!tpu.dma_semaphore, #tpu.memory_space<semaphore_mem>> -> memref<1x!tpu.dma_semaphore, #tpu.memory_space<semaphore_mem>>
    %dma_start3A_251 = tpu.memref_squeeze %dma_start3A_250 : memref<1x!tpu.dma_semaphore, #tpu.memory_space<semaphore_mem>> -> memref<!tpu.dma_semaphore, #tpu.memory_space<semaphore_mem>>
    tpu.enqueue_indirect_dma source(%dma_start3A_249 : memref<10112x128xf32, #tpu.memory_space<hbm>>) target(%dma_start3A_243 : memref<80x128xf32, #tpu.memory_space<vmem>>) offsets(%dma_start3A_246 : memref<80xi32, #tpu.memory_space<vmem>>) semaphore(%dma_start3A_251 : memref<!tpu.dma_semaphore, #tpu.memory_space<semaphore_mem>>)
    %scan3A = arith.constant 0 : i32
    %scan3A_252 = arith.constant 0 : i32
    %scan3A_253 = arith.constant 125 : i32
    %scan3A_254 = arith.addi %scan3A_252, %scan3A_253 : i32
    %scan3A_255 = arith.constant 1 : i32
    scf.for %scan3A_342 = %scan3A_252 to %scan3A_254 step %scan3A_255  : i32 {
      %rem3A_343 = arith.constant 8 : i32
      %rem3A_344 = arith.remsi %scan3A_342, %rem3A_343 : i32
      %rem3A_345 = arith.constant 4 : i32
      %rem3A_346 = arith.remsi %scan3A_342, %rem3A_345 : i32
      %mul3A_347 = arith.constant 80 : i32
      %mul3A_348 = arith.muli %rem3A_346, %mul3A_347 : i32
      %rem3A_349 = arith.constant 4 : i32
      %rem3A_350 = arith.remsi %scan3A_342, %rem3A_349 : i32
      %dma_wait3A_351 = arith.constant 0 : i32
      %dma_wait3A_352 = tpu.memref_slice %arg10[%mul3A_348, %dma_wait3A_351] : memref<320x128xf32, #tpu.memory_space<vmem>> -> memref<80x128xf32, #tpu.memory_space<vmem>>
      %dma_wait3A_353 = arith.constant 0 : i32
      %dma_wait3A_354 = tpu.memref_slice %arg8[%rem3A_344, %dma_wait3A_353] : memref<8x80xi32, #tpu.memory_space<vmem>> -> memref<1x80xi32, #tpu.memory_space<vmem>>
      %dma_wait3A_355 = tpu.memref_squeeze %dma_wait3A_354 : memref<1x80xi32, #tpu.memory_space<vmem>> -> memref<80xi32, #tpu.memory_space<vmem>>
      %dma_wait3A_356 = arith.constant 0 : i32
      %dma_wait3A_357 = arith.constant 0 : i32
      %dma_wait3A_358 = tpu.memref_slice %arg2[%dma_wait3A_356, %dma_wait3A_357] : memref<10112x128xf32, #tpu.memory_space<hbm>> -> memref<10112x128xf32, #tpu.memory_space<hbm>>
      %dma_wait3A_359 = tpu.memref_slice %arg12[%rem3A_350] : memref<4x!tpu.dma_semaphore, #tpu.memory_space<semaphore_mem>> -> memref<1x!tpu.dma_semaphore, #tpu.memory_space<semaphore_mem>>
      %dma_wait3A_360 = tpu.memref_squeeze %dma_wait3A_359 : memref<1x!tpu.dma_semaphore, #tpu.memory_space<semaphore_mem>> -> memref<!tpu.dma_semaphore, #tpu.memory_space<semaphore_mem>>
      tpu.wait_indirect_dma semaphore(%dma_wait3A_360 : memref<!tpu.dma_semaphore, #tpu.memory_space<semaphore_mem>>) src(%dma_wait3A_358 : memref<10112x128xf32, #tpu.memory_space<hbm>>) dst(%dma_wait3A_352 : memref<80x128xf32, #tpu.memory_space<vmem>>)
      %rem3A_361 = arith.constant 4 : i32
      %rem3A_362 = arith.remsi %scan3A_342, %rem3A_361 : i32
      %mul3A_363 = arith.constant 80 : i32
      %mul3A_364 = arith.muli %rem3A_362, %mul3A_363 : i32
      %rem3A_365 = arith.constant 8 : i32
      %rem3A_366 = arith.remsi %scan3A_342, %rem3A_365 : i32
      %rem3A_367 = arith.constant 4 : i32
      %rem3A_368 = arith.remsi %scan3A_342, %rem3A_367 : i32
      %dma_start3A_369 = arith.constant 0 : i32
      %dma_start3A_370 = tpu.memref_slice %arg10[%mul3A_364, %dma_start3A_369] : memref<320x128xf32, #tpu.memory_space<vmem>> -> memref<80x128xf32, #tpu.memory_space<vmem>>
      %dma_start3A_371 = arith.constant 0 : i32
      %dma_start3A_372 = tpu.memref_slice %arg9[%rem3A_366, %dma_start3A_371] : memref<8x80xi32, #tpu.memory_space<vmem>> -> memref<1x80xi32, #tpu.memory_space<vmem>>
      %dma_start3A_373 = tpu.memref_squeeze %dma_start3A_372 : memref<1x80xi32, #tpu.memory_space<vmem>> -> memref<80xi32, #tpu.memory_space<vmem>>
      %dma_start3A_374 = arith.constant 0 : i32
      %dma_start3A_375 = arith.constant 0 : i32
      %dma_start3A_376 = tpu.memref_slice %arg7[%dma_start3A_374, %dma_start3A_375] : memref<10112x128xf32, #tpu.memory_space<vmem_shared>> -> memref<10112x128xf32, #tpu.memory_space<vmem_shared>>
      %dma_start3A_377 = tpu.memref_slice %arg13[%rem3A_368] : memref<4x!tpu.dma_semaphore, #tpu.memory_space<semaphore_mem>> -> memref<1x!tpu.dma_semaphore, #tpu.memory_space<semaphore_mem>>
      %dma_start3A_378 = tpu.memref_squeeze %dma_start3A_377 : memref<1x!tpu.dma_semaphore, #tpu.memory_space<semaphore_mem>> -> memref<!tpu.dma_semaphore, #tpu.memory_space<semaphore_mem>>
      tpu.enqueue_indirect_dma source(%dma_start3A_370 : memref<80x128xf32, #tpu.memory_space<vmem>>) target(%dma_start3A_376 : memref<10112x128xf32, #tpu.memory_space<vmem_shared>>) offsets(%dma_start3A_373 : memref<80xi32, #tpu.memory_space<vmem>>) semaphore(%dma_start3A_378 : memref<!tpu.dma_semaphore, #tpu.memory_space<semaphore_mem>>) {add = true}
      %add3A_379 = arith.constant 5 : i32
      %add3A_380 = arith.addi %scan3A_342, %add3A_379 : i32
      %lt3A = arith.constant 125 : i32
      %lt3A_381 = arith.cmpi slt, %add3A_380, %lt3A : i32
      %convert_element_type3A_382 = arith.extui %lt3A_381 : i1 to i32
      %cond3A_383 = arith.constant 0 : i32
      %cond3A_384 = arith.cmpi ne, %convert_element_type3A_382, %cond3A_383 : i32
      scf.if %cond3A_384 {
        %rem3A_392 = arith.constant 8 : i32
        %rem3A_393 = arith.remsi %add3A_380, %rem3A_392 : i32
        %mul3A_394 = arith.constant 80 : i32
        %mul3A_395 = arith.muli %add3A_380, %mul3A_394 : i32
        %add3A_396 = arith.addi %mul3A_10, %mul3A_395 : i32
        %multiple_of3A_397 = tpu.assume_multiple %add3A_396, 8 : i32
        %dma_start3A_398 = arith.constant 0 : i32
        %dma_start3A_399 = tpu.memref_slice %arg8[%rem3A_393, %dma_start3A_398] : memref<8x80xi32, #tpu.memory_space<vmem>> -> memref<1x80xi32, #tpu.memory_space<vmem>>
        %dma_start3A_400 = tpu.memref_squeeze %dma_start3A_399 : memref<1x80xi32, #tpu.memory_space<vmem>> -> memref<80xi32, #tpu.memory_space<vmem>>
        %dma_start3A_401 = tpu.memref_slice %arg3[%multiple_of3A_397] : memref<320000xi32, #tpu.memory_space<hbm>> -> memref<80xi32, #tpu.memory_space<hbm>>
        %dma_start3A_402 = tpu.memref_slice %arg11[%rem3A_393] : memref<8x!tpu.dma_semaphore, #tpu.memory_space<semaphore_mem>> -> memref<1x!tpu.dma_semaphore, #tpu.memory_space<semaphore_mem>>
        %dma_start3A_403 = tpu.memref_squeeze %dma_start3A_402 : memref<1x!tpu.dma_semaphore, #tpu.memory_space<semaphore_mem>> -> memref<!tpu.dma_semaphore, #tpu.memory_space<semaphore_mem>>
        %dma_start3A_404 = arith.constant 0 : i32
        %dma_start3A_405 = tpu.memref_slice %arg8[%rem3A_393, %dma_start3A_404] : memref<8x80xi32, #tpu.memory_space<vmem>> -> memref<1x80xi32, #tpu.memory_space<vmem>>
        %dma_start3A_406 = tpu.memref_squeeze %dma_start3A_405 : memref<1x80xi32, #tpu.memory_space<vmem>> -> memref<80xi32, #tpu.memory_space<vmem>>
        %dma_start3A_407 = tpu.memref_slice %arg3[%multiple_of3A_397] : memref<320000xi32, #tpu.memory_space<hbm>> -> memref<80xi32, #tpu.memory_space<hbm>>
        tpu.enqueue_dma source(%dma_start3A_407 : memref<80xi32, #tpu.memory_space<hbm>>) target(%dma_start3A_406 : memref<80xi32, #tpu.memory_space<vmem>>) target_semaphore(%dma_start3A_403 : memref<!tpu.dma_semaphore, #tpu.memory_space<semaphore_mem>>)
        %mul3A_408 = arith.constant 80 : i32
        %mul3A_409 = arith.muli %add3A_380, %mul3A_408 : i32
        %add3A_410 = arith.addi %mul3A_10, %mul3A_409 : i32
        %multiple_of3A_411 = tpu.assume_multiple %add3A_410, 8 : i32
        %dma_start3A_412 = arith.constant 0 : i32
        %dma_start3A_413 = tpu.memref_slice %arg9[%rem3A_393, %dma_start3A_412] : memref<8x80xi32, #tpu.memory_space<vmem>> -> memref<1x80xi32, #tpu.memory_space<vmem>>
        %dma_start3A_414 = tpu.memref_squeeze %dma_start3A_413 : memref<1x80xi32, #tpu.memory_space<vmem>> -> memref<80xi32, #tpu.memory_space<vmem>>
        %dma_start3A_415 = tpu.memref_slice %arg4[%multiple_of3A_411] : memref<320000xi32, #tpu.memory_space<hbm>> -> memref<80xi32, #tpu.memory_space<hbm>>
        %dma_start3A_416 = tpu.memref_slice %arg11[%rem3A_393] : memref<8x!tpu.dma_semaphore, #tpu.memory_space<semaphore_mem>> -> memref<1x!tpu.dma_semaphore, #tpu.memory_space<semaphore_mem>>
        %dma_start3A_417 = tpu.memref_squeeze %dma_start3A_416 : memref<1x!tpu.dma_semaphore, #tpu.memory_space<semaphore_mem>> -> memref<!tpu.dma_semaphore, #tpu.memory_space<semaphore_mem>>
        %dma_start3A_418 = arith.constant 0 : i32
        %dma_start3A_419 = tpu.memref_slice %arg9[%rem3A_393, %dma_start3A_418] : memref<8x80xi32, #tpu.memory_space<vmem>> -> memref<1x80xi32, #tpu.memory_space<vmem>>
        %dma_start3A_420 = tpu.memref_squeeze %dma_start3A_419 : memref<1x80xi32, #tpu.memory_space<vmem>> -> memref<80xi32, #tpu.memory_space<vmem>>
        %dma_start3A_421 = tpu.memref_slice %arg4[%multiple_of3A_411] : memref<320000xi32, #tpu.memory_space<hbm>> -> memref<80xi32, #tpu.memory_space<hbm>>
        tpu.enqueue_dma source(%dma_start3A_421 : memref<80xi32, #tpu.memory_space<hbm>>) target(%dma_start3A_420 : memref<80xi32, #tpu.memory_space<vmem>>) target_semaphore(%dma_start3A_417 : memref<!tpu.dma_semaphore, #tpu.memory_space<semaphore_mem>>)
      } else {
      }
      %add3A_385 = arith.constant 2 : i32
      %add3A_386 = arith.addi %scan3A_342, %add3A_385 : i32
      %lt3A_387 = arith.constant 125 : i32
      %lt3A_388 = arith.cmpi slt, %add3A_386, %lt3A_387 : i32
      %convert_element_type3A_389 = arith.extui %lt3A_388 : i1 to i32
      %cond3A_390 = arith.constant 0 : i32
      %cond3A_391 = arith.cmpi ne, %convert_element_type3A_389, %cond3A_390 : i32
      scf.if %cond3A_391 {
        %ge3A = arith.constant 4 : i32
        %ge3A_392 = arith.cmpi sge, %add3A_386, %ge3A : i32
        %convert_element_type3A_393 = arith.extui %ge3A_392 : i1 to i32
        %cond3A_394 = arith.constant 0 : i32
        %cond3A_395 = arith.cmpi ne, %convert_element_type3A_393, %cond3A_394 : i32
        scf.if %cond3A_395 {
          %sub3A = arith.constant 4 : i32
          %sub3A_444 = arith.subi %add3A_386, %sub3A : i32
          %rem3A_445 = arith.constant 4 : i32
          %rem3A_446 = arith.remsi %sub3A_444, %rem3A_445 : i32
          %mul3A_447 = arith.constant 80 : i32
          %mul3A_448 = arith.muli %rem3A_446, %mul3A_447 : i32
          %rem3A_449 = arith.constant 8 : i32
          %rem3A_450 = arith.remsi %sub3A_444, %rem3A_449 : i32
          %rem3A_451 = arith.constant 4 : i32
          %rem3A_452 = arith.remsi %sub3A_444, %rem3A_451 : i32
          %dma_wait3A_453 = arith.constant 0 : i32
          %dma_wait3A_454 = tpu.memref_slice %arg10[%mul3A_448, %dma_wait3A_453] : memref<320x128xf32, #tpu.memory_space<vmem>> -> memref<80x128xf32, #tpu.memory_space<vmem>>
          %dma_wait3A_455 = arith.constant 0 : i32
          %dma_wait3A_456 = tpu.memref_slice %arg9[%rem3A_450, %dma_wait3A_455] : memref<8x80xi32, #tpu.memory_space<vmem>> -> memref<1x80xi32, #tpu.memory_space<vmem>>
          %dma_wait3A_457 = tpu.memref_squeeze %dma_wait3A_456 : memref<1x80xi32, #tpu.memory_space<vmem>> -> memref<80xi32, #tpu.memory_space<vmem>>
          %dma_wait3A_458 = arith.constant 0 : i32
          %dma_wait3A_459 = arith.constant 0 : i32
          %dma_wait3A_460 = tpu.memref_slice %arg7[%dma_wait3A_458, %dma_wait3A_459] : memref<10112x128xf32, #tpu.memory_space<vmem_shared>> -> memref<10112x128xf32, #tpu.memory_space<vmem_shared>>
          %dma_wait3A_461 = tpu.memref_slice %arg13[%rem3A_452] : memref<4x!tpu.dma_semaphore, #tpu.memory_space<semaphore_mem>> -> memref<1x!tpu.dma_semaphore, #tpu.memory_space<semaphore_mem>>
          %dma_wait3A_462 = tpu.memref_squeeze %dma_wait3A_461 : memref<1x!tpu.dma_semaphore, #tpu.memory_space<semaphore_mem>> -> memref<!tpu.dma_semaphore, #tpu.memory_space<semaphore_mem>>
          tpu.wait_indirect_dma semaphore(%dma_wait3A_462 : memref<!tpu.dma_semaphore, #tpu.memory_space<semaphore_mem>>) src(%dma_wait3A_454 : memref<80x128xf32, #tpu.memory_space<vmem>>) dst(%dma_wait3A_460 : memref<10112x128xf32, #tpu.memory_space<vmem_shared>>)
        } else {
        }
        %rem3A_396 = arith.constant 8 : i32
        %rem3A_397 = arith.remsi %add3A_386, %rem3A_396 : i32
        %mul3A_398 = arith.constant 80 : i32
        %mul3A_399 = arith.muli %add3A_386, %mul3A_398 : i32
        %add3A_400 = arith.addi %mul3A_10, %mul3A_399 : i32
        %multiple_of3A_401 = tpu.assume_multiple %add3A_400, 8 : i32
        %dma_wait3A_402 = arith.constant 0 : i32
        %dma_wait3A_403 = tpu.memref_slice %arg8[%rem3A_397, %dma_wait3A_402] : memref<8x80xi32, #tpu.memory_space<vmem>> -> memref<1x80xi32, #tpu.memory_space<vmem>>
        %dma_wait3A_404 = tpu.memref_squeeze %dma_wait3A_403 : memref<1x80xi32, #tpu.memory_space<vmem>> -> memref<80xi32, #tpu.memory_space<vmem>>
        %dma_wait3A_405 = tpu.memref_slice %arg3[%multiple_of3A_401] : memref<320000xi32, #tpu.memory_space<hbm>> -> memref<80xi32, #tpu.memory_space<hbm>>
        %dma_wait3A_406 = tpu.memref_slice %arg11[%rem3A_397] : memref<8x!tpu.dma_semaphore, #tpu.memory_space<semaphore_mem>> -> memref<1x!tpu.dma_semaphore, #tpu.memory_space<semaphore_mem>>
        %dma_wait3A_407 = tpu.memref_squeeze %dma_wait3A_406 : memref<1x!tpu.dma_semaphore, #tpu.memory_space<semaphore_mem>> -> memref<!tpu.dma_semaphore, #tpu.memory_space<semaphore_mem>>
        %dma_wait3A_408 = arith.constant 0 : i32
        %dma_wait3A_409 = tpu.memref_slice %arg8[%rem3A_397, %dma_wait3A_408] : memref<8x80xi32, #tpu.memory_space<vmem>> -> memref<1x80xi32, #tpu.memory_space<vmem>>
        %dma_wait3A_410 = tpu.memref_squeeze %dma_wait3A_409 : memref<1x80xi32, #tpu.memory_space<vmem>> -> memref<80xi32, #tpu.memory_space<vmem>>
        %dma_wait3A_411 = tpu.memref_slice %arg3[%multiple_of3A_401] : memref<320000xi32, #tpu.memory_space<hbm>> -> memref<80xi32, #tpu.memory_space<hbm>>
        tpu.wait_dma2 semaphore(%dma_wait3A_407 : memref<!tpu.dma_semaphore, #tpu.memory_space<semaphore_mem>>) src(%dma_wait3A_411 : memref<80xi32, #tpu.memory_space<hbm>>) dst(%dma_wait3A_410 : memref<80xi32, #tpu.memory_space<vmem>>)
        %mul3A_412 = arith.constant 80 : i32
        %mul3A_413 = arith.muli %add3A_386, %mul3A_412 : i32
        %add3A_414 = arith.addi %mul3A_10, %mul3A_413 : i32
        %multiple_of3A_415 = tpu.assume_multiple %add3A_414, 8 : i32
        %dma_wait3A_416 = arith.constant 0 : i32
        %dma_wait3A_417 = tpu.memref_slice %arg9[%rem3A_397, %dma_wait3A_416] : memref<8x80xi32, #tpu.memory_space<vmem>> -> memref<1x80xi32, #tpu.memory_space<vmem>>
        %dma_wait3A_418 = tpu.memref_squeeze %dma_wait3A_417 : memref<1x80xi32, #tpu.memory_space<vmem>> -> memref<80xi32, #tpu.memory_space<vmem>>
        %dma_wait3A_419 = tpu.memref_slice %arg4[%multiple_of3A_415] : memref<320000xi32, #tpu.memory_space<hbm>> -> memref<80xi32, #tpu.memory_space<hbm>>
        %dma_wait3A_420 = tpu.memref_slice %arg11[%rem3A_397] : memref<8x!tpu.dma_semaphore, #tpu.memory_space<semaphore_mem>> -> memref<1x!tpu.dma_semaphore, #tpu.memory_space<semaphore_mem>>
        %dma_wait3A_421 = tpu.memref_squeeze %dma_wait3A_420 : memref<1x!tpu.dma_semaphore, #tpu.memory_space<semaphore_mem>> -> memref<!tpu.dma_semaphore, #tpu.memory_space<semaphore_mem>>
        %dma_wait3A_422 = arith.constant 0 : i32
        %dma_wait3A_423 = tpu.memref_slice %arg9[%rem3A_397, %dma_wait3A_422] : memref<8x80xi32, #tpu.memory_space<vmem>> -> memref<1x80xi32, #tpu.memory_space<vmem>>
        %dma_wait3A_424 = tpu.memref_squeeze %dma_wait3A_423 : memref<1x80xi32, #tpu.memory_space<vmem>> -> memref<80xi32, #tpu.memory_space<vmem>>
        %dma_wait3A_425 = tpu.memref_slice %arg4[%multiple_of3A_415] : memref<320000xi32, #tpu.memory_space<hbm>> -> memref<80xi32, #tpu.memory_space<hbm>>
        tpu.wait_dma2 semaphore(%dma_wait3A_421 : memref<!tpu.dma_semaphore, #tpu.memory_space<semaphore_mem>>) src(%dma_wait3A_425 : memref<80xi32, #tpu.memory_space<hbm>>) dst(%dma_wait3A_424 : memref<80xi32, #tpu.memory_space<vmem>>)
        %rem3A_426 = arith.constant 8 : i32
        %rem3A_427 = arith.remsi %add3A_386, %rem3A_426 : i32
        %rem3A_428 = arith.constant 4 : i32
        %rem3A_429 = arith.remsi %add3A_386, %rem3A_428 : i32
        %mul3A_430 = arith.constant 80 : i32
        %mul3A_431 = arith.muli %rem3A_429, %mul3A_430 : i32
        %rem3A_432 = arith.constant 4 : i32
        %rem3A_433 = arith.remsi %add3A_386, %rem3A_432 : i32
        %dma_start3A_434 = arith.constant 0 : i32
        %dma_start3A_435 = tpu.memref_slice %arg10[%mul3A_431, %dma_start3A_434] : memref<320x128xf32, #tpu.memory_space<vmem>> -> memref<80x128xf32, #tpu.memory_space<vmem>>
        %dma_start3A_436 = arith.constant 0 : i32
        %dma_start3A_437 = tpu.memref_slice %arg8[%rem3A_427, %dma_start3A_436] : memref<8x80xi32, #tpu.memory_space<vmem>> -> memref<1x80xi32, #tpu.memory_space<vmem>>
        %dma_start3A_438 = tpu.memref_squeeze %dma_start3A_437 : memref<1x80xi32, #tpu.memory_space<vmem>> -> memref<80xi32, #tpu.memory_space<vmem>>
        %dma_start3A_439 = arith.constant 0 : i32
        %dma_start3A_440 = arith.constant 0 : i32
        %dma_start3A_441 = tpu.memref_slice %arg2[%dma_start3A_439, %dma_start3A_440] : memref<10112x128xf32, #tpu.memory_space<hbm>> -> memref<10112x128xf32, #tpu.memory_space<hbm>>
        %dma_start3A_442 = tpu.memref_slice %arg12[%rem3A_433] : memref<4x!tpu.dma_semaphore, #tpu.memory_space<semaphore_mem>> -> memref<1x!tpu.dma_semaphore, #tpu.memory_space<semaphore_mem>>
        %dma_start3A_443 = tpu.memref_squeeze %dma_start3A_442 : memref<1x!tpu.dma_semaphore, #tpu.memory_space<semaphore_mem>> -> memref<!tpu.dma_semaphore, #tpu.memory_space<semaphore_mem>>
        tpu.enqueue_indirect_dma source(%dma_start3A_441 : memref<10112x128xf32, #tpu.memory_space<hbm>>) target(%dma_start3A_435 : memref<80x128xf32, #tpu.memory_space<vmem>>) offsets(%dma_start3A_438 : memref<80xi32, #tpu.memory_space<vmem>>) semaphore(%dma_start3A_443 : memref<!tpu.dma_semaphore, #tpu.memory_space<semaphore_mem>>)
      } else {
      }
    }
    %scan3A_256 = arith.constant 125 : i32
    %rem3A_257 = arith.constant 121 : i32
    %rem3A_258 = arith.constant 4 : i32
    %rem3A_259 = arith.remsi %rem3A_257, %rem3A_258 : i32
    %mul3A_260 = arith.constant 80 : i32
    %mul3A_261 = arith.muli %rem3A_259, %mul3A_260 : i32
    %rem3A_262 = arith.constant 121 : i32
    %rem3A_263 = arith.constant 8 : i32
    %rem3A_264 = arith.remsi %rem3A_262, %rem3A_263 : i32
    %rem3A_265 = arith.constant 121 : i32
    %rem3A_266 = arith.constant 4 : i32
    %rem3A_267 = arith.remsi %rem3A_265, %rem3A_266 : i32
    %dma_wait3A_268 = arith.constant 0 : i32
    %dma_wait3A_269 = tpu.memref_slice %arg10[%mul3A_261, %dma_wait3A_268] : memref<320x128xf32, #tpu.memory_space<vmem>> -> memref<80x128xf32, #tpu.memory_space<vmem>>
    %dma_wait3A_270 = arith.constant 0 : i32
    %dma_wait3A_271 = tpu.memref_slice %arg9[%rem3A_264, %dma_wait3A_270] : memref<8x80xi32, #tpu.memory_space<vmem>> -> memref<1x80xi32, #tpu.memory_space<vmem>>
    %dma_wait3A_272 = tpu.memref_squeeze %dma_wait3A_271 : memref<1x80xi32, #tpu.memory_space<vmem>> -> memref<80xi32, #tpu.memory_space<vmem>>
    %dma_wait3A_273 = arith.constant 0 : i32
    %dma_wait3A_274 = arith.constant 0 : i32
    %dma_wait3A_275 = tpu.memref_slice %arg7[%dma_wait3A_273, %dma_wait3A_274] : memref<10112x128xf32, #tpu.memory_space<vmem_shared>> -> memref<10112x128xf32, #tpu.memory_space<vmem_shared>>
    %dma_wait3A_276 = tpu.memref_slice %arg13[%rem3A_267] : memref<4x!tpu.dma_semaphore, #tpu.memory_space<semaphore_mem>> -> memref<1x!tpu.dma_semaphore, #tpu.memory_space<semaphore_mem>>
    %dma_wait3A_277 = tpu.memref_squeeze %dma_wait3A_276 : memref<1x!tpu.dma_semaphore, #tpu.memory_space<semaphore_mem>> -> memref<!tpu.dma_semaphore, #tpu.memory_space<semaphore_mem>>
    tpu.wait_indirect_dma semaphore(%dma_wait3A_277 : memref<!tpu.dma_semaphore, #tpu.memory_space<semaphore_mem>>) src(%dma_wait3A_269 : memref<80x128xf32, #tpu.memory_space<vmem>>) dst(%dma_wait3A_275 : memref<10112x128xf32, #tpu.memory_space<vmem_shared>>)
    %rem3A_278 = arith.constant 122 : i32
    %rem3A_279 = arith.constant 4 : i32
    %rem3A_280 = arith.remsi %rem3A_278, %rem3A_279 : i32
    %mul3A_281 = arith.constant 80 : i32
    %mul3A_282 = arith.muli %rem3A_280, %mul3A_281 : i32
    %rem3A_283 = arith.constant 122 : i32
    %rem3A_284 = arith.constant 8 : i32
    %rem3A_285 = arith.remsi %rem3A_283, %rem3A_284 : i32
    %rem3A_286 = arith.constant 122 : i32
    %rem3A_287 = arith.constant 4 : i32
    %rem3A_288 = arith.remsi %rem3A_286, %rem3A_287 : i32
    %dma_wait3A_289 = arith.constant 0 : i32
    %dma_wait3A_290 = tpu.memref_slice %arg10[%mul3A_282, %dma_wait3A_289] : memref<320x128xf32, #tpu.memory_space<vmem>> -> memref<80x128xf32, #tpu.memory_space<vmem>>
    %dma_wait3A_291 = arith.constant 0 : i32
    %dma_wait3A_292 = tpu.memref_slice %arg9[%rem3A_285, %dma_wait3A_291] : memref<8x80xi32, #tpu.memory_space<vmem>> -> memref<1x80xi32, #tpu.memory_space<vmem>>
    %dma_wait3A_293 = tpu.memref_squeeze %dma_wait3A_292 : memref<1x80xi32, #tpu.memory_space<vmem>> -> memref<80xi32, #tpu.memory_space<vmem>>
    %dma_wait3A_294 = arith.constant 0 : i32
    %dma_wait3A_295 = arith.constant 0 : i32
    %dma_wait3A_296 = tpu.memref_slice %arg7[%dma_wait3A_294, %dma_wait3A_295] : memref<10112x128xf32, #tpu.memory_space<vmem_shared>> -> memref<10112x128xf32, #tpu.memory_space<vmem_shared>>
    %dma_wait3A_297 = tpu.memref_slice %arg13[%rem3A_288] : memref<4x!tpu.dma_semaphore, #tpu.memory_space<semaphore_mem>> -> memref<1x!tpu.dma_semaphore, #tpu.memory_space<semaphore_mem>>
    %dma_wait3A_298 = tpu.memref_squeeze %dma_wait3A_297 : memref<1x!tpu.dma_semaphore, #tpu.memory_space<semaphore_mem>> -> memref<!tpu.dma_semaphore, #tpu.memory_space<semaphore_mem>>
    tpu.wait_indirect_dma semaphore(%dma_wait3A_298 : memref<!tpu.dma_semaphore, #tpu.memory_space<semaphore_mem>>) src(%dma_wait3A_290 : memref<80x128xf32, #tpu.memory_space<vmem>>) dst(%dma_wait3A_296 : memref<10112x128xf32, #tpu.memory_space<vmem_shared>>)
    %rem3A_299 = arith.constant 123 : i32
    %rem3A_300 = arith.constant 4 : i32
    %rem3A_301 = arith.remsi %rem3A_299, %rem3A_300 : i32
    %mul3A_302 = arith.constant 80 : i32
    %mul3A_303 = arith.muli %rem3A_301, %mul3A_302 : i32
    %rem3A_304 = arith.constant 123 : i32
    %rem3A_305 = arith.constant 8 : i32
    %rem3A_306 = arith.remsi %rem3A_304, %rem3A_305 : i32
    %rem3A_307 = arith.constant 123 : i32
    %rem3A_308 = arith.constant 4 : i32
    %rem3A_309 = arith.remsi %rem3A_307, %rem3A_308 : i32
    %dma_wait3A_310 = arith.constant 0 : i32
    %dma_wait3A_311 = tpu.memref_slice %arg10[%mul3A_303, %dma_wait3A_310] : memref<320x128xf32, #tpu.memory_space<vmem>> -> memref<80x128xf32, #tpu.memory_space<vmem>>
    %dma_wait3A_312 = arith.constant 0 : i32
    %dma_wait3A_313 = tpu.memref_slice %arg9[%rem3A_306, %dma_wait3A_312] : memref<8x80xi32, #tpu.memory_space<vmem>> -> memref<1x80xi32, #tpu.memory_space<vmem>>
    %dma_wait3A_314 = tpu.memref_squeeze %dma_wait3A_313 : memref<1x80xi32, #tpu.memory_space<vmem>> -> memref<80xi32, #tpu.memory_space<vmem>>
    %dma_wait3A_315 = arith.constant 0 : i32
    %dma_wait3A_316 = arith.constant 0 : i32
    %dma_wait3A_317 = tpu.memref_slice %arg7[%dma_wait3A_315, %dma_wait3A_316] : memref<10112x128xf32, #tpu.memory_space<vmem_shared>> -> memref<10112x128xf32, #tpu.memory_space<vmem_shared>>
    %dma_wait3A_318 = tpu.memref_slice %arg13[%rem3A_309] : memref<4x!tpu.dma_semaphore, #tpu.memory_space<semaphore_mem>> -> memref<1x!tpu.dma_semaphore, #tpu.memory_space<semaphore_mem>>
    %dma_wait3A_319 = tpu.memref_squeeze %dma_wait3A_318 : memref<1x!tpu.dma_semaphore, #tpu.memory_space<semaphore_mem>> -> memref<!tpu.dma_semaphore, #tpu.memory_space<semaphore_mem>>
    tpu.wait_indirect_dma semaphore(%dma_wait3A_319 : memref<!tpu.dma_semaphore, #tpu.memory_space<semaphore_mem>>) src(%dma_wait3A_311 : memref<80x128xf32, #tpu.memory_space<vmem>>) dst(%dma_wait3A_317 : memref<10112x128xf32, #tpu.memory_space<vmem_shared>>)
    %rem3A_320 = arith.constant 124 : i32
    %rem3A_321 = arith.constant 4 : i32
    %rem3A_322 = arith.remsi %rem3A_320, %rem3A_321 : i32
    %mul3A_323 = arith.constant 80 : i32
    %mul3A_324 = arith.muli %rem3A_322, %mul3A_323 : i32
    %rem3A_325 = arith.constant 124 : i32
    %rem3A_326 = arith.constant 8 : i32
    %rem3A_327 = arith.remsi %rem3A_325, %rem3A_326 : i32
    %rem3A_328 = arith.constant 124 : i32
    %rem3A_329 = arith.constant 4 : i32
    %rem3A_330 = arith.remsi %rem3A_328, %rem3A_329 : i32
    %dma_wait3A_331 = arith.constant 0 : i32
    %dma_wait3A_332 = tpu.memref_slice %arg10[%mul3A_324, %dma_wait3A_331] : memref<320x128xf32, #tpu.memory_space<vmem>> -> memref<80x128xf32, #tpu.memory_space<vmem>>
    %dma_wait3A_333 = arith.constant 0 : i32
    %dma_wait3A_334 = tpu.memref_slice %arg9[%rem3A_327, %dma_wait3A_333] : memref<8x80xi32, #tpu.memory_space<vmem>> -> memref<1x80xi32, #tpu.memory_space<vmem>>
    %dma_wait3A_335 = tpu.memref_squeeze %dma_wait3A_334 : memref<1x80xi32, #tpu.memory_space<vmem>> -> memref<80xi32, #tpu.memory_space<vmem>>
    %dma_wait3A_336 = arith.constant 0 : i32
    %dma_wait3A_337 = arith.constant 0 : i32
    %dma_wait3A_338 = tpu.memref_slice %arg7[%dma_wait3A_336, %dma_wait3A_337] : memref<10112x128xf32, #tpu.memory_space<vmem_shared>> -> memref<10112x128xf32, #tpu.memory_space<vmem_shared>>
    %dma_wait3A_339 = tpu.memref_slice %arg13[%rem3A_330] : memref<4x!tpu.dma_semaphore, #tpu.memory_space<semaphore_mem>> -> memref<1x!tpu.dma_semaphore, #tpu.memory_space<semaphore_mem>>
    %dma_wait3A_340 = tpu.memref_squeeze %dma_wait3A_339 : memref<1x!tpu.dma_semaphore, #tpu.memory_space<semaphore_mem>> -> memref<!tpu.dma_semaphore, #tpu.memory_space<semaphore_mem>>
    tpu.wait_indirect_dma semaphore(%dma_wait3A_340 : memref<!tpu.dma_semaphore, #tpu.memory_space<semaphore_mem>>) src(%dma_wait3A_332 : memref<80x128xf32, #tpu.memory_space<vmem>>) dst(%dma_wait3A_338 : memref<10112x128xf32, #tpu.memory_space<vmem_shared>>)
    %barrier3A_341 = arith.constant 0 : index
    tpu.barrier barrier_id(%barrier3A_341)
    "tpu.region"() ({
      %run_scoped3A = tpu.sem_alloc : memref<!tpu.dma_semaphore, #tpu.memory_space<semaphore_mem>>
      %dma_start3A_342 = arith.constant 0 : i32
      %dma_start3A_343 = tpu.memref_slice %arg6[%arg0, %mul3A_2, %dma_start3A_342] : memref<2x10112x128xf32, #tpu.memory_space<hbm>> -> memref<1x632x128xf32, #tpu.memory_space<hbm>>
      %dma_start3A_344 = tpu.memref_squeeze %dma_start3A_343 : memref<1x632x128xf32, #tpu.memory_space<hbm>> -> memref<632x128xf32, #tpu.memory_space<hbm>>
      %dma_start3A_345 = arith.constant 0 : i32
      %dma_start3A_346 = tpu.memref_slice %arg7[%mul3A_2, %dma_start3A_345] : memref<10112x128xf32, #tpu.memory_space<vmem_shared>> -> memref<632x128xf32, #tpu.memory_space<vmem_shared>>
      tpu.enqueue_dma source(%dma_start3A_346 : memref<632x128xf32, #tpu.memory_space<vmem_shared>>) target(%dma_start3A_344 : memref<632x128xf32, #tpu.memory_space<hbm>>) target_semaphore(%run_scoped3A : memref<!tpu.dma_semaphore, #tpu.memory_space<semaphore_mem>>)
      %dma_wait3A_347 = arith.constant 0 : i32
      %dma_wait3A_348 = tpu.memref_slice %arg6[%arg0, %mul3A_2, %dma_wait3A_347] : memref<2x10112x128xf32, #tpu.memory_space<hbm>> -> memref<1x632x128xf32, #tpu.memory_space<hbm>>
      %dma_wait3A_349 = tpu.memref_squeeze %dma_wait3A_348 : memref<1x632x128xf32, #tpu.memory_space<hbm>> -> memref<632x128xf32, #tpu.memory_space<hbm>>
      %dma_wait3A_350 = arith.constant 0 : i32
      %dma_wait3A_351 = tpu.memref_slice %arg7[%mul3A_2, %dma_wait3A_350] : memref<10112x128xf32, #tpu.memory_space<vmem_shared>> -> memref<632x128xf32, #tpu.memory_space<vmem_shared>>
      tpu.wait_dma2 semaphore(%run_scoped3A : memref<!tpu.dma_semaphore, #tpu.memory_space<semaphore_mem>>) src(%dma_wait3A_351 : memref<632x128xf32, #tpu.memory_space<vmem_shared>>) dst(%dma_wait3A_349 : memref<632x128xf32, #tpu.memory_space<hbm>>)
      tpu.yield
    }) : () -> ()
    return
  }
}

#map = affine_map<(d0, d1) -> (0, 0)>
#map1 = affine_map<(d0, d1) -> (0)>
#map2 = affine_map<(d0, d1) -> (0, 0, 0)>
module attributes {stable_mosaic.version = 14 : i64} {
  func.func @agg(%arg0: i32, %arg1: i32, %arg2: memref<10112x16xf32, #tpu.memory_space<hbm>>, %arg3: memref<320000xi32, #tpu.memory_space<hbm>>, %arg4: memref<320000xi32, #tpu.memory_space<hbm>>, %arg5: memref<632x16xf32, #tpu.memory_space<hbm>>, %arg6: memref<2x10112x16xf32, #tpu.memory_space<hbm>>, %arg7: memref<10112x16xf32, #tpu.memory_space<vmem_shared>>, %arg8: memref<8x80xi32, #tpu.memory_space<vmem>>, %arg9: memref<8x80xi32, #tpu.memory_space<vmem>>, %arg10: memref<80x16xf32, #tpu.memory_space<vmem>>, %arg11: memref<8x!tpu.dma_semaphore, #tpu.memory_space<semaphore_mem>>, %arg12: memref<4x!tpu.dma_semaphore, #tpu.memory_space<semaphore_mem>>, %arg13: memref<4x!tpu.dma_semaphore, #tpu.memory_space<semaphore_mem>>) attributes {dimension_semantics = [#tpu.dimension_semantics<core_parallel>, #tpu.dimension_semantics<subcore_parallel>], iteration_bounds = array<i64: 2, 16>, scalar_prefetch = 0 : i64, scratch_operands = 7 : i64, tpu.core_type = #tpu.core_type<sc_vector_subcore>, window_params = [{transform_indices = #map}, {transform_indices = #map1}, {transform_indices = #map1}, {transform_indices = #map}, {transform_indices = #map2}]} {
    %mul3A = arith.constant 16 : i32
    %mul3A_0 = arith.muli %arg0, %mul3A : i32
    %add3A = arith.addi %mul3A_0, %arg1 : i32
    %mul3A_1 = arith.constant 632 : i32
    %mul3A_2 = arith.muli %arg1, %mul3A_1 : i32
    %eq3A = arith.constant 0 : i32
    %eq3A_3 = arith.cmpi eq, %arg0, %eq3A : i32
    %convert_element_type3A = arith.extui %eq3A_3 : i1 to i32
    %cond3A = arith.constant 0 : i32
    %cond3A_4 = arith.cmpi ne, %convert_element_type3A, %cond3A : i32
    scf.if %cond3A_4 {
      "tpu.region"() ({
        %run_scoped3A = tpu.sem_alloc : memref<!tpu.dma_semaphore, #tpu.memory_space<semaphore_mem>>
        %dma_start3A_149 = arith.constant 0 : i32
        %dma_start3A_150 = tpu.memref_slice %arg7[%mul3A_2, %dma_start3A_149] : memref<10112x16xf32, #tpu.memory_space<vmem_shared>> -> memref<632x16xf32, #tpu.memory_space<vmem_shared>>
        %dma_start3A_151 = arith.constant 0 : i32
        %dma_start3A_152 = tpu.memref_slice %arg2[%mul3A_2, %dma_start3A_151] : memref<10112x16xf32, #tpu.memory_space<hbm>> -> memref<632x16xf32, #tpu.memory_space<hbm>>
        tpu.enqueue_dma source(%dma_start3A_152 : memref<632x16xf32, #tpu.memory_space<hbm>>) target(%dma_start3A_150 : memref<632x16xf32, #tpu.memory_space<vmem_shared>>) target_semaphore(%run_scoped3A : memref<!tpu.dma_semaphore, #tpu.memory_space<semaphore_mem>>)
        %dma_wait3A_153 = arith.constant 0 : i32
        %dma_wait3A_154 = tpu.memref_slice %arg7[%mul3A_2, %dma_wait3A_153] : memref<10112x16xf32, #tpu.memory_space<vmem_shared>> -> memref<632x16xf32, #tpu.memory_space<vmem_shared>>
        %dma_wait3A_155 = arith.constant 0 : i32
        %dma_wait3A_156 = tpu.memref_slice %arg2[%mul3A_2, %dma_wait3A_155] : memref<10112x16xf32, #tpu.memory_space<hbm>> -> memref<632x16xf32, #tpu.memory_space<hbm>>
        tpu.wait_dma2 semaphore(%run_scoped3A : memref<!tpu.dma_semaphore, #tpu.memory_space<semaphore_mem>>) src(%dma_wait3A_156 : memref<632x16xf32, #tpu.memory_space<hbm>>) dst(%dma_wait3A_154 : memref<632x16xf32, #tpu.memory_space<vmem_shared>>)
        tpu.yield
      }) : () -> ()
    } else {
    }
    %ne3A = arith.constant 0 : i32
    %ne3A_5 = arith.cmpi ne, %arg0, %ne3A : i32
    %convert_element_type3A_6 = arith.extui %ne3A_5 : i1 to i32
    %cond3A_7 = arith.constant 0 : i32
    %cond3A_8 = arith.cmpi ne, %convert_element_type3A_6, %cond3A_7 : i32
    scf.if %cond3A_8 {
      "tpu.region"() ({
        %run_scoped3A = tpu.sem_alloc : memref<!tpu.dma_semaphore, #tpu.memory_space<semaphore_mem>>
        %dma_start3A_149 = arith.constant 0 : i32
        %dma_start3A_150 = tpu.memref_slice %arg7[%mul3A_2, %dma_start3A_149] : memref<10112x16xf32, #tpu.memory_space<vmem_shared>> -> memref<632x16xf32, #tpu.memory_space<vmem_shared>>
        tpu.enqueue_dma source(%arg5 : memref<632x16xf32, #tpu.memory_space<hbm>>) target(%dma_start3A_150 : memref<632x16xf32, #tpu.memory_space<vmem_shared>>) target_semaphore(%run_scoped3A : memref<!tpu.dma_semaphore, #tpu.memory_space<semaphore_mem>>)
        %dma_wait3A_151 = arith.constant 0 : i32
        %dma_wait3A_152 = tpu.memref_slice %arg7[%mul3A_2, %dma_wait3A_151] : memref<10112x16xf32, #tpu.memory_space<vmem_shared>> -> memref<632x16xf32, #tpu.memory_space<vmem_shared>>
        tpu.wait_dma2 semaphore(%run_scoped3A : memref<!tpu.dma_semaphore, #tpu.memory_space<semaphore_mem>>) src(%arg5 : memref<632x16xf32, #tpu.memory_space<hbm>>) dst(%dma_wait3A_152 : memref<632x16xf32, #tpu.memory_space<vmem_shared>>)
        tpu.yield
      }) : () -> ()
    } else {
    }
    %mul3A_9 = arith.constant 10000 : i32
    %mul3A_10 = arith.muli %add3A, %mul3A_9 : i32
    "tpu.region"() ({
      %run_scoped3A = tpu.sem_alloc : memref<!tpu.dma_semaphore, #tpu.memory_space<semaphore_mem>>
      %dma_start3A_149 = arith.constant 0 : i32
      %dma_start3A_150 = arith.constant 0 : i32
      %dma_start3A_151 = tpu.memref_slice %arg2[%dma_start3A_149, %dma_start3A_150] : memref<10112x16xf32, #tpu.memory_space<hbm>> -> memref<80x16xf32, #tpu.memory_space<hbm>>
      %dma_start3A_152 = arith.constant 0 : i32
      %dma_start3A_153 = arith.constant 0 : i32
      %dma_start3A_154 = tpu.memref_slice %arg2[%dma_start3A_152, %dma_start3A_153] : memref<10112x16xf32, #tpu.memory_space<hbm>> -> memref<80x16xf32, #tpu.memory_space<hbm>>
      tpu.enqueue_dma source(%dma_start3A_154 : memref<80x16xf32, #tpu.memory_space<hbm>>) target(%arg10 : memref<80x16xf32, #tpu.memory_space<vmem>>) target_semaphore(%run_scoped3A : memref<!tpu.dma_semaphore, #tpu.memory_space<semaphore_mem>>)
      %dma_wait3A_155 = arith.constant 0 : i32
      %dma_wait3A_156 = arith.constant 0 : i32
      %dma_wait3A_157 = tpu.memref_slice %arg2[%dma_wait3A_155, %dma_wait3A_156] : memref<10112x16xf32, #tpu.memory_space<hbm>> -> memref<80x16xf32, #tpu.memory_space<hbm>>
      %dma_wait3A_158 = arith.constant 0 : i32
      %dma_wait3A_159 = arith.constant 0 : i32
      %dma_wait3A_160 = tpu.memref_slice %arg2[%dma_wait3A_158, %dma_wait3A_159] : memref<10112x16xf32, #tpu.memory_space<hbm>> -> memref<80x16xf32, #tpu.memory_space<hbm>>
      tpu.wait_dma2 semaphore(%run_scoped3A : memref<!tpu.dma_semaphore, #tpu.memory_space<semaphore_mem>>) src(%dma_wait3A_160 : memref<80x16xf32, #tpu.memory_space<hbm>>) dst(%arg10 : memref<80x16xf32, #tpu.memory_space<vmem>>)
      tpu.yield
    }) : () -> ()
    %barrier3A = arith.constant 0 : index
    tpu.barrier barrier_id(%barrier3A)
    %rem3A = arith.constant 0 : i32
    %rem3A_11 = arith.constant 8 : i32
    %rem3A_12 = arith.remsi %rem3A, %rem3A_11 : i32
    %add3A_13 = arith.constant 0 : i32
    %add3A_14 = arith.addi %mul3A_10, %add3A_13 : i32
    %multiple_of3A = tpu.assume_multiple %add3A_14, 8 : i32
    %dma_start3A = arith.constant 0 : i32
    %dma_start3A_15 = tpu.memref_slice %arg9[%rem3A_12, %dma_start3A] : memref<8x80xi32, #tpu.memory_space<vmem>> -> memref<1x80xi32, #tpu.memory_space<vmem>>
    %dma_start3A_16 = tpu.memref_squeeze %dma_start3A_15 : memref<1x80xi32, #tpu.memory_space<vmem>> -> memref<80xi32, #tpu.memory_space<vmem>>
    %dma_start3A_17 = tpu.memref_slice %arg4[%multiple_of3A] : memref<320000xi32, #tpu.memory_space<hbm>> -> memref<80xi32, #tpu.memory_space<hbm>>
    %dma_start3A_18 = tpu.memref_slice %arg11[%rem3A_12] : memref<8x!tpu.dma_semaphore, #tpu.memory_space<semaphore_mem>> -> memref<1x!tpu.dma_semaphore, #tpu.memory_space<semaphore_mem>>
    %dma_start3A_19 = tpu.memref_squeeze %dma_start3A_18 : memref<1x!tpu.dma_semaphore, #tpu.memory_space<semaphore_mem>> -> memref<!tpu.dma_semaphore, #tpu.memory_space<semaphore_mem>>
    %dma_start3A_20 = arith.constant 0 : i32
    %dma_start3A_21 = tpu.memref_slice %arg9[%rem3A_12, %dma_start3A_20] : memref<8x80xi32, #tpu.memory_space<vmem>> -> memref<1x80xi32, #tpu.memory_space<vmem>>
    %dma_start3A_22 = tpu.memref_squeeze %dma_start3A_21 : memref<1x80xi32, #tpu.memory_space<vmem>> -> memref<80xi32, #tpu.memory_space<vmem>>
    %dma_start3A_23 = tpu.memref_slice %arg4[%multiple_of3A] : memref<320000xi32, #tpu.memory_space<hbm>> -> memref<80xi32, #tpu.memory_space<hbm>>
    tpu.enqueue_dma source(%dma_start3A_23 : memref<80xi32, #tpu.memory_space<hbm>>) target(%dma_start3A_22 : memref<80xi32, #tpu.memory_space<vmem>>) target_semaphore(%dma_start3A_19 : memref<!tpu.dma_semaphore, #tpu.memory_space<semaphore_mem>>)
    %rem3A_24 = arith.constant 1 : i32
    %rem3A_25 = arith.constant 8 : i32
    %rem3A_26 = arith.remsi %rem3A_24, %rem3A_25 : i32
    %add3A_27 = arith.constant 80 : i32
    %add3A_28 = arith.addi %mul3A_10, %add3A_27 : i32
    %multiple_of3A_29 = tpu.assume_multiple %add3A_28, 8 : i32
    %dma_start3A_30 = arith.constant 0 : i32
    %dma_start3A_31 = tpu.memref_slice %arg9[%rem3A_26, %dma_start3A_30] : memref<8x80xi32, #tpu.memory_space<vmem>> -> memref<1x80xi32, #tpu.memory_space<vmem>>
    %dma_start3A_32 = tpu.memref_squeeze %dma_start3A_31 : memref<1x80xi32, #tpu.memory_space<vmem>> -> memref<80xi32, #tpu.memory_space<vmem>>
    %dma_start3A_33 = tpu.memref_slice %arg4[%multiple_of3A_29] : memref<320000xi32, #tpu.memory_space<hbm>> -> memref<80xi32, #tpu.memory_space<hbm>>
    %dma_start3A_34 = tpu.memref_slice %arg11[%rem3A_26] : memref<8x!tpu.dma_semaphore, #tpu.memory_space<semaphore_mem>> -> memref<1x!tpu.dma_semaphore, #tpu.memory_space<semaphore_mem>>
    %dma_start3A_35 = tpu.memref_squeeze %dma_start3A_34 : memref<1x!tpu.dma_semaphore, #tpu.memory_space<semaphore_mem>> -> memref<!tpu.dma_semaphore, #tpu.memory_space<semaphore_mem>>
    %dma_start3A_36 = arith.constant 0 : i32
    %dma_start3A_37 = tpu.memref_slice %arg9[%rem3A_26, %dma_start3A_36] : memref<8x80xi32, #tpu.memory_space<vmem>> -> memref<1x80xi32, #tpu.memory_space<vmem>>
    %dma_start3A_38 = tpu.memref_squeeze %dma_start3A_37 : memref<1x80xi32, #tpu.memory_space<vmem>> -> memref<80xi32, #tpu.memory_space<vmem>>
    %dma_start3A_39 = tpu.memref_slice %arg4[%multiple_of3A_29] : memref<320000xi32, #tpu.memory_space<hbm>> -> memref<80xi32, #tpu.memory_space<hbm>>
    tpu.enqueue_dma source(%dma_start3A_39 : memref<80xi32, #tpu.memory_space<hbm>>) target(%dma_start3A_38 : memref<80xi32, #tpu.memory_space<vmem>>) target_semaphore(%dma_start3A_35 : memref<!tpu.dma_semaphore, #tpu.memory_space<semaphore_mem>>)
    %rem3A_40 = arith.constant 2 : i32
    %rem3A_41 = arith.constant 8 : i32
    %rem3A_42 = arith.remsi %rem3A_40, %rem3A_41 : i32
    %add3A_43 = arith.constant 160 : i32
    %add3A_44 = arith.addi %mul3A_10, %add3A_43 : i32
    %multiple_of3A_45 = tpu.assume_multiple %add3A_44, 8 : i32
    %dma_start3A_46 = arith.constant 0 : i32
    %dma_start3A_47 = tpu.memref_slice %arg9[%rem3A_42, %dma_start3A_46] : memref<8x80xi32, #tpu.memory_space<vmem>> -> memref<1x80xi32, #tpu.memory_space<vmem>>
    %dma_start3A_48 = tpu.memref_squeeze %dma_start3A_47 : memref<1x80xi32, #tpu.memory_space<vmem>> -> memref<80xi32, #tpu.memory_space<vmem>>
    %dma_start3A_49 = tpu.memref_slice %arg4[%multiple_of3A_45] : memref<320000xi32, #tpu.memory_space<hbm>> -> memref<80xi32, #tpu.memory_space<hbm>>
    %dma_start3A_50 = tpu.memref_slice %arg11[%rem3A_42] : memref<8x!tpu.dma_semaphore, #tpu.memory_space<semaphore_mem>> -> memref<1x!tpu.dma_semaphore, #tpu.memory_space<semaphore_mem>>
    %dma_start3A_51 = tpu.memref_squeeze %dma_start3A_50 : memref<1x!tpu.dma_semaphore, #tpu.memory_space<semaphore_mem>> -> memref<!tpu.dma_semaphore, #tpu.memory_space<semaphore_mem>>
    %dma_start3A_52 = arith.constant 0 : i32
    %dma_start3A_53 = tpu.memref_slice %arg9[%rem3A_42, %dma_start3A_52] : memref<8x80xi32, #tpu.memory_space<vmem>> -> memref<1x80xi32, #tpu.memory_space<vmem>>
    %dma_start3A_54 = tpu.memref_squeeze %dma_start3A_53 : memref<1x80xi32, #tpu.memory_space<vmem>> -> memref<80xi32, #tpu.memory_space<vmem>>
    %dma_start3A_55 = tpu.memref_slice %arg4[%multiple_of3A_45] : memref<320000xi32, #tpu.memory_space<hbm>> -> memref<80xi32, #tpu.memory_space<hbm>>
    tpu.enqueue_dma source(%dma_start3A_55 : memref<80xi32, #tpu.memory_space<hbm>>) target(%dma_start3A_54 : memref<80xi32, #tpu.memory_space<vmem>>) target_semaphore(%dma_start3A_51 : memref<!tpu.dma_semaphore, #tpu.memory_space<semaphore_mem>>)
    %rem3A_56 = arith.constant 3 : i32
    %rem3A_57 = arith.constant 8 : i32
    %rem3A_58 = arith.remsi %rem3A_56, %rem3A_57 : i32
    %add3A_59 = arith.constant 240 : i32
    %add3A_60 = arith.addi %mul3A_10, %add3A_59 : i32
    %multiple_of3A_61 = tpu.assume_multiple %add3A_60, 8 : i32
    %dma_start3A_62 = arith.constant 0 : i32
    %dma_start3A_63 = tpu.memref_slice %arg9[%rem3A_58, %dma_start3A_62] : memref<8x80xi32, #tpu.memory_space<vmem>> -> memref<1x80xi32, #tpu.memory_space<vmem>>
    %dma_start3A_64 = tpu.memref_squeeze %dma_start3A_63 : memref<1x80xi32, #tpu.memory_space<vmem>> -> memref<80xi32, #tpu.memory_space<vmem>>
    %dma_start3A_65 = tpu.memref_slice %arg4[%multiple_of3A_61] : memref<320000xi32, #tpu.memory_space<hbm>> -> memref<80xi32, #tpu.memory_space<hbm>>
    %dma_start3A_66 = tpu.memref_slice %arg11[%rem3A_58] : memref<8x!tpu.dma_semaphore, #tpu.memory_space<semaphore_mem>> -> memref<1x!tpu.dma_semaphore, #tpu.memory_space<semaphore_mem>>
    %dma_start3A_67 = tpu.memref_squeeze %dma_start3A_66 : memref<1x!tpu.dma_semaphore, #tpu.memory_space<semaphore_mem>> -> memref<!tpu.dma_semaphore, #tpu.memory_space<semaphore_mem>>
    %dma_start3A_68 = arith.constant 0 : i32
    %dma_start3A_69 = tpu.memref_slice %arg9[%rem3A_58, %dma_start3A_68] : memref<8x80xi32, #tpu.memory_space<vmem>> -> memref<1x80xi32, #tpu.memory_space<vmem>>
    %dma_start3A_70 = tpu.memref_squeeze %dma_start3A_69 : memref<1x80xi32, #tpu.memory_space<vmem>> -> memref<80xi32, #tpu.memory_space<vmem>>
    %dma_start3A_71 = tpu.memref_slice %arg4[%multiple_of3A_61] : memref<320000xi32, #tpu.memory_space<hbm>> -> memref<80xi32, #tpu.memory_space<hbm>>
    tpu.enqueue_dma source(%dma_start3A_71 : memref<80xi32, #tpu.memory_space<hbm>>) target(%dma_start3A_70 : memref<80xi32, #tpu.memory_space<vmem>>) target_semaphore(%dma_start3A_67 : memref<!tpu.dma_semaphore, #tpu.memory_space<semaphore_mem>>)
    %rem3A_72 = arith.constant 4 : i32
    %rem3A_73 = arith.constant 8 : i32
    %rem3A_74 = arith.remsi %rem3A_72, %rem3A_73 : i32
    %add3A_75 = arith.constant 320 : i32
    %add3A_76 = arith.addi %mul3A_10, %add3A_75 : i32
    %multiple_of3A_77 = tpu.assume_multiple %add3A_76, 8 : i32
    %dma_start3A_78 = arith.constant 0 : i32
    %dma_start3A_79 = tpu.memref_slice %arg9[%rem3A_74, %dma_start3A_78] : memref<8x80xi32, #tpu.memory_space<vmem>> -> memref<1x80xi32, #tpu.memory_space<vmem>>
    %dma_start3A_80 = tpu.memref_squeeze %dma_start3A_79 : memref<1x80xi32, #tpu.memory_space<vmem>> -> memref<80xi32, #tpu.memory_space<vmem>>
    %dma_start3A_81 = tpu.memref_slice %arg4[%multiple_of3A_77] : memref<320000xi32, #tpu.memory_space<hbm>> -> memref<80xi32, #tpu.memory_space<hbm>>
    %dma_start3A_82 = tpu.memref_slice %arg11[%rem3A_74] : memref<8x!tpu.dma_semaphore, #tpu.memory_space<semaphore_mem>> -> memref<1x!tpu.dma_semaphore, #tpu.memory_space<semaphore_mem>>
    %dma_start3A_83 = tpu.memref_squeeze %dma_start3A_82 : memref<1x!tpu.dma_semaphore, #tpu.memory_space<semaphore_mem>> -> memref<!tpu.dma_semaphore, #tpu.memory_space<semaphore_mem>>
    %dma_start3A_84 = arith.constant 0 : i32
    %dma_start3A_85 = tpu.memref_slice %arg9[%rem3A_74, %dma_start3A_84] : memref<8x80xi32, #tpu.memory_space<vmem>> -> memref<1x80xi32, #tpu.memory_space<vmem>>
    %dma_start3A_86 = tpu.memref_squeeze %dma_start3A_85 : memref<1x80xi32, #tpu.memory_space<vmem>> -> memref<80xi32, #tpu.memory_space<vmem>>
    %dma_start3A_87 = tpu.memref_slice %arg4[%multiple_of3A_77] : memref<320000xi32, #tpu.memory_space<hbm>> -> memref<80xi32, #tpu.memory_space<hbm>>
    tpu.enqueue_dma source(%dma_start3A_87 : memref<80xi32, #tpu.memory_space<hbm>>) target(%dma_start3A_86 : memref<80xi32, #tpu.memory_space<vmem>>) target_semaphore(%dma_start3A_83 : memref<!tpu.dma_semaphore, #tpu.memory_space<semaphore_mem>>)
    %scan3A = arith.constant 0 : i32
    %scan3A_88 = arith.constant 0 : i32
    %scan3A_89 = arith.constant 125 : i32
    %scan3A_90 = arith.addi %scan3A_88, %scan3A_89 : i32
    %scan3A_91 = arith.constant 1 : i32
    scf.for %scan3A_149 = %scan3A_88 to %scan3A_90 step %scan3A_91  : i32 {
      %rem3A_150 = arith.constant 8 : i32
      %rem3A_151 = arith.remsi %scan3A_149, %rem3A_150 : i32
      %mul3A_152 = arith.constant 80 : i32
      %mul3A_153 = arith.muli %scan3A_149, %mul3A_152 : i32
      %add3A_154 = arith.addi %mul3A_10, %mul3A_153 : i32
      %multiple_of3A_155 = tpu.assume_multiple %add3A_154, 8 : i32
      %dma_wait3A_156 = arith.constant 0 : i32
      %dma_wait3A_157 = tpu.memref_slice %arg9[%rem3A_151, %dma_wait3A_156] : memref<8x80xi32, #tpu.memory_space<vmem>> -> memref<1x80xi32, #tpu.memory_space<vmem>>
      %dma_wait3A_158 = tpu.memref_squeeze %dma_wait3A_157 : memref<1x80xi32, #tpu.memory_space<vmem>> -> memref<80xi32, #tpu.memory_space<vmem>>
      %dma_wait3A_159 = tpu.memref_slice %arg4[%multiple_of3A_155] : memref<320000xi32, #tpu.memory_space<hbm>> -> memref<80xi32, #tpu.memory_space<hbm>>
      %dma_wait3A_160 = tpu.memref_slice %arg11[%rem3A_151] : memref<8x!tpu.dma_semaphore, #tpu.memory_space<semaphore_mem>> -> memref<1x!tpu.dma_semaphore, #tpu.memory_space<semaphore_mem>>
      %dma_wait3A_161 = tpu.memref_squeeze %dma_wait3A_160 : memref<1x!tpu.dma_semaphore, #tpu.memory_space<semaphore_mem>> -> memref<!tpu.dma_semaphore, #tpu.memory_space<semaphore_mem>>
      %dma_wait3A_162 = arith.constant 0 : i32
      %dma_wait3A_163 = tpu.memref_slice %arg9[%rem3A_151, %dma_wait3A_162] : memref<8x80xi32, #tpu.memory_space<vmem>> -> memref<1x80xi32, #tpu.memory_space<vmem>>
      %dma_wait3A_164 = tpu.memref_squeeze %dma_wait3A_163 : memref<1x80xi32, #tpu.memory_space<vmem>> -> memref<80xi32, #tpu.memory_space<vmem>>
      %dma_wait3A_165 = tpu.memref_slice %arg4[%multiple_of3A_155] : memref<320000xi32, #tpu.memory_space<hbm>> -> memref<80xi32, #tpu.memory_space<hbm>>
      tpu.wait_dma2 semaphore(%dma_wait3A_161 : memref<!tpu.dma_semaphore, #tpu.memory_space<semaphore_mem>>) src(%dma_wait3A_165 : memref<80xi32, #tpu.memory_space<hbm>>) dst(%dma_wait3A_164 : memref<80xi32, #tpu.memory_space<vmem>>)
      %ge3A = arith.constant 4 : i32
      %ge3A_166 = arith.cmpi sge, %scan3A_149, %ge3A : i32
      %convert_element_type3A_167 = arith.extui %ge3A_166 : i1 to i32
      %cond3A_168 = arith.constant 0 : i32
      %cond3A_169 = arith.cmpi ne, %convert_element_type3A_167, %cond3A_168 : i32
      scf.if %cond3A_169 {
        %sub3A = arith.constant 4 : i32
        %sub3A_188 = arith.subi %scan3A_149, %sub3A : i32
        %rem3A_189 = arith.constant 8 : i32
        %rem3A_190 = arith.remsi %sub3A_188, %rem3A_189 : i32
        %rem3A_191 = arith.constant 4 : i32
        %rem3A_192 = arith.remsi %sub3A_188, %rem3A_191 : i32
        %dma_wait3A_193 = arith.constant 0 : i32
        %dma_wait3A_194 = tpu.memref_slice %arg9[%rem3A_190, %dma_wait3A_193] : memref<8x80xi32, #tpu.memory_space<vmem>> -> memref<1x80xi32, #tpu.memory_space<vmem>>
        %dma_wait3A_195 = tpu.memref_squeeze %dma_wait3A_194 : memref<1x80xi32, #tpu.memory_space<vmem>> -> memref<80xi32, #tpu.memory_space<vmem>>
        %dma_wait3A_196 = arith.constant 0 : i32
        %dma_wait3A_197 = arith.constant 0 : i32
        %dma_wait3A_198 = tpu.memref_slice %arg7[%dma_wait3A_196, %dma_wait3A_197] : memref<10112x16xf32, #tpu.memory_space<vmem_shared>> -> memref<10112x16xf32, #tpu.memory_space<vmem_shared>>
        %dma_wait3A_199 = tpu.memref_slice %arg13[%rem3A_192] : memref<4x!tpu.dma_semaphore, #tpu.memory_space<semaphore_mem>> -> memref<1x!tpu.dma_semaphore, #tpu.memory_space<semaphore_mem>>
        %dma_wait3A_200 = tpu.memref_squeeze %dma_wait3A_199 : memref<1x!tpu.dma_semaphore, #tpu.memory_space<semaphore_mem>> -> memref<!tpu.dma_semaphore, #tpu.memory_space<semaphore_mem>>
        tpu.wait_indirect_dma semaphore(%dma_wait3A_200 : memref<!tpu.dma_semaphore, #tpu.memory_space<semaphore_mem>>) src(%arg10 : memref<80x16xf32, #tpu.memory_space<vmem>>) dst(%dma_wait3A_198 : memref<10112x16xf32, #tpu.memory_space<vmem_shared>>)
      } else {
      }
      %rem3A_170 = arith.constant 8 : i32
      %rem3A_171 = arith.remsi %scan3A_149, %rem3A_170 : i32
      %rem3A_172 = arith.constant 4 : i32
      %rem3A_173 = arith.remsi %scan3A_149, %rem3A_172 : i32
      %dma_start3A_174 = arith.constant 0 : i32
      %dma_start3A_175 = tpu.memref_slice %arg9[%rem3A_171, %dma_start3A_174] : memref<8x80xi32, #tpu.memory_space<vmem>> -> memref<1x80xi32, #tpu.memory_space<vmem>>
      %dma_start3A_176 = tpu.memref_squeeze %dma_start3A_175 : memref<1x80xi32, #tpu.memory_space<vmem>> -> memref<80xi32, #tpu.memory_space<vmem>>
      %dma_start3A_177 = arith.constant 0 : i32
      %dma_start3A_178 = arith.constant 0 : i32
      %dma_start3A_179 = tpu.memref_slice %arg7[%dma_start3A_177, %dma_start3A_178] : memref<10112x16xf32, #tpu.memory_space<vmem_shared>> -> memref<10112x16xf32, #tpu.memory_space<vmem_shared>>
      %dma_start3A_180 = tpu.memref_slice %arg13[%rem3A_173] : memref<4x!tpu.dma_semaphore, #tpu.memory_space<semaphore_mem>> -> memref<1x!tpu.dma_semaphore, #tpu.memory_space<semaphore_mem>>
      %dma_start3A_181 = tpu.memref_squeeze %dma_start3A_180 : memref<1x!tpu.dma_semaphore, #tpu.memory_space<semaphore_mem>> -> memref<!tpu.dma_semaphore, #tpu.memory_space<semaphore_mem>>
      tpu.enqueue_indirect_dma source(%arg10 : memref<80x16xf32, #tpu.memory_space<vmem>>) target(%dma_start3A_179 : memref<10112x16xf32, #tpu.memory_space<vmem_shared>>) offsets(%dma_start3A_176 : memref<80xi32, #tpu.memory_space<vmem>>) semaphore(%dma_start3A_181 : memref<!tpu.dma_semaphore, #tpu.memory_space<semaphore_mem>>) {add = true}
      %add3A_182 = arith.constant 5 : i32
      %add3A_183 = arith.addi %scan3A_149, %add3A_182 : i32
      %lt3A = arith.constant 125 : i32
      %lt3A_184 = arith.cmpi slt, %add3A_183, %lt3A : i32
      %convert_element_type3A_185 = arith.extui %lt3A_184 : i1 to i32
      %cond3A_186 = arith.constant 0 : i32
      %cond3A_187 = arith.cmpi ne, %convert_element_type3A_185, %cond3A_186 : i32
      scf.if %cond3A_187 {
        %rem3A_188 = arith.constant 8 : i32
        %rem3A_189 = arith.remsi %add3A_183, %rem3A_188 : i32
        %mul3A_190 = arith.constant 80 : i32
        %mul3A_191 = arith.muli %add3A_183, %mul3A_190 : i32
        %add3A_192 = arith.addi %mul3A_10, %mul3A_191 : i32
        %multiple_of3A_193 = tpu.assume_multiple %add3A_192, 8 : i32
        %dma_start3A_194 = arith.constant 0 : i32
        %dma_start3A_195 = tpu.memref_slice %arg9[%rem3A_189, %dma_start3A_194] : memref<8x80xi32, #tpu.memory_space<vmem>> -> memref<1x80xi32, #tpu.memory_space<vmem>>
        %dma_start3A_196 = tpu.memref_squeeze %dma_start3A_195 : memref<1x80xi32, #tpu.memory_space<vmem>> -> memref<80xi32, #tpu.memory_space<vmem>>
        %dma_start3A_197 = tpu.memref_slice %arg4[%multiple_of3A_193] : memref<320000xi32, #tpu.memory_space<hbm>> -> memref<80xi32, #tpu.memory_space<hbm>>
        %dma_start3A_198 = tpu.memref_slice %arg11[%rem3A_189] : memref<8x!tpu.dma_semaphore, #tpu.memory_space<semaphore_mem>> -> memref<1x!tpu.dma_semaphore, #tpu.memory_space<semaphore_mem>>
        %dma_start3A_199 = tpu.memref_squeeze %dma_start3A_198 : memref<1x!tpu.dma_semaphore, #tpu.memory_space<semaphore_mem>> -> memref<!tpu.dma_semaphore, #tpu.memory_space<semaphore_mem>>
        %dma_start3A_200 = arith.constant 0 : i32
        %dma_start3A_201 = tpu.memref_slice %arg9[%rem3A_189, %dma_start3A_200] : memref<8x80xi32, #tpu.memory_space<vmem>> -> memref<1x80xi32, #tpu.memory_space<vmem>>
        %dma_start3A_202 = tpu.memref_squeeze %dma_start3A_201 : memref<1x80xi32, #tpu.memory_space<vmem>> -> memref<80xi32, #tpu.memory_space<vmem>>
        %dma_start3A_203 = tpu.memref_slice %arg4[%multiple_of3A_193] : memref<320000xi32, #tpu.memory_space<hbm>> -> memref<80xi32, #tpu.memory_space<hbm>>
        tpu.enqueue_dma source(%dma_start3A_203 : memref<80xi32, #tpu.memory_space<hbm>>) target(%dma_start3A_202 : memref<80xi32, #tpu.memory_space<vmem>>) target_semaphore(%dma_start3A_199 : memref<!tpu.dma_semaphore, #tpu.memory_space<semaphore_mem>>)
      } else {
      }
    }
    %scan3A_92 = arith.constant 125 : i32
    %rem3A_93 = arith.constant 121 : i32
    %rem3A_94 = arith.constant 8 : i32
    %rem3A_95 = arith.remsi %rem3A_93, %rem3A_94 : i32
    %rem3A_96 = arith.constant 121 : i32
    %rem3A_97 = arith.constant 4 : i32
    %rem3A_98 = arith.remsi %rem3A_96, %rem3A_97 : i32
    %dma_wait3A = arith.constant 0 : i32
    %dma_wait3A_99 = tpu.memref_slice %arg9[%rem3A_95, %dma_wait3A] : memref<8x80xi32, #tpu.memory_space<vmem>> -> memref<1x80xi32, #tpu.memory_space<vmem>>
    %dma_wait3A_100 = tpu.memref_squeeze %dma_wait3A_99 : memref<1x80xi32, #tpu.memory_space<vmem>> -> memref<80xi32, #tpu.memory_space<vmem>>
    %dma_wait3A_101 = arith.constant 0 : i32
    %dma_wait3A_102 = arith.constant 0 : i32
    %dma_wait3A_103 = tpu.memref_slice %arg7[%dma_wait3A_101, %dma_wait3A_102] : memref<10112x16xf32, #tpu.memory_space<vmem_shared>> -> memref<10112x16xf32, #tpu.memory_space<vmem_shared>>
    %dma_wait3A_104 = tpu.memref_slice %arg13[%rem3A_98] : memref<4x!tpu.dma_semaphore, #tpu.memory_space<semaphore_mem>> -> memref<1x!tpu.dma_semaphore, #tpu.memory_space<semaphore_mem>>
    %dma_wait3A_105 = tpu.memref_squeeze %dma_wait3A_104 : memref<1x!tpu.dma_semaphore, #tpu.memory_space<semaphore_mem>> -> memref<!tpu.dma_semaphore, #tpu.memory_space<semaphore_mem>>
    tpu.wait_indirect_dma semaphore(%dma_wait3A_105 : memref<!tpu.dma_semaphore, #tpu.memory_space<semaphore_mem>>) src(%arg10 : memref<80x16xf32, #tpu.memory_space<vmem>>) dst(%dma_wait3A_103 : memref<10112x16xf32, #tpu.memory_space<vmem_shared>>)
    %rem3A_106 = arith.constant 122 : i32
    %rem3A_107 = arith.constant 8 : i32
    %rem3A_108 = arith.remsi %rem3A_106, %rem3A_107 : i32
    %rem3A_109 = arith.constant 122 : i32
    %rem3A_110 = arith.constant 4 : i32
    %rem3A_111 = arith.remsi %rem3A_109, %rem3A_110 : i32
    %dma_wait3A_112 = arith.constant 0 : i32
    %dma_wait3A_113 = tpu.memref_slice %arg9[%rem3A_108, %dma_wait3A_112] : memref<8x80xi32, #tpu.memory_space<vmem>> -> memref<1x80xi32, #tpu.memory_space<vmem>>
    %dma_wait3A_114 = tpu.memref_squeeze %dma_wait3A_113 : memref<1x80xi32, #tpu.memory_space<vmem>> -> memref<80xi32, #tpu.memory_space<vmem>>
    %dma_wait3A_115 = arith.constant 0 : i32
    %dma_wait3A_116 = arith.constant 0 : i32
    %dma_wait3A_117 = tpu.memref_slice %arg7[%dma_wait3A_115, %dma_wait3A_116] : memref<10112x16xf32, #tpu.memory_space<vmem_shared>> -> memref<10112x16xf32, #tpu.memory_space<vmem_shared>>
    %dma_wait3A_118 = tpu.memref_slice %arg13[%rem3A_111] : memref<4x!tpu.dma_semaphore, #tpu.memory_space<semaphore_mem>> -> memref<1x!tpu.dma_semaphore, #tpu.memory_space<semaphore_mem>>
    %dma_wait3A_119 = tpu.memref_squeeze %dma_wait3A_118 : memref<1x!tpu.dma_semaphore, #tpu.memory_space<semaphore_mem>> -> memref<!tpu.dma_semaphore, #tpu.memory_space<semaphore_mem>>
    tpu.wait_indirect_dma semaphore(%dma_wait3A_119 : memref<!tpu.dma_semaphore, #tpu.memory_space<semaphore_mem>>) src(%arg10 : memref<80x16xf32, #tpu.memory_space<vmem>>) dst(%dma_wait3A_117 : memref<10112x16xf32, #tpu.memory_space<vmem_shared>>)
    %rem3A_120 = arith.constant 123 : i32
    %rem3A_121 = arith.constant 8 : i32
    %rem3A_122 = arith.remsi %rem3A_120, %rem3A_121 : i32
    %rem3A_123 = arith.constant 123 : i32
    %rem3A_124 = arith.constant 4 : i32
    %rem3A_125 = arith.remsi %rem3A_123, %rem3A_124 : i32
    %dma_wait3A_126 = arith.constant 0 : i32
    %dma_wait3A_127 = tpu.memref_slice %arg9[%rem3A_122, %dma_wait3A_126] : memref<8x80xi32, #tpu.memory_space<vmem>> -> memref<1x80xi32, #tpu.memory_space<vmem>>
    %dma_wait3A_128 = tpu.memref_squeeze %dma_wait3A_127 : memref<1x80xi32, #tpu.memory_space<vmem>> -> memref<80xi32, #tpu.memory_space<vmem>>
    %dma_wait3A_129 = arith.constant 0 : i32
    %dma_wait3A_130 = arith.constant 0 : i32
    %dma_wait3A_131 = tpu.memref_slice %arg7[%dma_wait3A_129, %dma_wait3A_130] : memref<10112x16xf32, #tpu.memory_space<vmem_shared>> -> memref<10112x16xf32, #tpu.memory_space<vmem_shared>>
    %dma_wait3A_132 = tpu.memref_slice %arg13[%rem3A_125] : memref<4x!tpu.dma_semaphore, #tpu.memory_space<semaphore_mem>> -> memref<1x!tpu.dma_semaphore, #tpu.memory_space<semaphore_mem>>
    %dma_wait3A_133 = tpu.memref_squeeze %dma_wait3A_132 : memref<1x!tpu.dma_semaphore, #tpu.memory_space<semaphore_mem>> -> memref<!tpu.dma_semaphore, #tpu.memory_space<semaphore_mem>>
    tpu.wait_indirect_dma semaphore(%dma_wait3A_133 : memref<!tpu.dma_semaphore, #tpu.memory_space<semaphore_mem>>) src(%arg10 : memref<80x16xf32, #tpu.memory_space<vmem>>) dst(%dma_wait3A_131 : memref<10112x16xf32, #tpu.memory_space<vmem_shared>>)
    %rem3A_134 = arith.constant 124 : i32
    %rem3A_135 = arith.constant 8 : i32
    %rem3A_136 = arith.remsi %rem3A_134, %rem3A_135 : i32
    %rem3A_137 = arith.constant 124 : i32
    %rem3A_138 = arith.constant 4 : i32
    %rem3A_139 = arith.remsi %rem3A_137, %rem3A_138 : i32
    %dma_wait3A_140 = arith.constant 0 : i32
    %dma_wait3A_141 = tpu.memref_slice %arg9[%rem3A_136, %dma_wait3A_140] : memref<8x80xi32, #tpu.memory_space<vmem>> -> memref<1x80xi32, #tpu.memory_space<vmem>>
    %dma_wait3A_142 = tpu.memref_squeeze %dma_wait3A_141 : memref<1x80xi32, #tpu.memory_space<vmem>> -> memref<80xi32, #tpu.memory_space<vmem>>
    %dma_wait3A_143 = arith.constant 0 : i32
    %dma_wait3A_144 = arith.constant 0 : i32
    %dma_wait3A_145 = tpu.memref_slice %arg7[%dma_wait3A_143, %dma_wait3A_144] : memref<10112x16xf32, #tpu.memory_space<vmem_shared>> -> memref<10112x16xf32, #tpu.memory_space<vmem_shared>>
    %dma_wait3A_146 = tpu.memref_slice %arg13[%rem3A_139] : memref<4x!tpu.dma_semaphore, #tpu.memory_space<semaphore_mem>> -> memref<1x!tpu.dma_semaphore, #tpu.memory_space<semaphore_mem>>
    %dma_wait3A_147 = tpu.memref_squeeze %dma_wait3A_146 : memref<1x!tpu.dma_semaphore, #tpu.memory_space<semaphore_mem>> -> memref<!tpu.dma_semaphore, #tpu.memory_space<semaphore_mem>>
    tpu.wait_indirect_dma semaphore(%dma_wait3A_147 : memref<!tpu.dma_semaphore, #tpu.memory_space<semaphore_mem>>) src(%arg10 : memref<80x16xf32, #tpu.memory_space<vmem>>) dst(%dma_wait3A_145 : memref<10112x16xf32, #tpu.memory_space<vmem_shared>>)
    %barrier3A_148 = arith.constant 0 : index
    tpu.barrier barrier_id(%barrier3A_148)
    "tpu.region"() ({
      %run_scoped3A = tpu.sem_alloc : memref<!tpu.dma_semaphore, #tpu.memory_space<semaphore_mem>>
      %dma_start3A_149 = arith.constant 0 : i32
      %dma_start3A_150 = tpu.memref_slice %arg6[%arg0, %mul3A_2, %dma_start3A_149] : memref<2x10112x16xf32, #tpu.memory_space<hbm>> -> memref<1x632x16xf32, #tpu.memory_space<hbm>>
      %dma_start3A_151 = tpu.memref_squeeze %dma_start3A_150 : memref<1x632x16xf32, #tpu.memory_space<hbm>> -> memref<632x16xf32, #tpu.memory_space<hbm>>
      %dma_start3A_152 = arith.constant 0 : i32
      %dma_start3A_153 = tpu.memref_slice %arg7[%mul3A_2, %dma_start3A_152] : memref<10112x16xf32, #tpu.memory_space<vmem_shared>> -> memref<632x16xf32, #tpu.memory_space<vmem_shared>>
      tpu.enqueue_dma source(%dma_start3A_153 : memref<632x16xf32, #tpu.memory_space<vmem_shared>>) target(%dma_start3A_151 : memref<632x16xf32, #tpu.memory_space<hbm>>) target_semaphore(%run_scoped3A : memref<!tpu.dma_semaphore, #tpu.memory_space<semaphore_mem>>)
      %dma_wait3A_154 = arith.constant 0 : i32
      %dma_wait3A_155 = tpu.memref_slice %arg6[%arg0, %mul3A_2, %dma_wait3A_154] : memref<2x10112x16xf32, #tpu.memory_space<hbm>> -> memref<1x632x16xf32, #tpu.memory_space<hbm>>
      %dma_wait3A_156 = tpu.memref_squeeze %dma_wait3A_155 : memref<1x632x16xf32, #tpu.memory_space<hbm>> -> memref<632x16xf32, #tpu.memory_space<hbm>>
      %dma_wait3A_157 = arith.constant 0 : i32
      %dma_wait3A_158 = tpu.memref_slice %arg7[%mul3A_2, %dma_wait3A_157] : memref<10112x16xf32, #tpu.memory_space<vmem_shared>> -> memref<632x16xf32, #tpu.memory_space<vmem_shared>>
      tpu.wait_dma2 semaphore(%run_scoped3A : memref<!tpu.dma_semaphore, #tpu.memory_space<semaphore_mem>>) src(%dma_wait3A_158 : memref<632x16xf32, #tpu.memory_space<vmem_shared>>) dst(%dma_wait3A_156 : memref<632x16xf32, #tpu.memory_space<hbm>>)
      tpu.yield
    }) : () -> ()
    return
  }
}

#map = affine_map<(d0, d1) -> (0, 0)>
#map1 = affine_map<(d0, d1) -> (0)>
#map2 = affine_map<(d0, d1) -> (0, 0, 0)>
module attributes {stable_mosaic.version = 14 : i64} {
  func.func @agg(%arg0: i32, %arg1: i32, %arg2: memref<10112x128xf32, #tpu.memory_space<hbm>>, %arg3: memref<320000xi32, #tpu.memory_space<hbm>>, %arg4: memref<320000xi32, #tpu.memory_space<hbm>>, %arg5: memref<632x128xf32, #tpu.memory_space<hbm>>, %arg6: memref<2x10112x128xf32, #tpu.memory_space<hbm>>, %arg7: memref<10112x128xf32, #tpu.memory_space<vmem_shared>>, %arg8: memref<8x80xi32, #tpu.memory_space<vmem>>, %arg9: memref<8x80xi32, #tpu.memory_space<vmem>>, %arg10: memref<320x128xf32, #tpu.memory_space<vmem>>, %arg11: memref<8x!tpu.dma_semaphore, #tpu.memory_space<semaphore_mem>>, %arg12: memref<4x!tpu.dma_semaphore, #tpu.memory_space<semaphore_mem>>, %arg13: memref<4x!tpu.dma_semaphore, #tpu.memory_space<semaphore_mem>>) attributes {dimension_semantics = [#tpu.dimension_semantics<core_parallel>, #tpu.dimension_semantics<subcore_parallel>], iteration_bounds = array<i64: 2, 16>, scalar_prefetch = 0 : i64, scratch_operands = 7 : i64, tpu.core_type = #tpu.core_type<sc_vector_subcore>, window_params = [{transform_indices = #map}, {transform_indices = #map1}, {transform_indices = #map1}, {transform_indices = #map}, {transform_indices = #map2}]} {
    %mul3A = arith.constant 16 : i32
    %mul3A_0 = arith.muli %arg0, %mul3A : i32
    %add3A = arith.addi %mul3A_0, %arg1 : i32
    %mul3A_1 = arith.constant 632 : i32
    %mul3A_2 = arith.muli %arg1, %mul3A_1 : i32
    %eq3A = arith.constant 0 : i32
    %eq3A_3 = arith.cmpi eq, %arg0, %eq3A : i32
    %convert_element_type3A = arith.extui %eq3A_3 : i1 to i32
    %cond3A = arith.constant 0 : i32
    %cond3A_4 = arith.cmpi ne, %convert_element_type3A, %cond3A : i32
    scf.if %cond3A_4 {
      "tpu.region"() ({
        %run_scoped3A = tpu.sem_alloc : memref<!tpu.dma_semaphore, #tpu.memory_space<semaphore_mem>>
        %dma_start3A_342 = arith.constant 0 : i32
        %dma_start3A_343 = tpu.memref_slice %arg7[%mul3A_2, %dma_start3A_342] : memref<10112x128xf32, #tpu.memory_space<vmem_shared>> -> memref<632x128xf32, #tpu.memory_space<vmem_shared>>
        %dma_start3A_344 = arith.constant 0 : i32
        %dma_start3A_345 = tpu.memref_slice %arg2[%mul3A_2, %dma_start3A_344] : memref<10112x128xf32, #tpu.memory_space<hbm>> -> memref<632x128xf32, #tpu.memory_space<hbm>>
        tpu.enqueue_dma source(%dma_start3A_345 : memref<632x128xf32, #tpu.memory_space<hbm>>) target(%dma_start3A_343 : memref<632x128xf32, #tpu.memory_space<vmem_shared>>) target_semaphore(%run_scoped3A : memref<!tpu.dma_semaphore, #tpu.memory_space<semaphore_mem>>)
        %dma_wait3A_346 = arith.constant 0 : i32
        %dma_wait3A_347 = tpu.memref_slice %arg7[%mul3A_2, %dma_wait3A_346] : memref<10112x128xf32, #tpu.memory_space<vmem_shared>> -> memref<632x128xf32, #tpu.memory_space<vmem_shared>>
        %dma_wait3A_348 = arith.constant 0 : i32
        %dma_wait3A_349 = tpu.memref_slice %arg2[%mul3A_2, %dma_wait3A_348] : memref<10112x128xf32, #tpu.memory_space<hbm>> -> memref<632x128xf32, #tpu.memory_space<hbm>>
        tpu.wait_dma2 semaphore(%run_scoped3A : memref<!tpu.dma_semaphore, #tpu.memory_space<semaphore_mem>>) src(%dma_wait3A_349 : memref<632x128xf32, #tpu.memory_space<hbm>>) dst(%dma_wait3A_347 : memref<632x128xf32, #tpu.memory_space<vmem_shared>>)
        tpu.yield
      }) : () -> ()
    } else {
    }
    %ne3A = arith.constant 0 : i32
    %ne3A_5 = arith.cmpi ne, %arg0, %ne3A : i32
    %convert_element_type3A_6 = arith.extui %ne3A_5 : i1 to i32
    %cond3A_7 = arith.constant 0 : i32
    %cond3A_8 = arith.cmpi ne, %convert_element_type3A_6, %cond3A_7 : i32
    scf.if %cond3A_8 {
      "tpu.region"() ({
        %run_scoped3A = tpu.sem_alloc : memref<!tpu.dma_semaphore, #tpu.memory_space<semaphore_mem>>
        %dma_start3A_342 = arith.constant 0 : i32
        %dma_start3A_343 = tpu.memref_slice %arg7[%mul3A_2, %dma_start3A_342] : memref<10112x128xf32, #tpu.memory_space<vmem_shared>> -> memref<632x128xf32, #tpu.memory_space<vmem_shared>>
        tpu.enqueue_dma source(%arg5 : memref<632x128xf32, #tpu.memory_space<hbm>>) target(%dma_start3A_343 : memref<632x128xf32, #tpu.memory_space<vmem_shared>>) target_semaphore(%run_scoped3A : memref<!tpu.dma_semaphore, #tpu.memory_space<semaphore_mem>>)
        %dma_wait3A_344 = arith.constant 0 : i32
        %dma_wait3A_345 = tpu.memref_slice %arg7[%mul3A_2, %dma_wait3A_344] : memref<10112x128xf32, #tpu.memory_space<vmem_shared>> -> memref<632x128xf32, #tpu.memory_space<vmem_shared>>
        tpu.wait_dma2 semaphore(%run_scoped3A : memref<!tpu.dma_semaphore, #tpu.memory_space<semaphore_mem>>) src(%arg5 : memref<632x128xf32, #tpu.memory_space<hbm>>) dst(%dma_wait3A_345 : memref<632x128xf32, #tpu.memory_space<vmem_shared>>)
        tpu.yield
      }) : () -> ()
    } else {
    }
    %mul3A_9 = arith.constant 10000 : i32
    %mul3A_10 = arith.muli %add3A, %mul3A_9 : i32
    %barrier3A = arith.constant 0 : index
    tpu.barrier barrier_id(%barrier3A)
    %rem3A = arith.constant 0 : i32
    %rem3A_11 = arith.constant 8 : i32
    %rem3A_12 = arith.remsi %rem3A, %rem3A_11 : i32
    %add3A_13 = arith.constant 0 : i32
    %add3A_14 = arith.addi %mul3A_10, %add3A_13 : i32
    %multiple_of3A = tpu.assume_multiple %add3A_14, 8 : i32
    %dma_start3A = arith.constant 0 : i32
    %dma_start3A_15 = tpu.memref_slice %arg8[%rem3A_12, %dma_start3A] : memref<8x80xi32, #tpu.memory_space<vmem>> -> memref<1x80xi32, #tpu.memory_space<vmem>>
    %dma_start3A_16 = tpu.memref_squeeze %dma_start3A_15 : memref<1x80xi32, #tpu.memory_space<vmem>> -> memref<80xi32, #tpu.memory_space<vmem>>
    %dma_start3A_17 = tpu.memref_slice %arg3[%multiple_of3A] : memref<320000xi32, #tpu.memory_space<hbm>> -> memref<80xi32, #tpu.memory_space<hbm>>
    %dma_start3A_18 = tpu.memref_slice %arg11[%rem3A_12] : memref<8x!tpu.dma_semaphore, #tpu.memory_space<semaphore_mem>> -> memref<1x!tpu.dma_semaphore, #tpu.memory_space<semaphore_mem>>
    %dma_start3A_19 = tpu.memref_squeeze %dma_start3A_18 : memref<1x!tpu.dma_semaphore, #tpu.memory_space<semaphore_mem>> -> memref<!tpu.dma_semaphore, #tpu.memory_space<semaphore_mem>>
    %dma_start3A_20 = arith.constant 0 : i32
    %dma_start3A_21 = tpu.memref_slice %arg8[%rem3A_12, %dma_start3A_20] : memref<8x80xi32, #tpu.memory_space<vmem>> -> memref<1x80xi32, #tpu.memory_space<vmem>>
    %dma_start3A_22 = tpu.memref_squeeze %dma_start3A_21 : memref<1x80xi32, #tpu.memory_space<vmem>> -> memref<80xi32, #tpu.memory_space<vmem>>
    %dma_start3A_23 = tpu.memref_slice %arg3[%multiple_of3A] : memref<320000xi32, #tpu.memory_space<hbm>> -> memref<80xi32, #tpu.memory_space<hbm>>
    tpu.enqueue_dma source(%dma_start3A_23 : memref<80xi32, #tpu.memory_space<hbm>>) target(%dma_start3A_22 : memref<80xi32, #tpu.memory_space<vmem>>) target_semaphore(%dma_start3A_19 : memref<!tpu.dma_semaphore, #tpu.memory_space<semaphore_mem>>)
    %add3A_24 = arith.constant 0 : i32
    %add3A_25 = arith.addi %mul3A_10, %add3A_24 : i32
    %multiple_of3A_26 = tpu.assume_multiple %add3A_25, 8 : i32
    %dma_start3A_27 = arith.constant 0 : i32
    %dma_start3A_28 = tpu.memref_slice %arg9[%rem3A_12, %dma_start3A_27] : memref<8x80xi32, #tpu.memory_space<vmem>> -> memref<1x80xi32, #tpu.memory_space<vmem>>
    %dma_start3A_29 = tpu.memref_squeeze %dma_start3A_28 : memref<1x80xi32, #tpu.memory_space<vmem>> -> memref<80xi32, #tpu.memory_space<vmem>>
    %dma_start3A_30 = tpu.memref_slice %arg4[%multiple_of3A_26] : memref<320000xi32, #tpu.memory_space<hbm>> -> memref<80xi32, #tpu.memory_space<hbm>>
    %dma_start3A_31 = tpu.memref_slice %arg11[%rem3A_12] : memref<8x!tpu.dma_semaphore, #tpu.memory_space<semaphore_mem>> -> memref<1x!tpu.dma_semaphore, #tpu.memory_space<semaphore_mem>>
    %dma_start3A_32 = tpu.memref_squeeze %dma_start3A_31 : memref<1x!tpu.dma_semaphore, #tpu.memory_space<semaphore_mem>> -> memref<!tpu.dma_semaphore, #tpu.memory_space<semaphore_mem>>
    %dma_start3A_33 = arith.constant 0 : i32
    %dma_start3A_34 = tpu.memref_slice %arg9[%rem3A_12, %dma_start3A_33] : memref<8x80xi32, #tpu.memory_space<vmem>> -> memref<1x80xi32, #tpu.memory_space<vmem>>
    %dma_start3A_35 = tpu.memref_squeeze %dma_start3A_34 : memref<1x80xi32, #tpu.memory_space<vmem>> -> memref<80xi32, #tpu.memory_space<vmem>>
    %dma_start3A_36 = tpu.memref_slice %arg4[%multiple_of3A_26] : memref<320000xi32, #tpu.memory_space<hbm>> -> memref<80xi32, #tpu.memory_space<hbm>>
    tpu.enqueue_dma source(%dma_start3A_36 : memref<80xi32, #tpu.memory_space<hbm>>) target(%dma_start3A_35 : memref<80xi32, #tpu.memory_space<vmem>>) target_semaphore(%dma_start3A_32 : memref<!tpu.dma_semaphore, #tpu.memory_space<semaphore_mem>>)
    %rem3A_37 = arith.constant 1 : i32
    %rem3A_38 = arith.constant 8 : i32
    %rem3A_39 = arith.remsi %rem3A_37, %rem3A_38 : i32
    %add3A_40 = arith.constant 80 : i32
    %add3A_41 = arith.addi %mul3A_10, %add3A_40 : i32
    %multiple_of3A_42 = tpu.assume_multiple %add3A_41, 8 : i32
    %dma_start3A_43 = arith.constant 0 : i32
    %dma_start3A_44 = tpu.memref_slice %arg8[%rem3A_39, %dma_start3A_43] : memref<8x80xi32, #tpu.memory_space<vmem>> -> memref<1x80xi32, #tpu.memory_space<vmem>>
    %dma_start3A_45 = tpu.memref_squeeze %dma_start3A_44 : memref<1x80xi32, #tpu.memory_space<vmem>> -> memref<80xi32, #tpu.memory_space<vmem>>
    %dma_start3A_46 = tpu.memref_slice %arg3[%multiple_of3A_42] : memref<320000xi32, #tpu.memory_space<hbm>> -> memref<80xi32, #tpu.memory_space<hbm>>
    %dma_start3A_47 = tpu.memref_slice %arg11[%rem3A_39] : memref<8x!tpu.dma_semaphore, #tpu.memory_space<semaphore_mem>> -> memref<1x!tpu.dma_semaphore, #tpu.memory_space<semaphore_mem>>
    %dma_start3A_48 = tpu.memref_squeeze %dma_start3A_47 : memref<1x!tpu.dma_semaphore, #tpu.memory_space<semaphore_mem>> -> memref<!tpu.dma_semaphore, #tpu.memory_space<semaphore_mem>>
    %dma_start3A_49 = arith.constant 0 : i32
    %dma_start3A_50 = tpu.memref_slice %arg8[%rem3A_39, %dma_start3A_49] : memref<8x80xi32, #tpu.memory_space<vmem>> -> memref<1x80xi32, #tpu.memory_space<vmem>>
    %dma_start3A_51 = tpu.memref_squeeze %dma_start3A_50 : memref<1x80xi32, #tpu.memory_space<vmem>> -> memref<80xi32, #tpu.memory_space<vmem>>
    %dma_start3A_52 = tpu.memref_slice %arg3[%multiple_of3A_42] : memref<320000xi32, #tpu.memory_space<hbm>> -> memref<80xi32, #tpu.memory_space<hbm>>
    tpu.enqueue_dma source(%dma_start3A_52 : memref<80xi32, #tpu.memory_space<hbm>>) target(%dma_start3A_51 : memref<80xi32, #tpu.memory_space<vmem>>) target_semaphore(%dma_start3A_48 : memref<!tpu.dma_semaphore, #tpu.memory_space<semaphore_mem>>)
    %add3A_53 = arith.constant 80 : i32
    %add3A_54 = arith.addi %mul3A_10, %add3A_53 : i32
    %multiple_of3A_55 = tpu.assume_multiple %add3A_54, 8 : i32
    %dma_start3A_56 = arith.constant 0 : i32
    %dma_start3A_57 = tpu.memref_slice %arg9[%rem3A_39, %dma_start3A_56] : memref<8x80xi32, #tpu.memory_space<vmem>> -> memref<1x80xi32, #tpu.memory_space<vmem>>
    %dma_start3A_58 = tpu.memref_squeeze %dma_start3A_57 : memref<1x80xi32, #tpu.memory_space<vmem>> -> memref<80xi32, #tpu.memory_space<vmem>>
    %dma_start3A_59 = tpu.memref_slice %arg4[%multiple_of3A_55] : memref<320000xi32, #tpu.memory_space<hbm>> -> memref<80xi32, #tpu.memory_space<hbm>>
    %dma_start3A_60 = tpu.memref_slice %arg11[%rem3A_39] : memref<8x!tpu.dma_semaphore, #tpu.memory_space<semaphore_mem>> -> memref<1x!tpu.dma_semaphore, #tpu.memory_space<semaphore_mem>>
    %dma_start3A_61 = tpu.memref_squeeze %dma_start3A_60 : memref<1x!tpu.dma_semaphore, #tpu.memory_space<semaphore_mem>> -> memref<!tpu.dma_semaphore, #tpu.memory_space<semaphore_mem>>
    %dma_start3A_62 = arith.constant 0 : i32
    %dma_start3A_63 = tpu.memref_slice %arg9[%rem3A_39, %dma_start3A_62] : memref<8x80xi32, #tpu.memory_space<vmem>> -> memref<1x80xi32, #tpu.memory_space<vmem>>
    %dma_start3A_64 = tpu.memref_squeeze %dma_start3A_63 : memref<1x80xi32, #tpu.memory_space<vmem>> -> memref<80xi32, #tpu.memory_space<vmem>>
    %dma_start3A_65 = tpu.memref_slice %arg4[%multiple_of3A_55] : memref<320000xi32, #tpu.memory_space<hbm>> -> memref<80xi32, #tpu.memory_space<hbm>>
    tpu.enqueue_dma source(%dma_start3A_65 : memref<80xi32, #tpu.memory_space<hbm>>) target(%dma_start3A_64 : memref<80xi32, #tpu.memory_space<vmem>>) target_semaphore(%dma_start3A_61 : memref<!tpu.dma_semaphore, #tpu.memory_space<semaphore_mem>>)
    %rem3A_66 = arith.constant 2 : i32
    %rem3A_67 = arith.constant 8 : i32
    %rem3A_68 = arith.remsi %rem3A_66, %rem3A_67 : i32
    %add3A_69 = arith.constant 160 : i32
    %add3A_70 = arith.addi %mul3A_10, %add3A_69 : i32
    %multiple_of3A_71 = tpu.assume_multiple %add3A_70, 8 : i32
    %dma_start3A_72 = arith.constant 0 : i32
    %dma_start3A_73 = tpu.memref_slice %arg8[%rem3A_68, %dma_start3A_72] : memref<8x80xi32, #tpu.memory_space<vmem>> -> memref<1x80xi32, #tpu.memory_space<vmem>>
    %dma_start3A_74 = tpu.memref_squeeze %dma_start3A_73 : memref<1x80xi32, #tpu.memory_space<vmem>> -> memref<80xi32, #tpu.memory_space<vmem>>
    %dma_start3A_75 = tpu.memref_slice %arg3[%multiple_of3A_71] : memref<320000xi32, #tpu.memory_space<hbm>> -> memref<80xi32, #tpu.memory_space<hbm>>
    %dma_start3A_76 = tpu.memref_slice %arg11[%rem3A_68] : memref<8x!tpu.dma_semaphore, #tpu.memory_space<semaphore_mem>> -> memref<1x!tpu.dma_semaphore, #tpu.memory_space<semaphore_mem>>
    %dma_start3A_77 = tpu.memref_squeeze %dma_start3A_76 : memref<1x!tpu.dma_semaphore, #tpu.memory_space<semaphore_mem>> -> memref<!tpu.dma_semaphore, #tpu.memory_space<semaphore_mem>>
    %dma_start3A_78 = arith.constant 0 : i32
    %dma_start3A_79 = tpu.memref_slice %arg8[%rem3A_68, %dma_start3A_78] : memref<8x80xi32, #tpu.memory_space<vmem>> -> memref<1x80xi32, #tpu.memory_space<vmem>>
    %dma_start3A_80 = tpu.memref_squeeze %dma_start3A_79 : memref<1x80xi32, #tpu.memory_space<vmem>> -> memref<80xi32, #tpu.memory_space<vmem>>
    %dma_start3A_81 = tpu.memref_slice %arg3[%multiple_of3A_71] : memref<320000xi32, #tpu.memory_space<hbm>> -> memref<80xi32, #tpu.memory_space<hbm>>
    tpu.enqueue_dma source(%dma_start3A_81 : memref<80xi32, #tpu.memory_space<hbm>>) target(%dma_start3A_80 : memref<80xi32, #tpu.memory_space<vmem>>) target_semaphore(%dma_start3A_77 : memref<!tpu.dma_semaphore, #tpu.memory_space<semaphore_mem>>)
    %add3A_82 = arith.constant 160 : i32
    %add3A_83 = arith.addi %mul3A_10, %add3A_82 : i32
    %multiple_of3A_84 = tpu.assume_multiple %add3A_83, 8 : i32
    %dma_start3A_85 = arith.constant 0 : i32
    %dma_start3A_86 = tpu.memref_slice %arg9[%rem3A_68, %dma_start3A_85] : memref<8x80xi32, #tpu.memory_space<vmem>> -> memref<1x80xi32, #tpu.memory_space<vmem>>
    %dma_start3A_87 = tpu.memref_squeeze %dma_start3A_86 : memref<1x80xi32, #tpu.memory_space<vmem>> -> memref<80xi32, #tpu.memory_space<vmem>>
    %dma_start3A_88 = tpu.memref_slice %arg4[%multiple_of3A_84] : memref<320000xi32, #tpu.memory_space<hbm>> -> memref<80xi32, #tpu.memory_space<hbm>>
    %dma_start3A_89 = tpu.memref_slice %arg11[%rem3A_68] : memref<8x!tpu.dma_semaphore, #tpu.memory_space<semaphore_mem>> -> memref<1x!tpu.dma_semaphore, #tpu.memory_space<semaphore_mem>>
    %dma_start3A_90 = tpu.memref_squeeze %dma_start3A_89 : memref<1x!tpu.dma_semaphore, #tpu.memory_space<semaphore_mem>> -> memref<!tpu.dma_semaphore, #tpu.memory_space<semaphore_mem>>
    %dma_start3A_91 = arith.constant 0 : i32
    %dma_start3A_92 = tpu.memref_slice %arg9[%rem3A_68, %dma_start3A_91] : memref<8x80xi32, #tpu.memory_space<vmem>> -> memref<1x80xi32, #tpu.memory_space<vmem>>
    %dma_start3A_93 = tpu.memref_squeeze %dma_start3A_92 : memref<1x80xi32, #tpu.memory_space<vmem>> -> memref<80xi32, #tpu.memory_space<vmem>>
    %dma_start3A_94 = tpu.memref_slice %arg4[%multiple_of3A_84] : memref<320000xi32, #tpu.memory_space<hbm>> -> memref<80xi32, #tpu.memory_space<hbm>>
    tpu.enqueue_dma source(%dma_start3A_94 : memref<80xi32, #tpu.memory_space<hbm>>) target(%dma_start3A_93 : memref<80xi32, #tpu.memory_space<vmem>>) target_semaphore(%dma_start3A_90 : memref<!tpu.dma_semaphore, #tpu.memory_space<semaphore_mem>>)
    %rem3A_95 = arith.constant 3 : i32
    %rem3A_96 = arith.constant 8 : i32
    %rem3A_97 = arith.remsi %rem3A_95, %rem3A_96 : i32
    %add3A_98 = arith.constant 240 : i32
    %add3A_99 = arith.addi %mul3A_10, %add3A_98 : i32
    %multiple_of3A_100 = tpu.assume_multiple %add3A_99, 8 : i32
    %dma_start3A_101 = arith.constant 0 : i32
    %dma_start3A_102 = tpu.memref_slice %arg8[%rem3A_97, %dma_start3A_101] : memref<8x80xi32, #tpu.memory_space<vmem>> -> memref<1x80xi32, #tpu.memory_space<vmem>>
    %dma_start3A_103 = tpu.memref_squeeze %dma_start3A_102 : memref<1x80xi32, #tpu.memory_space<vmem>> -> memref<80xi32, #tpu.memory_space<vmem>>
    %dma_start3A_104 = tpu.memref_slice %arg3[%multiple_of3A_100] : memref<320000xi32, #tpu.memory_space<hbm>> -> memref<80xi32, #tpu.memory_space<hbm>>
    %dma_start3A_105 = tpu.memref_slice %arg11[%rem3A_97] : memref<8x!tpu.dma_semaphore, #tpu.memory_space<semaphore_mem>> -> memref<1x!tpu.dma_semaphore, #tpu.memory_space<semaphore_mem>>
    %dma_start3A_106 = tpu.memref_squeeze %dma_start3A_105 : memref<1x!tpu.dma_semaphore, #tpu.memory_space<semaphore_mem>> -> memref<!tpu.dma_semaphore, #tpu.memory_space<semaphore_mem>>
    %dma_start3A_107 = arith.constant 0 : i32
    %dma_start3A_108 = tpu.memref_slice %arg8[%rem3A_97, %dma_start3A_107] : memref<8x80xi32, #tpu.memory_space<vmem>> -> memref<1x80xi32, #tpu.memory_space<vmem>>
    %dma_start3A_109 = tpu.memref_squeeze %dma_start3A_108 : memref<1x80xi32, #tpu.memory_space<vmem>> -> memref<80xi32, #tpu.memory_space<vmem>>
    %dma_start3A_110 = tpu.memref_slice %arg3[%multiple_of3A_100] : memref<320000xi32, #tpu.memory_space<hbm>> -> memref<80xi32, #tpu.memory_space<hbm>>
    tpu.enqueue_dma source(%dma_start3A_110 : memref<80xi32, #tpu.memory_space<hbm>>) target(%dma_start3A_109 : memref<80xi32, #tpu.memory_space<vmem>>) target_semaphore(%dma_start3A_106 : memref<!tpu.dma_semaphore, #tpu.memory_space<semaphore_mem>>)
    %add3A_111 = arith.constant 240 : i32
    %add3A_112 = arith.addi %mul3A_10, %add3A_111 : i32
    %multiple_of3A_113 = tpu.assume_multiple %add3A_112, 8 : i32
    %dma_start3A_114 = arith.constant 0 : i32
    %dma_start3A_115 = tpu.memref_slice %arg9[%rem3A_97, %dma_start3A_114] : memref<8x80xi32, #tpu.memory_space<vmem>> -> memref<1x80xi32, #tpu.memory_space<vmem>>
    %dma_start3A_116 = tpu.memref_squeeze %dma_start3A_115 : memref<1x80xi32, #tpu.memory_space<vmem>> -> memref<80xi32, #tpu.memory_space<vmem>>
    %dma_start3A_117 = tpu.memref_slice %arg4[%multiple_of3A_113] : memref<320000xi32, #tpu.memory_space<hbm>> -> memref<80xi32, #tpu.memory_space<hbm>>
    %dma_start3A_118 = tpu.memref_slice %arg11[%rem3A_97] : memref<8x!tpu.dma_semaphore, #tpu.memory_space<semaphore_mem>> -> memref<1x!tpu.dma_semaphore, #tpu.memory_space<semaphore_mem>>
    %dma_start3A_119 = tpu.memref_squeeze %dma_start3A_118 : memref<1x!tpu.dma_semaphore, #tpu.memory_space<semaphore_mem>> -> memref<!tpu.dma_semaphore, #tpu.memory_space<semaphore_mem>>
    %dma_start3A_120 = arith.constant 0 : i32
    %dma_start3A_121 = tpu.memref_slice %arg9[%rem3A_97, %dma_start3A_120] : memref<8x80xi32, #tpu.memory_space<vmem>> -> memref<1x80xi32, #tpu.memory_space<vmem>>
    %dma_start3A_122 = tpu.memref_squeeze %dma_start3A_121 : memref<1x80xi32, #tpu.memory_space<vmem>> -> memref<80xi32, #tpu.memory_space<vmem>>
    %dma_start3A_123 = tpu.memref_slice %arg4[%multiple_of3A_113] : memref<320000xi32, #tpu.memory_space<hbm>> -> memref<80xi32, #tpu.memory_space<hbm>>
    tpu.enqueue_dma source(%dma_start3A_123 : memref<80xi32, #tpu.memory_space<hbm>>) target(%dma_start3A_122 : memref<80xi32, #tpu.memory_space<vmem>>) target_semaphore(%dma_start3A_119 : memref<!tpu.dma_semaphore, #tpu.memory_space<semaphore_mem>>)
    %rem3A_124 = arith.constant 4 : i32
    %rem3A_125 = arith.constant 8 : i32
    %rem3A_126 = arith.remsi %rem3A_124, %rem3A_125 : i32
    %add3A_127 = arith.constant 320 : i32
    %add3A_128 = arith.addi %mul3A_10, %add3A_127 : i32
    %multiple_of3A_129 = tpu.assume_multiple %add3A_128, 8 : i32
    %dma_start3A_130 = arith.constant 0 : i32
    %dma_start3A_131 = tpu.memref_slice %arg8[%rem3A_126, %dma_start3A_130] : memref<8x80xi32, #tpu.memory_space<vmem>> -> memref<1x80xi32, #tpu.memory_space<vmem>>
    %dma_start3A_132 = tpu.memref_squeeze %dma_start3A_131 : memref<1x80xi32, #tpu.memory_space<vmem>> -> memref<80xi32, #tpu.memory_space<vmem>>
    %dma_start3A_133 = tpu.memref_slice %arg3[%multiple_of3A_129] : memref<320000xi32, #tpu.memory_space<hbm>> -> memref<80xi32, #tpu.memory_space<hbm>>
    %dma_start3A_134 = tpu.memref_slice %arg11[%rem3A_126] : memref<8x!tpu.dma_semaphore, #tpu.memory_space<semaphore_mem>> -> memref<1x!tpu.dma_semaphore, #tpu.memory_space<semaphore_mem>>
    %dma_start3A_135 = tpu.memref_squeeze %dma_start3A_134 : memref<1x!tpu.dma_semaphore, #tpu.memory_space<semaphore_mem>> -> memref<!tpu.dma_semaphore, #tpu.memory_space<semaphore_mem>>
    %dma_start3A_136 = arith.constant 0 : i32
    %dma_start3A_137 = tpu.memref_slice %arg8[%rem3A_126, %dma_start3A_136] : memref<8x80xi32, #tpu.memory_space<vmem>> -> memref<1x80xi32, #tpu.memory_space<vmem>>
    %dma_start3A_138 = tpu.memref_squeeze %dma_start3A_137 : memref<1x80xi32, #tpu.memory_space<vmem>> -> memref<80xi32, #tpu.memory_space<vmem>>
    %dma_start3A_139 = tpu.memref_slice %arg3[%multiple_of3A_129] : memref<320000xi32, #tpu.memory_space<hbm>> -> memref<80xi32, #tpu.memory_space<hbm>>
    tpu.enqueue_dma source(%dma_start3A_139 : memref<80xi32, #tpu.memory_space<hbm>>) target(%dma_start3A_138 : memref<80xi32, #tpu.memory_space<vmem>>) target_semaphore(%dma_start3A_135 : memref<!tpu.dma_semaphore, #tpu.memory_space<semaphore_mem>>)
    %add3A_140 = arith.constant 320 : i32
    %add3A_141 = arith.addi %mul3A_10, %add3A_140 : i32
    %multiple_of3A_142 = tpu.assume_multiple %add3A_141, 8 : i32
    %dma_start3A_143 = arith.constant 0 : i32
    %dma_start3A_144 = tpu.memref_slice %arg9[%rem3A_126, %dma_start3A_143] : memref<8x80xi32, #tpu.memory_space<vmem>> -> memref<1x80xi32, #tpu.memory_space<vmem>>
    %dma_start3A_145 = tpu.memref_squeeze %dma_start3A_144 : memref<1x80xi32, #tpu.memory_space<vmem>> -> memref<80xi32, #tpu.memory_space<vmem>>
    %dma_start3A_146 = tpu.memref_slice %arg4[%multiple_of3A_142] : memref<320000xi32, #tpu.memory_space<hbm>> -> memref<80xi32, #tpu.memory_space<hbm>>
    %dma_start3A_147 = tpu.memref_slice %arg11[%rem3A_126] : memref<8x!tpu.dma_semaphore, #tpu.memory_space<semaphore_mem>> -> memref<1x!tpu.dma_semaphore, #tpu.memory_space<semaphore_mem>>
    %dma_start3A_148 = tpu.memref_squeeze %dma_start3A_147 : memref<1x!tpu.dma_semaphore, #tpu.memory_space<semaphore_mem>> -> memref<!tpu.dma_semaphore, #tpu.memory_space<semaphore_mem>>
    %dma_start3A_149 = arith.constant 0 : i32
    %dma_start3A_150 = tpu.memref_slice %arg9[%rem3A_126, %dma_start3A_149] : memref<8x80xi32, #tpu.memory_space<vmem>> -> memref<1x80xi32, #tpu.memory_space<vmem>>
    %dma_start3A_151 = tpu.memref_squeeze %dma_start3A_150 : memref<1x80xi32, #tpu.memory_space<vmem>> -> memref<80xi32, #tpu.memory_space<vmem>>
    %dma_start3A_152 = tpu.memref_slice %arg4[%multiple_of3A_142] : memref<320000xi32, #tpu.memory_space<hbm>> -> memref<80xi32, #tpu.memory_space<hbm>>
    tpu.enqueue_dma source(%dma_start3A_152 : memref<80xi32, #tpu.memory_space<hbm>>) target(%dma_start3A_151 : memref<80xi32, #tpu.memory_space<vmem>>) target_semaphore(%dma_start3A_148 : memref<!tpu.dma_semaphore, #tpu.memory_space<semaphore_mem>>)
    %rem3A_153 = arith.constant 0 : i32
    %rem3A_154 = arith.constant 8 : i32
    %rem3A_155 = arith.remsi %rem3A_153, %rem3A_154 : i32
    %add3A_156 = arith.constant 0 : i32
    %add3A_157 = arith.addi %mul3A_10, %add3A_156 : i32
    %multiple_of3A_158 = tpu.assume_multiple %add3A_157, 8 : i32
    %dma_wait3A = arith.constant 0 : i32
    %dma_wait3A_159 = tpu.memref_slice %arg8[%rem3A_155, %dma_wait3A] : memref<8x80xi32, #tpu.memory_space<vmem>> -> memref<1x80xi32, #tpu.memory_space<vmem>>
    %dma_wait3A_160 = tpu.memref_squeeze %dma_wait3A_159 : memref<1x80xi32, #tpu.memory_space<vmem>> -> memref<80xi32, #tpu.memory_space<vmem>>
    %dma_wait3A_161 = tpu.memref_slice %arg3[%multiple_of3A_158] : memref<320000xi32, #tpu.memory_space<hbm>> -> memref<80xi32, #tpu.memory_space<hbm>>
    %dma_wait3A_162 = tpu.memref_slice %arg11[%rem3A_155] : memref<8x!tpu.dma_semaphore, #tpu.memory_space<semaphore_mem>> -> memref<1x!tpu.dma_semaphore, #tpu.memory_space<semaphore_mem>>
    %dma_wait3A_163 = tpu.memref_squeeze %dma_wait3A_162 : memref<1x!tpu.dma_semaphore, #tpu.memory_space<semaphore_mem>> -> memref<!tpu.dma_semaphore, #tpu.memory_space<semaphore_mem>>
    %dma_wait3A_164 = arith.constant 0 : i32
    %dma_wait3A_165 = tpu.memref_slice %arg8[%rem3A_155, %dma_wait3A_164] : memref<8x80xi32, #tpu.memory_space<vmem>> -> memref<1x80xi32, #tpu.memory_space<vmem>>
    %dma_wait3A_166 = tpu.memref_squeeze %dma_wait3A_165 : memref<1x80xi32, #tpu.memory_space<vmem>> -> memref<80xi32, #tpu.memory_space<vmem>>
    %dma_wait3A_167 = tpu.memref_slice %arg3[%multiple_of3A_158] : memref<320000xi32, #tpu.memory_space<hbm>> -> memref<80xi32, #tpu.memory_space<hbm>>
    tpu.wait_dma2 semaphore(%dma_wait3A_163 : memref<!tpu.dma_semaphore, #tpu.memory_space<semaphore_mem>>) src(%dma_wait3A_167 : memref<80xi32, #tpu.memory_space<hbm>>) dst(%dma_wait3A_166 : memref<80xi32, #tpu.memory_space<vmem>>)
    %add3A_168 = arith.constant 0 : i32
    %add3A_169 = arith.addi %mul3A_10, %add3A_168 : i32
    %multiple_of3A_170 = tpu.assume_multiple %add3A_169, 8 : i32
    %dma_wait3A_171 = arith.constant 0 : i32
    %dma_wait3A_172 = tpu.memref_slice %arg9[%rem3A_155, %dma_wait3A_171] : memref<8x80xi32, #tpu.memory_space<vmem>> -> memref<1x80xi32, #tpu.memory_space<vmem>>
    %dma_wait3A_173 = tpu.memref_squeeze %dma_wait3A_172 : memref<1x80xi32, #tpu.memory_space<vmem>> -> memref<80xi32, #tpu.memory_space<vmem>>
    %dma_wait3A_174 = tpu.memref_slice %arg4[%multiple_of3A_170] : memref<320000xi32, #tpu.memory_space<hbm>> -> memref<80xi32, #tpu.memory_space<hbm>>
    %dma_wait3A_175 = tpu.memref_slice %arg11[%rem3A_155] : memref<8x!tpu.dma_semaphore, #tpu.memory_space<semaphore_mem>> -> memref<1x!tpu.dma_semaphore, #tpu.memory_space<semaphore_mem>>
    %dma_wait3A_176 = tpu.memref_squeeze %dma_wait3A_175 : memref<1x!tpu.dma_semaphore, #tpu.memory_space<semaphore_mem>> -> memref<!tpu.dma_semaphore, #tpu.memory_space<semaphore_mem>>
    %dma_wait3A_177 = arith.constant 0 : i32
    %dma_wait3A_178 = tpu.memref_slice %arg9[%rem3A_155, %dma_wait3A_177] : memref<8x80xi32, #tpu.memory_space<vmem>> -> memref<1x80xi32, #tpu.memory_space<vmem>>
    %dma_wait3A_179 = tpu.memref_squeeze %dma_wait3A_178 : memref<1x80xi32, #tpu.memory_space<vmem>> -> memref<80xi32, #tpu.memory_space<vmem>>
    %dma_wait3A_180 = tpu.memref_slice %arg4[%multiple_of3A_170] : memref<320000xi32, #tpu.memory_space<hbm>> -> memref<80xi32, #tpu.memory_space<hbm>>
    tpu.wait_dma2 semaphore(%dma_wait3A_176 : memref<!tpu.dma_semaphore, #tpu.memory_space<semaphore_mem>>) src(%dma_wait3A_180 : memref<80xi32, #tpu.memory_space<hbm>>) dst(%dma_wait3A_179 : memref<80xi32, #tpu.memory_space<vmem>>)
    %rem3A_181 = arith.constant 0 : i32
    %rem3A_182 = arith.constant 8 : i32
    %rem3A_183 = arith.remsi %rem3A_181, %rem3A_182 : i32
    %rem3A_184 = arith.constant 0 : i32
    %rem3A_185 = arith.constant 4 : i32
    %rem3A_186 = arith.remsi %rem3A_184, %rem3A_185 : i32
    %mul3A_187 = arith.constant 80 : i32
    %mul3A_188 = arith.muli %rem3A_186, %mul3A_187 : i32
    %rem3A_189 = arith.constant 0 : i32
    %rem3A_190 = arith.constant 4 : i32
    %rem3A_191 = arith.remsi %rem3A_189, %rem3A_190 : i32
    %dma_start3A_192 = arith.constant 0 : i32
    %dma_start3A_193 = tpu.memref_slice %arg10[%mul3A_188, %dma_start3A_192] : memref<320x128xf32, #tpu.memory_space<vmem>> -> memref<80x128xf32, #tpu.memory_space<vmem>>
    %dma_start3A_194 = arith.constant 0 : i32
    %dma_start3A_195 = tpu.memref_slice %arg8[%rem3A_183, %dma_start3A_194] : memref<8x80xi32, #tpu.memory_space<vmem>> -> memref<1x80xi32, #tpu.memory_space<vmem>>
    %dma_start3A_196 = tpu.memref_squeeze %dma_start3A_195 : memref<1x80xi32, #tpu.memory_space<vmem>> -> memref<80xi32, #tpu.memory_space<vmem>>
    %dma_start3A_197 = arith.constant 0 : i32
    %dma_start3A_198 = arith.constant 0 : i32
    %dma_start3A_199 = tpu.memref_slice %arg2[%dma_start3A_197, %dma_start3A_198] : memref<10112x128xf32, #tpu.memory_space<hbm>> -> memref<10112x128xf32, #tpu.memory_space<hbm>>
    %dma_start3A_200 = tpu.memref_slice %arg12[%rem3A_191] : memref<4x!tpu.dma_semaphore, #tpu.memory_space<semaphore_mem>> -> memref<1x!tpu.dma_semaphore, #tpu.memory_space<semaphore_mem>>
    %dma_start3A_201 = tpu.memref_squeeze %dma_start3A_200 : memref<1x!tpu.dma_semaphore, #tpu.memory_space<semaphore_mem>> -> memref<!tpu.dma_semaphore, #tpu.memory_space<semaphore_mem>>
    tpu.enqueue_indirect_dma source(%dma_start3A_199 : memref<10112x128xf32, #tpu.memory_space<hbm>>) target(%dma_start3A_193 : memref<80x128xf32, #tpu.memory_space<vmem>>) offsets(%dma_start3A_196 : memref<80xi32, #tpu.memory_space<vmem>>) semaphore(%dma_start3A_201 : memref<!tpu.dma_semaphore, #tpu.memory_space<semaphore_mem>>)
    %rem3A_202 = arith.constant 1 : i32
    %rem3A_203 = arith.constant 8 : i32
    %rem3A_204 = arith.remsi %rem3A_202, %rem3A_203 : i32
    %add3A_205 = arith.constant 80 : i32
    %add3A_206 = arith.addi %mul3A_10, %add3A_205 : i32
    %multiple_of3A_207 = tpu.assume_multiple %add3A_206, 8 : i32
    %dma_wait3A_208 = arith.constant 0 : i32
    %dma_wait3A_209 = tpu.memref_slice %arg8[%rem3A_204, %dma_wait3A_208] : memref<8x80xi32, #tpu.memory_space<vmem>> -> memref<1x80xi32, #tpu.memory_space<vmem>>
    %dma_wait3A_210 = tpu.memref_squeeze %dma_wait3A_209 : memref<1x80xi32, #tpu.memory_space<vmem>> -> memref<80xi32, #tpu.memory_space<vmem>>
    %dma_wait3A_211 = tpu.memref_slice %arg3[%multiple_of3A_207] : memref<320000xi32, #tpu.memory_space<hbm>> -> memref<80xi32, #tpu.memory_space<hbm>>
    %dma_wait3A_212 = tpu.memref_slice %arg11[%rem3A_204] : memref<8x!tpu.dma_semaphore, #tpu.memory_space<semaphore_mem>> -> memref<1x!tpu.dma_semaphore, #tpu.memory_space<semaphore_mem>>
    %dma_wait3A_213 = tpu.memref_squeeze %dma_wait3A_212 : memref<1x!tpu.dma_semaphore, #tpu.memory_space<semaphore_mem>> -> memref<!tpu.dma_semaphore, #tpu.memory_space<semaphore_mem>>
    %dma_wait3A_214 = arith.constant 0 : i32
    %dma_wait3A_215 = tpu.memref_slice %arg8[%rem3A_204, %dma_wait3A_214] : memref<8x80xi32, #tpu.memory_space<vmem>> -> memref<1x80xi32, #tpu.memory_space<vmem>>
    %dma_wait3A_216 = tpu.memref_squeeze %dma_wait3A_215 : memref<1x80xi32, #tpu.memory_space<vmem>> -> memref<80xi32, #tpu.memory_space<vmem>>
    %dma_wait3A_217 = tpu.memref_slice %arg3[%multiple_of3A_207] : memref<320000xi32, #tpu.memory_space<hbm>> -> memref<80xi32, #tpu.memory_space<hbm>>
    tpu.wait_dma2 semaphore(%dma_wait3A_213 : memref<!tpu.dma_semaphore, #tpu.memory_space<semaphore_mem>>) src(%dma_wait3A_217 : memref<80xi32, #tpu.memory_space<hbm>>) dst(%dma_wait3A_216 : memref<80xi32, #tpu.memory_space<vmem>>)
    %add3A_218 = arith.constant 80 : i32
    %add3A_219 = arith.addi %mul3A_10, %add3A_218 : i32
    %multiple_of3A_220 = tpu.assume_multiple %add3A_219, 8 : i32
    %dma_wait3A_221 = arith.constant 0 : i32
    %dma_wait3A_222 = tpu.memref_slice %arg9[%rem3A_204, %dma_wait3A_221] : memref<8x80xi32, #tpu.memory_space<vmem>> -> memref<1x80xi32, #tpu.memory_space<vmem>>
    %dma_wait3A_223 = tpu.memref_squeeze %dma_wait3A_222 : memref<1x80xi32, #tpu.memory_space<vmem>> -> memref<80xi32, #tpu.memory_space<vmem>>
    %dma_wait3A_224 = tpu.memref_slice %arg4[%multiple_of3A_220] : memref<320000xi32, #tpu.memory_space<hbm>> -> memref<80xi32, #tpu.memory_space<hbm>>
    %dma_wait3A_225 = tpu.memref_slice %arg11[%rem3A_204] : memref<8x!tpu.dma_semaphore, #tpu.memory_space<semaphore_mem>> -> memref<1x!tpu.dma_semaphore, #tpu.memory_space<semaphore_mem>>
    %dma_wait3A_226 = tpu.memref_squeeze %dma_wait3A_225 : memref<1x!tpu.dma_semaphore, #tpu.memory_space<semaphore_mem>> -> memref<!tpu.dma_semaphore, #tpu.memory_space<semaphore_mem>>
    %dma_wait3A_227 = arith.constant 0 : i32
    %dma_wait3A_228 = tpu.memref_slice %arg9[%rem3A_204, %dma_wait3A_227] : memref<8x80xi32, #tpu.memory_space<vmem>> -> memref<1x80xi32, #tpu.memory_space<vmem>>
    %dma_wait3A_229 = tpu.memref_squeeze %dma_wait3A_228 : memref<1x80xi32, #tpu.memory_space<vmem>> -> memref<80xi32, #tpu.memory_space<vmem>>
    %dma_wait3A_230 = tpu.memref_slice %arg4[%multiple_of3A_220] : memref<320000xi32, #tpu.memory_space<hbm>> -> memref<80xi32, #tpu.memory_space<hbm>>
    tpu.wait_dma2 semaphore(%dma_wait3A_226 : memref<!tpu.dma_semaphore, #tpu.memory_space<semaphore_mem>>) src(%dma_wait3A_230 : memref<80xi32, #tpu.memory_space<hbm>>) dst(%dma_wait3A_229 : memref<80xi32, #tpu.memory_space<vmem>>)
    %rem3A_231 = arith.constant 1 : i32
    %rem3A_232 = arith.constant 8 : i32
    %rem3A_233 = arith.remsi %rem3A_231, %rem3A_232 : i32
    %rem3A_234 = arith.constant 1 : i32
    %rem3A_235 = arith.constant 4 : i32
    %rem3A_236 = arith.remsi %rem3A_234, %rem3A_235 : i32
    %mul3A_237 = arith.constant 80 : i32
    %mul3A_238 = arith.muli %rem3A_236, %mul3A_237 : i32
    %rem3A_239 = arith.constant 1 : i32
    %rem3A_240 = arith.constant 4 : i32
    %rem3A_241 = arith.remsi %rem3A_239, %rem3A_240 : i32
    %dma_start3A_242 = arith.constant 0 : i32
    %dma_start3A_243 = tpu.memref_slice %arg10[%mul3A_238, %dma_start3A_242] : memref<320x128xf32, #tpu.memory_space<vmem>> -> memref<80x128xf32, #tpu.memory_space<vmem>>
    %dma_start3A_244 = arith.constant 0 : i32
    %dma_start3A_245 = tpu.memref_slice %arg8[%rem3A_233, %dma_start3A_244] : memref<8x80xi32, #tpu.memory_space<vmem>> -> memref<1x80xi32, #tpu.memory_space<vmem>>
    %dma_start3A_246 = tpu.memref_squeeze %dma_start3A_245 : memref<1x80xi32, #tpu.memory_space<vmem>> -> memref<80xi32, #tpu.memory_space<vmem>>
    %dma_start3A_247 = arith.constant 0 : i32
    %dma_start3A_248 = arith.constant 0 : i32
    %dma_start3A_249 = tpu.memref_slice %arg2[%dma_start3A_247, %dma_start3A_248] : memref<10112x128xf32, #tpu.memory_space<hbm>> -> memref<10112x128xf32, #tpu.memory_space<hbm>>
    %dma_start3A_250 = tpu.memref_slice %arg12[%rem3A_241] : memref<4x!tpu.dma_semaphore, #tpu.memory_space<semaphore_mem>> -> memref<1x!tpu.dma_semaphore, #tpu.memory_space<semaphore_mem>>
    %dma_start3A_251 = tpu.memref_squeeze %dma_start3A_250 : memref<1x!tpu.dma_semaphore, #tpu.memory_space<semaphore_mem>> -> memref<!tpu.dma_semaphore, #tpu.memory_space<semaphore_mem>>
    tpu.enqueue_indirect_dma source(%dma_start3A_249 : memref<10112x128xf32, #tpu.memory_space<hbm>>) target(%dma_start3A_243 : memref<80x128xf32, #tpu.memory_space<vmem>>) offsets(%dma_start3A_246 : memref<80xi32, #tpu.memory_space<vmem>>) semaphore(%dma_start3A_251 : memref<!tpu.dma_semaphore, #tpu.memory_space<semaphore_mem>>)
    %scan3A = arith.constant 0 : i32
    %scan3A_252 = arith.constant 0 : i32
    %scan3A_253 = arith.constant 125 : i32
    %scan3A_254 = arith.addi %scan3A_252, %scan3A_253 : i32
    %scan3A_255 = arith.constant 1 : i32
    scf.for %scan3A_342 = %scan3A_252 to %scan3A_254 step %scan3A_255  : i32 {
      %rem3A_343 = arith.constant 8 : i32
      %rem3A_344 = arith.remsi %scan3A_342, %rem3A_343 : i32
      %rem3A_345 = arith.constant 4 : i32
      %rem3A_346 = arith.remsi %scan3A_342, %rem3A_345 : i32
      %mul3A_347 = arith.constant 80 : i32
      %mul3A_348 = arith.muli %rem3A_346, %mul3A_347 : i32
      %rem3A_349 = arith.constant 4 : i32
      %rem3A_350 = arith.remsi %scan3A_342, %rem3A_349 : i32
      %dma_wait3A_351 = arith.constant 0 : i32
      %dma_wait3A_352 = tpu.memref_slice %arg10[%mul3A_348, %dma_wait3A_351] : memref<320x128xf32, #tpu.memory_space<vmem>> -> memref<80x128xf32, #tpu.memory_space<vmem>>
      %dma_wait3A_353 = arith.constant 0 : i32
      %dma_wait3A_354 = tpu.memref_slice %arg8[%rem3A_344, %dma_wait3A_353] : memref<8x80xi32, #tpu.memory_space<vmem>> -> memref<1x80xi32, #tpu.memory_space<vmem>>
      %dma_wait3A_355 = tpu.memref_squeeze %dma_wait3A_354 : memref<1x80xi32, #tpu.memory_space<vmem>> -> memref<80xi32, #tpu.memory_space<vmem>>
      %dma_wait3A_356 = arith.constant 0 : i32
      %dma_wait3A_357 = arith.constant 0 : i32
      %dma_wait3A_358 = tpu.memref_slice %arg2[%dma_wait3A_356, %dma_wait3A_357] : memref<10112x128xf32, #tpu.memory_space<hbm>> -> memref<10112x128xf32, #tpu.memory_space<hbm>>
      %dma_wait3A_359 = tpu.memref_slice %arg12[%rem3A_350] : memref<4x!tpu.dma_semaphore, #tpu.memory_space<semaphore_mem>> -> memref<1x!tpu.dma_semaphore, #tpu.memory_space<semaphore_mem>>
      %dma_wait3A_360 = tpu.memref_squeeze %dma_wait3A_359 : memref<1x!tpu.dma_semaphore, #tpu.memory_space<semaphore_mem>> -> memref<!tpu.dma_semaphore, #tpu.memory_space<semaphore_mem>>
      tpu.wait_indirect_dma semaphore(%dma_wait3A_360 : memref<!tpu.dma_semaphore, #tpu.memory_space<semaphore_mem>>) src(%dma_wait3A_358 : memref<10112x128xf32, #tpu.memory_space<hbm>>) dst(%dma_wait3A_352 : memref<80x128xf32, #tpu.memory_space<vmem>>)
      %rem3A_361 = arith.constant 4 : i32
      %rem3A_362 = arith.remsi %scan3A_342, %rem3A_361 : i32
      %mul3A_363 = arith.constant 80 : i32
      %mul3A_364 = arith.muli %rem3A_362, %mul3A_363 : i32
      %rem3A_365 = arith.constant 8 : i32
      %rem3A_366 = arith.remsi %scan3A_342, %rem3A_365 : i32
      %rem3A_367 = arith.constant 4 : i32
      %rem3A_368 = arith.remsi %scan3A_342, %rem3A_367 : i32
      %dma_start3A_369 = arith.constant 0 : i32
      %dma_start3A_370 = tpu.memref_slice %arg10[%mul3A_364, %dma_start3A_369] : memref<320x128xf32, #tpu.memory_space<vmem>> -> memref<80x128xf32, #tpu.memory_space<vmem>>
      %dma_start3A_371 = arith.constant 0 : i32
      %dma_start3A_372 = tpu.memref_slice %arg9[%rem3A_366, %dma_start3A_371] : memref<8x80xi32, #tpu.memory_space<vmem>> -> memref<1x80xi32, #tpu.memory_space<vmem>>
      %dma_start3A_373 = tpu.memref_squeeze %dma_start3A_372 : memref<1x80xi32, #tpu.memory_space<vmem>> -> memref<80xi32, #tpu.memory_space<vmem>>
      %dma_start3A_374 = arith.constant 0 : i32
      %dma_start3A_375 = arith.constant 0 : i32
      %dma_start3A_376 = tpu.memref_slice %arg7[%dma_start3A_374, %dma_start3A_375] : memref<10112x128xf32, #tpu.memory_space<vmem_shared>> -> memref<10112x128xf32, #tpu.memory_space<vmem_shared>>
      %dma_start3A_377 = tpu.memref_slice %arg13[%rem3A_368] : memref<4x!tpu.dma_semaphore, #tpu.memory_space<semaphore_mem>> -> memref<1x!tpu.dma_semaphore, #tpu.memory_space<semaphore_mem>>
      %dma_start3A_378 = tpu.memref_squeeze %dma_start3A_377 : memref<1x!tpu.dma_semaphore, #tpu.memory_space<semaphore_mem>> -> memref<!tpu.dma_semaphore, #tpu.memory_space<semaphore_mem>>
      tpu.enqueue_indirect_dma source(%dma_start3A_370 : memref<80x128xf32, #tpu.memory_space<vmem>>) target(%dma_start3A_376 : memref<10112x128xf32, #tpu.memory_space<vmem_shared>>) offsets(%dma_start3A_373 : memref<80xi32, #tpu.memory_space<vmem>>) semaphore(%dma_start3A_378 : memref<!tpu.dma_semaphore, #tpu.memory_space<semaphore_mem>>) {add = true}
      %add3A_379 = arith.constant 5 : i32
      %add3A_380 = arith.addi %scan3A_342, %add3A_379 : i32
      %lt3A = arith.constant 125 : i32
      %lt3A_381 = arith.cmpi slt, %add3A_380, %lt3A : i32
      %convert_element_type3A_382 = arith.extui %lt3A_381 : i1 to i32
      %cond3A_383 = arith.constant 0 : i32
      %cond3A_384 = arith.cmpi ne, %convert_element_type3A_382, %cond3A_383 : i32
      scf.if %cond3A_384 {
        %rem3A_392 = arith.constant 8 : i32
        %rem3A_393 = arith.remsi %add3A_380, %rem3A_392 : i32
        %mul3A_394 = arith.constant 80 : i32
        %mul3A_395 = arith.muli %add3A_380, %mul3A_394 : i32
        %add3A_396 = arith.addi %mul3A_10, %mul3A_395 : i32
        %multiple_of3A_397 = tpu.assume_multiple %add3A_396, 8 : i32
        %dma_start3A_398 = arith.constant 0 : i32
        %dma_start3A_399 = tpu.memref_slice %arg8[%rem3A_393, %dma_start3A_398] : memref<8x80xi32, #tpu.memory_space<vmem>> -> memref<1x80xi32, #tpu.memory_space<vmem>>
        %dma_start3A_400 = tpu.memref_squeeze %dma_start3A_399 : memref<1x80xi32, #tpu.memory_space<vmem>> -> memref<80xi32, #tpu.memory_space<vmem>>
        %dma_start3A_401 = tpu.memref_slice %arg3[%multiple_of3A_397] : memref<320000xi32, #tpu.memory_space<hbm>> -> memref<80xi32, #tpu.memory_space<hbm>>
        %dma_start3A_402 = tpu.memref_slice %arg11[%rem3A_393] : memref<8x!tpu.dma_semaphore, #tpu.memory_space<semaphore_mem>> -> memref<1x!tpu.dma_semaphore, #tpu.memory_space<semaphore_mem>>
        %dma_start3A_403 = tpu.memref_squeeze %dma_start3A_402 : memref<1x!tpu.dma_semaphore, #tpu.memory_space<semaphore_mem>> -> memref<!tpu.dma_semaphore, #tpu.memory_space<semaphore_mem>>
        %dma_start3A_404 = arith.constant 0 : i32
        %dma_start3A_405 = tpu.memref_slice %arg8[%rem3A_393, %dma_start3A_404] : memref<8x80xi32, #tpu.memory_space<vmem>> -> memref<1x80xi32, #tpu.memory_space<vmem>>
        %dma_start3A_406 = tpu.memref_squeeze %dma_start3A_405 : memref<1x80xi32, #tpu.memory_space<vmem>> -> memref<80xi32, #tpu.memory_space<vmem>>
        %dma_start3A_407 = tpu.memref_slice %arg3[%multiple_of3A_397] : memref<320000xi32, #tpu.memory_space<hbm>> -> memref<80xi32, #tpu.memory_space<hbm>>
        tpu.enqueue_dma source(%dma_start3A_407 : memref<80xi32, #tpu.memory_space<hbm>>) target(%dma_start3A_406 : memref<80xi32, #tpu.memory_space<vmem>>) target_semaphore(%dma_start3A_403 : memref<!tpu.dma_semaphore, #tpu.memory_space<semaphore_mem>>)
        %mul3A_408 = arith.constant 80 : i32
        %mul3A_409 = arith.muli %add3A_380, %mul3A_408 : i32
        %add3A_410 = arith.addi %mul3A_10, %mul3A_409 : i32
        %multiple_of3A_411 = tpu.assume_multiple %add3A_410, 8 : i32
        %dma_start3A_412 = arith.constant 0 : i32
        %dma_start3A_413 = tpu.memref_slice %arg9[%rem3A_393, %dma_start3A_412] : memref<8x80xi32, #tpu.memory_space<vmem>> -> memref<1x80xi32, #tpu.memory_space<vmem>>
        %dma_start3A_414 = tpu.memref_squeeze %dma_start3A_413 : memref<1x80xi32, #tpu.memory_space<vmem>> -> memref<80xi32, #tpu.memory_space<vmem>>
        %dma_start3A_415 = tpu.memref_slice %arg4[%multiple_of3A_411] : memref<320000xi32, #tpu.memory_space<hbm>> -> memref<80xi32, #tpu.memory_space<hbm>>
        %dma_start3A_416 = tpu.memref_slice %arg11[%rem3A_393] : memref<8x!tpu.dma_semaphore, #tpu.memory_space<semaphore_mem>> -> memref<1x!tpu.dma_semaphore, #tpu.memory_space<semaphore_mem>>
        %dma_start3A_417 = tpu.memref_squeeze %dma_start3A_416 : memref<1x!tpu.dma_semaphore, #tpu.memory_space<semaphore_mem>> -> memref<!tpu.dma_semaphore, #tpu.memory_space<semaphore_mem>>
        %dma_start3A_418 = arith.constant 0 : i32
        %dma_start3A_419 = tpu.memref_slice %arg9[%rem3A_393, %dma_start3A_418] : memref<8x80xi32, #tpu.memory_space<vmem>> -> memref<1x80xi32, #tpu.memory_space<vmem>>
        %dma_start3A_420 = tpu.memref_squeeze %dma_start3A_419 : memref<1x80xi32, #tpu.memory_space<vmem>> -> memref<80xi32, #tpu.memory_space<vmem>>
        %dma_start3A_421 = tpu.memref_slice %arg4[%multiple_of3A_411] : memref<320000xi32, #tpu.memory_space<hbm>> -> memref<80xi32, #tpu.memory_space<hbm>>
        tpu.enqueue_dma source(%dma_start3A_421 : memref<80xi32, #tpu.memory_space<hbm>>) target(%dma_start3A_420 : memref<80xi32, #tpu.memory_space<vmem>>) target_semaphore(%dma_start3A_417 : memref<!tpu.dma_semaphore, #tpu.memory_space<semaphore_mem>>)
      } else {
      }
      %add3A_385 = arith.constant 2 : i32
      %add3A_386 = arith.addi %scan3A_342, %add3A_385 : i32
      %lt3A_387 = arith.constant 125 : i32
      %lt3A_388 = arith.cmpi slt, %add3A_386, %lt3A_387 : i32
      %convert_element_type3A_389 = arith.extui %lt3A_388 : i1 to i32
      %cond3A_390 = arith.constant 0 : i32
      %cond3A_391 = arith.cmpi ne, %convert_element_type3A_389, %cond3A_390 : i32
      scf.if %cond3A_391 {
        %ge3A = arith.constant 4 : i32
        %ge3A_392 = arith.cmpi sge, %add3A_386, %ge3A : i32
        %convert_element_type3A_393 = arith.extui %ge3A_392 : i1 to i32
        %cond3A_394 = arith.constant 0 : i32
        %cond3A_395 = arith.cmpi ne, %convert_element_type3A_393, %cond3A_394 : i32
        scf.if %cond3A_395 {
          %sub3A = arith.constant 4 : i32
          %sub3A_444 = arith.subi %add3A_386, %sub3A : i32
          %rem3A_445 = arith.constant 4 : i32
          %rem3A_446 = arith.remsi %sub3A_444, %rem3A_445 : i32
          %mul3A_447 = arith.constant 80 : i32
          %mul3A_448 = arith.muli %rem3A_446, %mul3A_447 : i32
          %rem3A_449 = arith.constant 8 : i32
          %rem3A_450 = arith.remsi %sub3A_444, %rem3A_449 : i32
          %rem3A_451 = arith.constant 4 : i32
          %rem3A_452 = arith.remsi %sub3A_444, %rem3A_451 : i32
          %dma_wait3A_453 = arith.constant 0 : i32
          %dma_wait3A_454 = tpu.memref_slice %arg10[%mul3A_448, %dma_wait3A_453] : memref<320x128xf32, #tpu.memory_space<vmem>> -> memref<80x128xf32, #tpu.memory_space<vmem>>
          %dma_wait3A_455 = arith.constant 0 : i32
          %dma_wait3A_456 = tpu.memref_slice %arg9[%rem3A_450, %dma_wait3A_455] : memref<8x80xi32, #tpu.memory_space<vmem>> -> memref<1x80xi32, #tpu.memory_space<vmem>>
          %dma_wait3A_457 = tpu.memref_squeeze %dma_wait3A_456 : memref<1x80xi32, #tpu.memory_space<vmem>> -> memref<80xi32, #tpu.memory_space<vmem>>
          %dma_wait3A_458 = arith.constant 0 : i32
          %dma_wait3A_459 = arith.constant 0 : i32
          %dma_wait3A_460 = tpu.memref_slice %arg7[%dma_wait3A_458, %dma_wait3A_459] : memref<10112x128xf32, #tpu.memory_space<vmem_shared>> -> memref<10112x128xf32, #tpu.memory_space<vmem_shared>>
          %dma_wait3A_461 = tpu.memref_slice %arg13[%rem3A_452] : memref<4x!tpu.dma_semaphore, #tpu.memory_space<semaphore_mem>> -> memref<1x!tpu.dma_semaphore, #tpu.memory_space<semaphore_mem>>
          %dma_wait3A_462 = tpu.memref_squeeze %dma_wait3A_461 : memref<1x!tpu.dma_semaphore, #tpu.memory_space<semaphore_mem>> -> memref<!tpu.dma_semaphore, #tpu.memory_space<semaphore_mem>>
          tpu.wait_indirect_dma semaphore(%dma_wait3A_462 : memref<!tpu.dma_semaphore, #tpu.memory_space<semaphore_mem>>) src(%dma_wait3A_454 : memref<80x128xf32, #tpu.memory_space<vmem>>) dst(%dma_wait3A_460 : memref<10112x128xf32, #tpu.memory_space<vmem_shared>>)
        } else {
        }
        %rem3A_396 = arith.constant 8 : i32
        %rem3A_397 = arith.remsi %add3A_386, %rem3A_396 : i32
        %mul3A_398 = arith.constant 80 : i32
        %mul3A_399 = arith.muli %add3A_386, %mul3A_398 : i32
        %add3A_400 = arith.addi %mul3A_10, %mul3A_399 : i32
        %multiple_of3A_401 = tpu.assume_multiple %add3A_400, 8 : i32
        %dma_wait3A_402 = arith.constant 0 : i32
        %dma_wait3A_403 = tpu.memref_slice %arg8[%rem3A_397, %dma_wait3A_402] : memref<8x80xi32, #tpu.memory_space<vmem>> -> memref<1x80xi32, #tpu.memory_space<vmem>>
        %dma_wait3A_404 = tpu.memref_squeeze %dma_wait3A_403 : memref<1x80xi32, #tpu.memory_space<vmem>> -> memref<80xi32, #tpu.memory_space<vmem>>
        %dma_wait3A_405 = tpu.memref_slice %arg3[%multiple_of3A_401] : memref<320000xi32, #tpu.memory_space<hbm>> -> memref<80xi32, #tpu.memory_space<hbm>>
        %dma_wait3A_406 = tpu.memref_slice %arg11[%rem3A_397] : memref<8x!tpu.dma_semaphore, #tpu.memory_space<semaphore_mem>> -> memref<1x!tpu.dma_semaphore, #tpu.memory_space<semaphore_mem>>
        %dma_wait3A_407 = tpu.memref_squeeze %dma_wait3A_406 : memref<1x!tpu.dma_semaphore, #tpu.memory_space<semaphore_mem>> -> memref<!tpu.dma_semaphore, #tpu.memory_space<semaphore_mem>>
        %dma_wait3A_408 = arith.constant 0 : i32
        %dma_wait3A_409 = tpu.memref_slice %arg8[%rem3A_397, %dma_wait3A_408] : memref<8x80xi32, #tpu.memory_space<vmem>> -> memref<1x80xi32, #tpu.memory_space<vmem>>
        %dma_wait3A_410 = tpu.memref_squeeze %dma_wait3A_409 : memref<1x80xi32, #tpu.memory_space<vmem>> -> memref<80xi32, #tpu.memory_space<vmem>>
        %dma_wait3A_411 = tpu.memref_slice %arg3[%multiple_of3A_401] : memref<320000xi32, #tpu.memory_space<hbm>> -> memref<80xi32, #tpu.memory_space<hbm>>
        tpu.wait_dma2 semaphore(%dma_wait3A_407 : memref<!tpu.dma_semaphore, #tpu.memory_space<semaphore_mem>>) src(%dma_wait3A_411 : memref<80xi32, #tpu.memory_space<hbm>>) dst(%dma_wait3A_410 : memref<80xi32, #tpu.memory_space<vmem>>)
        %mul3A_412 = arith.constant 80 : i32
        %mul3A_413 = arith.muli %add3A_386, %mul3A_412 : i32
        %add3A_414 = arith.addi %mul3A_10, %mul3A_413 : i32
        %multiple_of3A_415 = tpu.assume_multiple %add3A_414, 8 : i32
        %dma_wait3A_416 = arith.constant 0 : i32
        %dma_wait3A_417 = tpu.memref_slice %arg9[%rem3A_397, %dma_wait3A_416] : memref<8x80xi32, #tpu.memory_space<vmem>> -> memref<1x80xi32, #tpu.memory_space<vmem>>
        %dma_wait3A_418 = tpu.memref_squeeze %dma_wait3A_417 : memref<1x80xi32, #tpu.memory_space<vmem>> -> memref<80xi32, #tpu.memory_space<vmem>>
        %dma_wait3A_419 = tpu.memref_slice %arg4[%multiple_of3A_415] : memref<320000xi32, #tpu.memory_space<hbm>> -> memref<80xi32, #tpu.memory_space<hbm>>
        %dma_wait3A_420 = tpu.memref_slice %arg11[%rem3A_397] : memref<8x!tpu.dma_semaphore, #tpu.memory_space<semaphore_mem>> -> memref<1x!tpu.dma_semaphore, #tpu.memory_space<semaphore_mem>>
        %dma_wait3A_421 = tpu.memref_squeeze %dma_wait3A_420 : memref<1x!tpu.dma_semaphore, #tpu.memory_space<semaphore_mem>> -> memref<!tpu.dma_semaphore, #tpu.memory_space<semaphore_mem>>
        %dma_wait3A_422 = arith.constant 0 : i32
        %dma_wait3A_423 = tpu.memref_slice %arg9[%rem3A_397, %dma_wait3A_422] : memref<8x80xi32, #tpu.memory_space<vmem>> -> memref<1x80xi32, #tpu.memory_space<vmem>>
        %dma_wait3A_424 = tpu.memref_squeeze %dma_wait3A_423 : memref<1x80xi32, #tpu.memory_space<vmem>> -> memref<80xi32, #tpu.memory_space<vmem>>
        %dma_wait3A_425 = tpu.memref_slice %arg4[%multiple_of3A_415] : memref<320000xi32, #tpu.memory_space<hbm>> -> memref<80xi32, #tpu.memory_space<hbm>>
        tpu.wait_dma2 semaphore(%dma_wait3A_421 : memref<!tpu.dma_semaphore, #tpu.memory_space<semaphore_mem>>) src(%dma_wait3A_425 : memref<80xi32, #tpu.memory_space<hbm>>) dst(%dma_wait3A_424 : memref<80xi32, #tpu.memory_space<vmem>>)
        %rem3A_426 = arith.constant 8 : i32
        %rem3A_427 = arith.remsi %add3A_386, %rem3A_426 : i32
        %rem3A_428 = arith.constant 4 : i32
        %rem3A_429 = arith.remsi %add3A_386, %rem3A_428 : i32
        %mul3A_430 = arith.constant 80 : i32
        %mul3A_431 = arith.muli %rem3A_429, %mul3A_430 : i32
        %rem3A_432 = arith.constant 4 : i32
        %rem3A_433 = arith.remsi %add3A_386, %rem3A_432 : i32
        %dma_start3A_434 = arith.constant 0 : i32
        %dma_start3A_435 = tpu.memref_slice %arg10[%mul3A_431, %dma_start3A_434] : memref<320x128xf32, #tpu.memory_space<vmem>> -> memref<80x128xf32, #tpu.memory_space<vmem>>
        %dma_start3A_436 = arith.constant 0 : i32
        %dma_start3A_437 = tpu.memref_slice %arg8[%rem3A_427, %dma_start3A_436] : memref<8x80xi32, #tpu.memory_space<vmem>> -> memref<1x80xi32, #tpu.memory_space<vmem>>
        %dma_start3A_438 = tpu.memref_squeeze %dma_start3A_437 : memref<1x80xi32, #tpu.memory_space<vmem>> -> memref<80xi32, #tpu.memory_space<vmem>>
        %dma_start3A_439 = arith.constant 0 : i32
        %dma_start3A_440 = arith.constant 0 : i32
        %dma_start3A_441 = tpu.memref_slice %arg2[%dma_start3A_439, %dma_start3A_440] : memref<10112x128xf32, #tpu.memory_space<hbm>> -> memref<10112x128xf32, #tpu.memory_space<hbm>>
        %dma_start3A_442 = tpu.memref_slice %arg12[%rem3A_433] : memref<4x!tpu.dma_semaphore, #tpu.memory_space<semaphore_mem>> -> memref<1x!tpu.dma_semaphore, #tpu.memory_space<semaphore_mem>>
        %dma_start3A_443 = tpu.memref_squeeze %dma_start3A_442 : memref<1x!tpu.dma_semaphore, #tpu.memory_space<semaphore_mem>> -> memref<!tpu.dma_semaphore, #tpu.memory_space<semaphore_mem>>
        tpu.enqueue_indirect_dma source(%dma_start3A_441 : memref<10112x128xf32, #tpu.memory_space<hbm>>) target(%dma_start3A_435 : memref<80x128xf32, #tpu.memory_space<vmem>>) offsets(%dma_start3A_438 : memref<80xi32, #tpu.memory_space<vmem>>) semaphore(%dma_start3A_443 : memref<!tpu.dma_semaphore, #tpu.memory_space<semaphore_mem>>)
      } else {
      }
    }
    %scan3A_256 = arith.constant 125 : i32
    %rem3A_257 = arith.constant 121 : i32
    %rem3A_258 = arith.constant 4 : i32
    %rem3A_259 = arith.remsi %rem3A_257, %rem3A_258 : i32
    %mul3A_260 = arith.constant 80 : i32
    %mul3A_261 = arith.muli %rem3A_259, %mul3A_260 : i32
    %rem3A_262 = arith.constant 121 : i32
    %rem3A_263 = arith.constant 8 : i32
    %rem3A_264 = arith.remsi %rem3A_262, %rem3A_263 : i32
    %rem3A_265 = arith.constant 121 : i32
    %rem3A_266 = arith.constant 4 : i32
    %rem3A_267 = arith.remsi %rem3A_265, %rem3A_266 : i32
    %dma_wait3A_268 = arith.constant 0 : i32
    %dma_wait3A_269 = tpu.memref_slice %arg10[%mul3A_261, %dma_wait3A_268] : memref<320x128xf32, #tpu.memory_space<vmem>> -> memref<80x128xf32, #tpu.memory_space<vmem>>
    %dma_wait3A_270 = arith.constant 0 : i32
    %dma_wait3A_271 = tpu.memref_slice %arg9[%rem3A_264, %dma_wait3A_270] : memref<8x80xi32, #tpu.memory_space<vmem>> -> memref<1x80xi32, #tpu.memory_space<vmem>>
    %dma_wait3A_272 = tpu.memref_squeeze %dma_wait3A_271 : memref<1x80xi32, #tpu.memory_space<vmem>> -> memref<80xi32, #tpu.memory_space<vmem>>
    %dma_wait3A_273 = arith.constant 0 : i32
    %dma_wait3A_274 = arith.constant 0 : i32
    %dma_wait3A_275 = tpu.memref_slice %arg7[%dma_wait3A_273, %dma_wait3A_274] : memref<10112x128xf32, #tpu.memory_space<vmem_shared>> -> memref<10112x128xf32, #tpu.memory_space<vmem_shared>>
    %dma_wait3A_276 = tpu.memref_slice %arg13[%rem3A_267] : memref<4x!tpu.dma_semaphore, #tpu.memory_space<semaphore_mem>> -> memref<1x!tpu.dma_semaphore, #tpu.memory_space<semaphore_mem>>
    %dma_wait3A_277 = tpu.memref_squeeze %dma_wait3A_276 : memref<1x!tpu.dma_semaphore, #tpu.memory_space<semaphore_mem>> -> memref<!tpu.dma_semaphore, #tpu.memory_space<semaphore_mem>>
    tpu.wait_indirect_dma semaphore(%dma_wait3A_277 : memref<!tpu.dma_semaphore, #tpu.memory_space<semaphore_mem>>) src(%dma_wait3A_269 : memref<80x128xf32, #tpu.memory_space<vmem>>) dst(%dma_wait3A_275 : memref<10112x128xf32, #tpu.memory_space<vmem_shared>>)
    %rem3A_278 = arith.constant 122 : i32
    %rem3A_279 = arith.constant 4 : i32
    %rem3A_280 = arith.remsi %rem3A_278, %rem3A_279 : i32
    %mul3A_281 = arith.constant 80 : i32
    %mul3A_282 = arith.muli %rem3A_280, %mul3A_281 : i32
    %rem3A_283 = arith.constant 122 : i32
    %rem3A_284 = arith.constant 8 : i32
    %rem3A_285 = arith.remsi %rem3A_283, %rem3A_284 : i32
    %rem3A_286 = arith.constant 122 : i32
    %rem3A_287 = arith.constant 4 : i32
    %rem3A_288 = arith.remsi %rem3A_286, %rem3A_287 : i32
    %dma_wait3A_289 = arith.constant 0 : i32
    %dma_wait3A_290 = tpu.memref_slice %arg10[%mul3A_282, %dma_wait3A_289] : memref<320x128xf32, #tpu.memory_space<vmem>> -> memref<80x128xf32, #tpu.memory_space<vmem>>
    %dma_wait3A_291 = arith.constant 0 : i32
    %dma_wait3A_292 = tpu.memref_slice %arg9[%rem3A_285, %dma_wait3A_291] : memref<8x80xi32, #tpu.memory_space<vmem>> -> memref<1x80xi32, #tpu.memory_space<vmem>>
    %dma_wait3A_293 = tpu.memref_squeeze %dma_wait3A_292 : memref<1x80xi32, #tpu.memory_space<vmem>> -> memref<80xi32, #tpu.memory_space<vmem>>
    %dma_wait3A_294 = arith.constant 0 : i32
    %dma_wait3A_295 = arith.constant 0 : i32
    %dma_wait3A_296 = tpu.memref_slice %arg7[%dma_wait3A_294, %dma_wait3A_295] : memref<10112x128xf32, #tpu.memory_space<vmem_shared>> -> memref<10112x128xf32, #tpu.memory_space<vmem_shared>>
    %dma_wait3A_297 = tpu.memref_slice %arg13[%rem3A_288] : memref<4x!tpu.dma_semaphore, #tpu.memory_space<semaphore_mem>> -> memref<1x!tpu.dma_semaphore, #tpu.memory_space<semaphore_mem>>
    %dma_wait3A_298 = tpu.memref_squeeze %dma_wait3A_297 : memref<1x!tpu.dma_semaphore, #tpu.memory_space<semaphore_mem>> -> memref<!tpu.dma_semaphore, #tpu.memory_space<semaphore_mem>>
    tpu.wait_indirect_dma semaphore(%dma_wait3A_298 : memref<!tpu.dma_semaphore, #tpu.memory_space<semaphore_mem>>) src(%dma_wait3A_290 : memref<80x128xf32, #tpu.memory_space<vmem>>) dst(%dma_wait3A_296 : memref<10112x128xf32, #tpu.memory_space<vmem_shared>>)
    %rem3A_299 = arith.constant 123 : i32
    %rem3A_300 = arith.constant 4 : i32
    %rem3A_301 = arith.remsi %rem3A_299, %rem3A_300 : i32
    %mul3A_302 = arith.constant 80 : i32
    %mul3A_303 = arith.muli %rem3A_301, %mul3A_302 : i32
    %rem3A_304 = arith.constant 123 : i32
    %rem3A_305 = arith.constant 8 : i32
    %rem3A_306 = arith.remsi %rem3A_304, %rem3A_305 : i32
    %rem3A_307 = arith.constant 123 : i32
    %rem3A_308 = arith.constant 4 : i32
    %rem3A_309 = arith.remsi %rem3A_307, %rem3A_308 : i32
    %dma_wait3A_310 = arith.constant 0 : i32
    %dma_wait3A_311 = tpu.memref_slice %arg10[%mul3A_303, %dma_wait3A_310] : memref<320x128xf32, #tpu.memory_space<vmem>> -> memref<80x128xf32, #tpu.memory_space<vmem>>
    %dma_wait3A_312 = arith.constant 0 : i32
    %dma_wait3A_313 = tpu.memref_slice %arg9[%rem3A_306, %dma_wait3A_312] : memref<8x80xi32, #tpu.memory_space<vmem>> -> memref<1x80xi32, #tpu.memory_space<vmem>>
    %dma_wait3A_314 = tpu.memref_squeeze %dma_wait3A_313 : memref<1x80xi32, #tpu.memory_space<vmem>> -> memref<80xi32, #tpu.memory_space<vmem>>
    %dma_wait3A_315 = arith.constant 0 : i32
    %dma_wait3A_316 = arith.constant 0 : i32
    %dma_wait3A_317 = tpu.memref_slice %arg7[%dma_wait3A_315, %dma_wait3A_316] : memref<10112x128xf32, #tpu.memory_space<vmem_shared>> -> memref<10112x128xf32, #tpu.memory_space<vmem_shared>>
    %dma_wait3A_318 = tpu.memref_slice %arg13[%rem3A_309] : memref<4x!tpu.dma_semaphore, #tpu.memory_space<semaphore_mem>> -> memref<1x!tpu.dma_semaphore, #tpu.memory_space<semaphore_mem>>
    %dma_wait3A_319 = tpu.memref_squeeze %dma_wait3A_318 : memref<1x!tpu.dma_semaphore, #tpu.memory_space<semaphore_mem>> -> memref<!tpu.dma_semaphore, #tpu.memory_space<semaphore_mem>>
    tpu.wait_indirect_dma semaphore(%dma_wait3A_319 : memref<!tpu.dma_semaphore, #tpu.memory_space<semaphore_mem>>) src(%dma_wait3A_311 : memref<80x128xf32, #tpu.memory_space<vmem>>) dst(%dma_wait3A_317 : memref<10112x128xf32, #tpu.memory_space<vmem_shared>>)
    %rem3A_320 = arith.constant 124 : i32
    %rem3A_321 = arith.constant 4 : i32
    %rem3A_322 = arith.remsi %rem3A_320, %rem3A_321 : i32
    %mul3A_323 = arith.constant 80 : i32
    %mul3A_324 = arith.muli %rem3A_322, %mul3A_323 : i32
    %rem3A_325 = arith.constant 124 : i32
    %rem3A_326 = arith.constant 8 : i32
    %rem3A_327 = arith.remsi %rem3A_325, %rem3A_326 : i32
    %rem3A_328 = arith.constant 124 : i32
    %rem3A_329 = arith.constant 4 : i32
    %rem3A_330 = arith.remsi %rem3A_328, %rem3A_329 : i32
    %dma_wait3A_331 = arith.constant 0 : i32
    %dma_wait3A_332 = tpu.memref_slice %arg10[%mul3A_324, %dma_wait3A_331] : memref<320x128xf32, #tpu.memory_space<vmem>> -> memref<80x128xf32, #tpu.memory_space<vmem>>
    %dma_wait3A_333 = arith.constant 0 : i32
    %dma_wait3A_334 = tpu.memref_slice %arg9[%rem3A_327, %dma_wait3A_333] : memref<8x80xi32, #tpu.memory_space<vmem>> -> memref<1x80xi32, #tpu.memory_space<vmem>>
    %dma_wait3A_335 = tpu.memref_squeeze %dma_wait3A_334 : memref<1x80xi32, #tpu.memory_space<vmem>> -> memref<80xi32, #tpu.memory_space<vmem>>
    %dma_wait3A_336 = arith.constant 0 : i32
    %dma_wait3A_337 = arith.constant 0 : i32
    %dma_wait3A_338 = tpu.memref_slice %arg7[%dma_wait3A_336, %dma_wait3A_337] : memref<10112x128xf32, #tpu.memory_space<vmem_shared>> -> memref<10112x128xf32, #tpu.memory_space<vmem_shared>>
    %dma_wait3A_339 = tpu.memref_slice %arg13[%rem3A_330] : memref<4x!tpu.dma_semaphore, #tpu.memory_space<semaphore_mem>> -> memref<1x!tpu.dma_semaphore, #tpu.memory_space<semaphore_mem>>
    %dma_wait3A_340 = tpu.memref_squeeze %dma_wait3A_339 : memref<1x!tpu.dma_semaphore, #tpu.memory_space<semaphore_mem>> -> memref<!tpu.dma_semaphore, #tpu.memory_space<semaphore_mem>>
    tpu.wait_indirect_dma semaphore(%dma_wait3A_340 : memref<!tpu.dma_semaphore, #tpu.memory_space<semaphore_mem>>) src(%dma_wait3A_332 : memref<80x128xf32, #tpu.memory_space<vmem>>) dst(%dma_wait3A_338 : memref<10112x128xf32, #tpu.memory_space<vmem_shared>>)
    %barrier3A_341 = arith.constant 0 : index
    tpu.barrier barrier_id(%barrier3A_341)
    "tpu.region"() ({
      %run_scoped3A = tpu.sem_alloc : memref<!tpu.dma_semaphore, #tpu.memory_space<semaphore_mem>>
      %dma_start3A_342 = arith.constant 0 : i32
      %dma_start3A_343 = tpu.memref_slice %arg6[%arg0, %mul3A_2, %dma_start3A_342] : memref<2x10112x128xf32, #tpu.memory_space<hbm>> -> memref<1x632x128xf32, #tpu.memory_space<hbm>>
      %dma_start3A_344 = tpu.memref_squeeze %dma_start3A_343 : memref<1x632x128xf32, #tpu.memory_space<hbm>> -> memref<632x128xf32, #tpu.memory_space<hbm>>
      %dma_start3A_345 = arith.constant 0 : i32
      %dma_start3A_346 = tpu.memref_slice %arg7[%mul3A_2, %dma_start3A_345] : memref<10112x128xf32, #tpu.memory_space<vmem_shared>> -> memref<632x128xf32, #tpu.memory_space<vmem_shared>>
      tpu.enqueue_dma source(%dma_start3A_346 : memref<632x128xf32, #tpu.memory_space<vmem_shared>>) target(%dma_start3A_344 : memref<632x128xf32, #tpu.memory_space<hbm>>) target_semaphore(%run_scoped3A : memref<!tpu.dma_semaphore, #tpu.memory_space<semaphore_mem>>)
      %dma_wait3A_347 = arith.constant 0 : i32
      %dma_wait3A_348 = tpu.memref_slice %arg6[%arg0, %mul3A_2, %dma_wait3A_347] : memref<2x10112x128xf32, #tpu.memory_space<hbm>> -> memref<1x632x128xf32, #tpu.memory_space<hbm>>
      %dma_wait3A_349 = tpu.memref_squeeze %dma_wait3A_348 : memref<1x632x128xf32, #tpu.memory_space<hbm>> -> memref<632x128xf32, #tpu.memory_space<hbm>>
      %dma_wait3A_350 = arith.constant 0 : i32
      %dma_wait3A_351 = tpu.memref_slice %arg7[%mul3A_2, %dma_wait3A_350] : memref<10112x128xf32, #tpu.memory_space<vmem_shared>> -> memref<632x128xf32, #tpu.memory_space<vmem_shared>>
      tpu.wait_dma2 semaphore(%run_scoped3A : memref<!tpu.dma_semaphore, #tpu.memory_space<semaphore_mem>>) src(%dma_wait3A_351 : memref<632x128xf32, #tpu.memory_space<vmem_shared>>) dst(%dma_wait3A_349 : memref<632x128xf32, #tpu.memory_space<hbm>>)
      tpu.yield
    }) : () -> ()
    return
  }
}

module attributes {stable_mosaic.version = 14 : i64} {
  func.func @_scale_mm_body(%arg0: i32, %arg1: memref<2x632x16xf32, #tpu.memory_space<vmem>>, %arg2: memref<632x128xf32, #tpu.memory_space<vmem>>, %arg3: memref<128x128xf32, #tpu.memory_space<vmem>>, %arg4: memref<632x128xf32, #tpu.memory_space<vmem>>) attributes {dimension_semantics = [#tpu.dimension_semantics<arbitrary>], iteration_bounds = array<i64: 16>, scalar_prefetch = 0 : i64, scratch_operands = 0 : i64, tpu.core_type = #tpu.core_type<tc>, window_params = [{transform_indices = @transform_0, window_bounds = array<i64: 2, 632, 16>}, {transform_indices = @transform_1, window_bounds = array<i64: 632, 128>}, {pipeline_mode = #tpu.pipeline_mode<synchronous>, transform_indices = @transform_2, window_bounds = array<i64: 128, 128>}, {transform_indices = @transform_3, window_bounds = array<i64: 632, 128>}]} {
    %get3A = arith.constant 0 : index
    %get3A_0 = arith.constant 0 : index
    %get3A_1 = arith.constant 0 : index
    %get3A_2 = vector.load %arg1[%get3A, %get3A_0, %get3A_1] : memref<2x632x16xf32, #tpu.memory_space<vmem>>, vector<1x632x16xf32>
    %get3A_3 = vector.shape_cast %get3A_2 : vector<1x632x16xf32> to vector<632x16xf32>
    %slice3A = vector.extract_strided_slice %get3A_3 {offsets = [0, 0], sizes = [632, 1], strides = [1, 1]} : vector<632x16xf32> to vector<632x1xf32>
    %get3A_4 = arith.constant 1 : index
    %get3A_5 = arith.constant 0 : index
    %get3A_6 = arith.constant 0 : index
    %get3A_7 = vector.load %arg1[%get3A_4, %get3A_5, %get3A_6] : memref<2x632x16xf32, #tpu.memory_space<vmem>>, vector<1x632x16xf32>
    %get3A_8 = vector.shape_cast %get3A_7 : vector<1x632x16xf32> to vector<632x16xf32>
    %slice3A_9 = vector.extract_strided_slice %get3A_8 {offsets = [0, 0], sizes = [632, 1], strides = [1, 1]} : vector<632x16xf32> to vector<632x1xf32>
    %add3A = arith.addf %slice3A, %slice3A_9 : vector<632x1xf32>
    %rsqrt3A = math.rsqrt %add3A : vector<632x1xf32>
    %get3A_10 = arith.constant 0 : index
    %get3A_11 = arith.constant 0 : index
    %get3A_12 = vector.load %arg2[%get3A_10, %get3A_11] : memref<632x128xf32, #tpu.memory_space<vmem>>, vector<632x128xf32>
    %get3A_13 = arith.constant 0 : index
    %get3A_14 = arith.constant 0 : index
    %get3A_15 = vector.load %arg3[%get3A_13, %get3A_14] : memref<128x128xf32, #tpu.memory_space<vmem>>, vector<128x128xf32>
    %dot_general3A = arith.constant dense<0.000000e+00> : vector<632x128xf32>
    %dot_general3A_16 = tpu.matmul %get3A_12, %get3A_15, %dot_general3A {dimension_numbers = #tpu.dot_dimension_numbers<[1], [0], [0], [1], [0, 0, 1, 1], [], []>, transpose_lhs_hint = false} : vector<632x128xf32>, vector<128x128xf32>, vector<632x128xf32> -> vector<632x128xf32>
    %mul3A = vector.broadcast %rsqrt3A : vector<632x1xf32> to vector<632x128xf32>
    %mul3A_17 = arith.mulf %dot_general3A_16, %mul3A : vector<632x128xf32>
    %swap3A = arith.constant 0 : index
    %swap3A_18 = arith.constant 0 : index
    %swap3A_19 = vector.load %arg4[%swap3A, %swap3A_18] : memref<632x128xf32, #tpu.memory_space<vmem>>, vector<632x128xf32>
    tpu.vector_store %arg4[%swap3A, %swap3A_18], %mul3A_17 {strides = array<i32>} : memref<632x128xf32, #tpu.memory_space<vmem>>, vector<632x128xf32>,
    return
  }
  func.func @transform_0(%arg0: i32) -> (i32, i32, i32) {
    %c0_i32 = arith.constant 0 : i32
    %c0_i32_0 = arith.constant 0 : i32
    %c0_i32_1 = arith.constant 0 : i32
    return %c0_i32, %arg0, %c0_i32_0 : i32, i32, i32
  }
  func.func @transform_1(%arg0: i32) -> (i32, i32) {
    %c0_i32 = arith.constant 0 : i32
    %c0_i32_0 = arith.constant 0 : i32
    return %arg0, %c0_i32 : i32, i32
  }
  func.func @transform_2(%arg0: i32) -> (i32, i32) {
    %c0_i32 = arith.constant 0 : i32
    %c0_i32_0 = arith.constant 0 : i32
    %c0_i32_1 = arith.constant 0 : i32
    return %c0_i32, %c0_i32_0 : i32, i32
  }
  func.func @transform_3(%arg0: i32) -> (i32, i32) {
    %c0_i32 = arith.constant 0 : i32
    %c0_i32_0 = arith.constant 0 : i32
    return %arg0, %c0_i32 : i32, i32
  }
}

module attributes {stable_mosaic.version = 14 : i64} {
  func.func @_mid_body(%arg0: i32, %arg1: memref<2x632x16xf32, #tpu.memory_space<vmem>>, %arg2: memref<2x632x128xf32, #tpu.memory_space<vmem>>, %arg3: memref<1x128xf32, #tpu.memory_space<vmem>>, %arg4: memref<128x128xf32, #tpu.memory_space<vmem>>, %arg5: memref<632x128xf32, #tpu.memory_space<vmem>>) attributes {dimension_semantics = [#tpu.dimension_semantics<arbitrary>], iteration_bounds = array<i64: 16>, scalar_prefetch = 0 : i64, scratch_operands = 0 : i64, tpu.core_type = #tpu.core_type<tc>, window_params = [{transform_indices = @transform_0, window_bounds = array<i64: 2, 632, 16>}, {transform_indices = @transform_1, window_bounds = array<i64: 2, 632, 128>}, {pipeline_mode = #tpu.pipeline_mode<synchronous>, transform_indices = @transform_2, window_bounds = array<i64: 1, 128>}, {pipeline_mode = #tpu.pipeline_mode<synchronous>, transform_indices = @transform_3, window_bounds = array<i64: 128, 128>}, {transform_indices = @transform_4, window_bounds = array<i64: 632, 128>}]} {
    %get3A = arith.constant 0 : index
    %get3A_0 = arith.constant 0 : index
    %get3A_1 = arith.constant 0 : index
    %get3A_2 = vector.load %arg1[%get3A, %get3A_0, %get3A_1] : memref<2x632x16xf32, #tpu.memory_space<vmem>>, vector<1x632x16xf32>
    %get3A_3 = vector.shape_cast %get3A_2 : vector<1x632x16xf32> to vector<632x16xf32>
    %slice3A = vector.extract_strided_slice %get3A_3 {offsets = [0, 0], sizes = [632, 1], strides = [1, 1]} : vector<632x16xf32> to vector<632x1xf32>
    %get3A_4 = arith.constant 1 : index
    %get3A_5 = arith.constant 0 : index
    %get3A_6 = arith.constant 0 : index
    %get3A_7 = vector.load %arg1[%get3A_4, %get3A_5, %get3A_6] : memref<2x632x16xf32, #tpu.memory_space<vmem>>, vector<1x632x16xf32>
    %get3A_8 = vector.shape_cast %get3A_7 : vector<1x632x16xf32> to vector<632x16xf32>
    %slice3A_9 = vector.extract_strided_slice %get3A_8 {offsets = [0, 0], sizes = [632, 1], strides = [1, 1]} : vector<632x16xf32> to vector<632x1xf32>
    %add3A = arith.addf %slice3A, %slice3A_9 : vector<632x1xf32>
    %rsqrt3A = math.rsqrt %add3A : vector<632x1xf32>
    %get3A_10 = arith.constant 0 : index
    %get3A_11 = arith.constant 0 : index
    %get3A_12 = arith.constant 0 : index
    %get3A_13 = vector.load %arg2[%get3A_10, %get3A_11, %get3A_12] : memref<2x632x128xf32, #tpu.memory_space<vmem>>, vector<1x632x128xf32>
    %get3A_14 = vector.shape_cast %get3A_13 : vector<1x632x128xf32> to vector<632x128xf32>
    %get3A_15 = arith.constant 1 : index
    %get3A_16 = arith.constant 0 : index
    %get3A_17 = arith.constant 0 : index
    %get3A_18 = vector.load %arg2[%get3A_15, %get3A_16, %get3A_17] : memref<2x632x128xf32, #tpu.memory_space<vmem>>, vector<1x632x128xf32>
    %get3A_19 = vector.shape_cast %get3A_18 : vector<1x632x128xf32> to vector<632x128xf32>
    %add3A_20 = arith.addf %get3A_14, %get3A_19 : vector<632x128xf32>
    %mul3A = vector.broadcast %rsqrt3A : vector<632x1xf32> to vector<632x128xf32>
    %mul3A_21 = arith.mulf %mul3A, %add3A_20 : vector<632x128xf32>
    %get3A_22 = arith.constant 0 : index
    %get3A_23 = arith.constant 0 : index
    %get3A_24 = vector.load %arg3[%get3A_22, %get3A_23] : memref<1x128xf32, #tpu.memory_space<vmem>>, vector<1x128xf32>
    %add3A_25 = vector.broadcast %get3A_24 : vector<1x128xf32> to vector<632x128xf32>
    %add3A_26 = arith.addf %mul3A_21, %add3A_25 : vector<632x128xf32>
    %max3A = arith.constant 0.000000e+00 : f32
    %max3A_27 = vector.broadcast %max3A : f32 to vector<632x128xf32>
    %max3A_28 = arith.maximumf %add3A_26, %max3A_27 : vector<632x128xf32>
    %get3A_29 = arith.constant 0 : index
    %get3A_30 = arith.constant 0 : index
    %get3A_31 = vector.load %arg4[%get3A_29, %get3A_30] : memref<128x128xf32, #tpu.memory_space<vmem>>, vector<128x128xf32>
    %dot_general3A = arith.constant dense<0.000000e+00> : vector<632x128xf32>
    %dot_general3A_32 = tpu.matmul %max3A_28, %get3A_31, %dot_general3A {dimension_numbers = #tpu.dot_dimension_numbers<[1], [0], [0], [1], [0, 0, 1, 1], [], []>, transpose_lhs_hint = false} : vector<632x128xf32>, vector<128x128xf32>, vector<632x128xf32> -> vector<632x128xf32>
    %mul3A_33 = vector.broadcast %rsqrt3A : vector<632x1xf32> to vector<632x128xf32>
    %mul3A_34 = arith.mulf %dot_general3A_32, %mul3A_33 : vector<632x128xf32>
    %swap3A = arith.constant 0 : index
    %swap3A_35 = arith.constant 0 : index
    %swap3A_36 = vector.load %arg5[%swap3A, %swap3A_35] : memref<632x128xf32, #tpu.memory_space<vmem>>, vector<632x128xf32>
    tpu.vector_store %arg5[%swap3A, %swap3A_35], %mul3A_34 {strides = array<i32>} : memref<632x128xf32, #tpu.memory_space<vmem>>, vector<632x128xf32>,
    return
  }
  func.func @transform_0(%arg0: i32) -> (i32, i32, i32) {
    %c0_i32 = arith.constant 0 : i32
    %c0_i32_0 = arith.constant 0 : i32
    %c0_i32_1 = arith.constant 0 : i32
    return %c0_i32, %arg0, %c0_i32_0 : i32, i32, i32
  }
  func.func @transform_1(%arg0: i32) -> (i32, i32, i32) {
    %c0_i32 = arith.constant 0 : i32
    %c0_i32_0 = arith.constant 0 : i32
    %c0_i32_1 = arith.constant 0 : i32
    return %c0_i32, %arg0, %c0_i32_0 : i32, i32, i32
  }
  func.func @transform_2(%arg0: i32) -> (i32, i32) {
    %c0_i32 = arith.constant 0 : i32
    %c0_i32_0 = arith.constant 0 : i32
    %c0_i32_1 = arith.constant 0 : i32
    return %c0_i32, %c0_i32_0 : i32, i32
  }
  func.func @transform_3(%arg0: i32) -> (i32, i32) {
    %c0_i32 = arith.constant 0 : i32
    %c0_i32_0 = arith.constant 0 : i32
    %c0_i32_1 = arith.constant 0 : i32
    return %c0_i32, %c0_i32_0 : i32, i32
  }
  func.func @transform_4(%arg0: i32) -> (i32, i32) {
    %c0_i32 = arith.constant 0 : i32
    %c0_i32_0 = arith.constant 0 : i32
    return %arg0, %c0_i32 : i32, i32
  }
}

module attributes {stable_mosaic.version = 14 : i64} {
  func.func @_fin_body(%arg0: i32, %arg1: memref<2x632x16xf32, #tpu.memory_space<vmem>>, %arg2: memref<2x632x128xf32, #tpu.memory_space<vmem>>, %arg3: memref<1x128xf32, #tpu.memory_space<vmem>>, %arg4: memref<632x128xf32, #tpu.memory_space<vmem>>) attributes {dimension_semantics = [#tpu.dimension_semantics<arbitrary>], iteration_bounds = array<i64: 16>, scalar_prefetch = 0 : i64, scratch_operands = 0 : i64, tpu.core_type = #tpu.core_type<tc>, window_params = [{transform_indices = @transform_0, window_bounds = array<i64: 2, 632, 16>}, {transform_indices = @transform_1, window_bounds = array<i64: 2, 632, 128>}, {pipeline_mode = #tpu.pipeline_mode<synchronous>, transform_indices = @transform_2, window_bounds = array<i64: 1, 128>}, {transform_indices = @transform_3, window_bounds = array<i64: 632, 128>}]} {
    %get3A = arith.constant 0 : index
    %get3A_0 = arith.constant 0 : index
    %get3A_1 = arith.constant 0 : index
    %get3A_2 = vector.load %arg1[%get3A, %get3A_0, %get3A_1] : memref<2x632x16xf32, #tpu.memory_space<vmem>>, vector<1x632x16xf32>
    %get3A_3 = vector.shape_cast %get3A_2 : vector<1x632x16xf32> to vector<632x16xf32>
    %slice3A = vector.extract_strided_slice %get3A_3 {offsets = [0, 0], sizes = [632, 1], strides = [1, 1]} : vector<632x16xf32> to vector<632x1xf32>
    %get3A_4 = arith.constant 1 : index
    %get3A_5 = arith.constant 0 : index
    %get3A_6 = arith.constant 0 : index
    %get3A_7 = vector.load %arg1[%get3A_4, %get3A_5, %get3A_6] : memref<2x632x16xf32, #tpu.memory_space<vmem>>, vector<1x632x16xf32>
    %get3A_8 = vector.shape_cast %get3A_7 : vector<1x632x16xf32> to vector<632x16xf32>
    %slice3A_9 = vector.extract_strided_slice %get3A_8 {offsets = [0, 0], sizes = [632, 1], strides = [1, 1]} : vector<632x16xf32> to vector<632x1xf32>
    %add3A = arith.addf %slice3A, %slice3A_9 : vector<632x1xf32>
    %rsqrt3A = math.rsqrt %add3A : vector<632x1xf32>
    %get3A_10 = arith.constant 0 : index
    %get3A_11 = arith.constant 0 : index
    %get3A_12 = arith.constant 0 : index
    %get3A_13 = vector.load %arg2[%get3A_10, %get3A_11, %get3A_12] : memref<2x632x128xf32, #tpu.memory_space<vmem>>, vector<1x632x128xf32>
    %get3A_14 = vector.shape_cast %get3A_13 : vector<1x632x128xf32> to vector<632x128xf32>
    %get3A_15 = arith.constant 1 : index
    %get3A_16 = arith.constant 0 : index
    %get3A_17 = arith.constant 0 : index
    %get3A_18 = vector.load %arg2[%get3A_15, %get3A_16, %get3A_17] : memref<2x632x128xf32, #tpu.memory_space<vmem>>, vector<1x632x128xf32>
    %get3A_19 = vector.shape_cast %get3A_18 : vector<1x632x128xf32> to vector<632x128xf32>
    %add3A_20 = arith.addf %get3A_14, %get3A_19 : vector<632x128xf32>
    %mul3A = vector.broadcast %rsqrt3A : vector<632x1xf32> to vector<632x128xf32>
    %mul3A_21 = arith.mulf %mul3A, %add3A_20 : vector<632x128xf32>
    %get3A_22 = arith.constant 0 : index
    %get3A_23 = arith.constant 0 : index
    %get3A_24 = vector.load %arg3[%get3A_22, %get3A_23] : memref<1x128xf32, #tpu.memory_space<vmem>>, vector<1x128xf32>
    %add3A_25 = vector.broadcast %get3A_24 : vector<1x128xf32> to vector<632x128xf32>
    %add3A_26 = arith.addf %mul3A_21, %add3A_25 : vector<632x128xf32>
    %max3A = arith.constant 0.000000e+00 : f32
    %max3A_27 = vector.broadcast %max3A : f32 to vector<632x128xf32>
    %max3A_28 = arith.maximumf %add3A_26, %max3A_27 : vector<632x128xf32>
    %swap3A = arith.constant 0 : index
    %swap3A_29 = arith.constant 0 : index
    %swap3A_30 = vector.load %arg4[%swap3A, %swap3A_29] : memref<632x128xf32, #tpu.memory_space<vmem>>, vector<632x128xf32>
    tpu.vector_store %arg4[%swap3A, %swap3A_29], %max3A_28 {strides = array<i32>} : memref<632x128xf32, #tpu.memory_space<vmem>>, vector<632x128xf32>,
    return
  }
  func.func @transform_0(%arg0: i32) -> (i32, i32, i32) {
    %c0_i32 = arith.constant 0 : i32
    %c0_i32_0 = arith.constant 0 : i32
    %c0_i32_1 = arith.constant 0 : i32
    return %c0_i32, %arg0, %c0_i32_0 : i32, i32, i32
  }
  func.func @transform_1(%arg0: i32) -> (i32, i32, i32) {
    %c0_i32 = arith.constant 0 : i32
    %c0_i32_0 = arith.constant 0 : i32
    %c0_i32_1 = arith.constant 0 : i32
    return %c0_i32, %arg0, %c0_i32_0 : i32, i32, i32
  }
  func.func @transform_2(%arg0: i32) -> (i32, i32) {
    %c0_i32 = arith.constant 0 : i32
    %c0_i32_0 = arith.constant 0 : i32
    %c0_i32_1 = arith.constant 0 : i32
    return %c0_i32, %c0_i32_0 : i32, i32
  }
  func.func @transform_3(%arg0: i32) -> (i32, i32) {
    %c0_i32 = arith.constant 0 : i32
    %c0_i32_0 = arith.constant 0 : i32
    return %arg0, %c0_i32 : i32, i32
  }
}

</mosaic_0001>

<sc_bundles>
// kernel: kernel.11.cloned.1.call-start
scs
__scs_entry_jumppad:
0x0: {  	(pc) =	sbr.rel $0x88, $3  }
0x1: {  	(tag) =	ssettag $0x0;
	lr =	simm.s32 $0x1  }
0x2: {  	[smem:$0x3F9B] =	sst lr;
	_ =	strace $0xD0000000  }
0x3: {  	_ = 	snop  }
0x4: {  	_ = 	snop  }
0x5: {  	_ = 	snop  }
0x6: {  	_ = 	snop  }
0x7: {  	_ = 	snop  }
__scs_overlays_trampoline_lowered:
0x8: {  	[smem:$0x3FAA] =	sst s0  }
0x9: {  	[smem:$0x3FAB] =	sst s1  }
0xa: {  	[smem:$0x3FAC] =	sst s2  }
0xb: {  	[smem:$0x3FAD] =	sst s3  }
0xc: {  	[smem:$0x3FAE] =	sst s4  }
0xd: {  	[smem:$0x3FAF] =	sst s5  }
0xe: {  	[smem:$0x3FB0] =	sst s6  }
0xf: {  	[smem:$0x3FB1] =	sst s7  }
0x10: {  	[smem:$0x3FB2] =	sst s8  }
0x11: {  	[smem:$0x3FB3] =	sst s9;
	s0 =	simm.s32 @!p0 $0x0  }
0x12: {  	s1 =	sld [smem:$0x3F99];
	s0 =	simm.s32 @p0 $0x1  }
0x13: {  	[smem:$0x3FB4] =	sst s0;
	s0 =	simm.s32 @!p1 $0x0  }
0x14: {  	s2 =	sld [smem:$0x3F98];
	s0 =	simm.s32 @p1 $0x1  }
0x15: {  	[smem:$0x3FB5] =	sst s0;
	s0 =	simm.s32 @!p2 $0x0  }
0x16: {  	s3 =	sld [smem:$0x3FDB];
	s0 =	simm.s32 @p2 $0x1  }
0x17: {  	s4 =	simm.s32 $0x1BF5;
	[smem:$0x3FB7] =	sst s0  }
0x18: {  	s0 =	sld [smem:$0x3F9A];
	_ =	swait.ge [sflag:s4], $0x0  }
0x19: {  	s7 =	sld [smem:$0x3F9B]  }
0x1a: {  	s8 =	sadd.s32 $0xFFFFE003, lr  }
0x1b: {  	s9 =	sadd.s32 $0xFFFFFEF7, lr;
	s5 =	simm.s32 $0xFFFFFFFF;
	p2 =	slt.u32 s8, $0xFFFFF086  }
0x1c: {  	p1 =	slt.u32 s9, $0xF7A;
	s5 =	simm.s32 @!p2 $0x0  }
0x1d: {  	s5 =	simm.s32 @p1 $0x1;
	p0 =	seq.s32 s7, s2  }
0x1e: {  	s7 =	smul.u32 @!p0 $0xF7A, s2;
	p2 =	seq.s32 @!p0 s5, $0x0  }
0x1f: {  	s9 =	smul.u32 $0xF7A, s1;
	s8 =	simm.s32 @!p0 $0x1BF5;
	p2 =	por !p2, p0  }
0x20: {  	[sflag:s8] =	ssyncset.s32 @!p0 $0xFFFFF086;
	s6 =	sadd.s32 @!p0 s3, s7;
	s7 =	simm.s32 @!p0 $0x108  }
0x21: {  	s3 =	sadd.s32 s3, s9;
	s6 =	sadd.s32 @!p0 $0x88, s6;
	s7 =	simm.s32 @p2 $0x1082  }
0x22: {  	[simem:s7], [sflag:s8] =	dma.local @!p0 [hbm:s6], $0xF7A  }
0x23: {  	s9 =	sor.u32 $0xD0000000, s2;
	s6 =	simm.s32 $0x108;
	_ =	swait.ge @!p0 [sflag:s8], $0x0  }
0x24: {  	s3 =	sadd.s32 $0x88, s3;
	s6 =	simm.s32 @!p1 $0x1082;
	[sflag:s4] =	ssyncset.s32 $0xFFFFF086  }
0x25: {  	[simem:s6], [sflag:s4] =	dma.local [hbm:s3], $0xF7A  }
0x26: {  	[smem:$0x3F9B] =	sst s1;
	(tag) =	ssettag s2;
	_ =	strace s9  }
0x27: {  	s1 =	sld [smem:$0x3FAB]  }
0x28: {  	s2 =	sld [smem:$0x3FAC]  }
0x29: {  	s4 =	sld [smem:$0x3FAE]  }
0x2a: {  	p0 =	seq.s32 s5, $0x0;
	s5 =	sld [smem:$0x3FAF]  }
0x2b: {  	s6 =	sld [smem:$0x3FB0]  }
0x2c: {  	s7 =	sld [smem:$0x3FB1]  }
0x2d: {  	s3 =	simm.s32 $0x108;
	s8 =	sld [smem:$0x3FB2]  }
0x2e: {  	s3 =	simm.s32 @!p0 $0x1082;
	s9 =	sld [smem:$0x3FB3]  }
0x2f: {  	lr =	sadd.s32 s0, s3;
	s0 =	sld [smem:$0x3FAA]  }
0x30: {  	s3 =	sld [smem:$0x3FAD]  }
0x31: {  	[smem:$0x3FB6] =	sst s10  }
0x32: {  	s10 =	sld [smem:$0x3FB4];
	_ =	sdelay $0x3  }
0x33: {  	p0 =	seq.s32 s10, $0x1;
	s10 =	sld [smem:$0x3FB6];
	_ =	sdelay $0x3  }
0x34: {  	[smem:$0x3FB6] =	sst s10  }
0x35: {  	s10 =	sld [smem:$0x3FB5];
	_ =	sdelay $0x3  }
0x36: {  	p1 =	seq.s32 s10, $0x1;
	s10 =	sld [smem:$0x3FB6];
	_ =	sdelay $0x3  }
0x37: {  	[smem:$0x3FB6] =	sst s10  }
0x38: {  	s10 =	sld [smem:$0x3FB7]  }
0x39: {  	_ = 	snop;
	(pc) =	sbr.ind lr, $3  }
0x3a: {  	_ = 	snop  }
0x3b: {  	_ = 	snop  }
0x3c: {  	p2 =	seq.s32 s10, $0x1;
	s10 =	sld [smem:$0x3FB6]  }
0x3d: {  	_ =	shalt  }
0x3e: {  	_ =	shalt  }
0x3f: {  	_ =	shalt  }
0x40: {  	_ =	shalt  }
0x41: {  	_ =	shalt  }
0x42: {  	_ =	shalt  }
0x43: {  	_ =	shalt  }
0x44: {  	_ =	shalt  }
0x45: {  	_ =	shalt  }
0x46: {  	_ =	shalt  }
0x47: {  	_ =	shalt  }
0x48: {  	_ =	shalt  }
0x49: {  	_ =	shalt  }
0x4a: {  	_ =	shalt  }
0x4b: {  	_ =	shalt  }
0x4c: {  	_ =	shalt  }
0x4d: {  	_ =	shalt  }
0x4e: {  	_ =	shalt  }
0x4f: {  	_ =	shalt  }
0x50: {  	_ =	shalt  }
0x51: {  	_ =	shalt  }
0x52: {  	_ =	shalt  }
0x53: {  	_ =	shalt  }
0x54: {  	_ =	shalt  }
0x55: {  	_ =	shalt  }
0x56: {  	_ =	shalt  }
0x57: {  	_ =	shalt  }
0x58: {  	_ =	shalt  }
0x59: {  	_ =	shalt  }
0x5a: {  	_ =	shalt  }
0x5b: {  	_ =	shalt  }
0x5c: {  	_ =	shalt  }
0x5d: {  	_ =	shalt  }
0x5e: {  	_ =	shalt  }
0x5f: {  	_ =	shalt  }
0x60: {  	_ =	shalt  }
0x61: {  	_ =	shalt  }
0x62: {  	_ =	shalt  }
0x63: {  	_ =	shalt  }
0x64: {  	_ =	shalt  }
0x65: {  	_ =	shalt  }
0x66: {  	_ =	shalt  }
0x67: {  	_ =	shalt  }
0x68: {  	_ =	shalt  }
0x69: {  	_ =	shalt  }
0x6a: {  	_ =	shalt  }
0x6b: {  	_ =	shalt  }
0x6c: {  	_ =	shalt  }
0x6d: {  	_ =	shalt  }
0x6e: {  	_ =	shalt  }
0x6f: {  	_ =	shalt  }
0x70: {  	_ =	shalt  }
0x71: {  	_ =	shalt  }
0x72: {  	_ =	shalt  }
0x73: {  	_ =	shalt  }
0x74: {  	_ =	shalt  }
0x75: {  	_ =	shalt  }
0x76: {  	_ =	shalt  }
0x77: {  	_ =	shalt  }
0x78: {  	_ =	shalt  }
0x79: {  	_ =	shalt  }
0x7a: {  	_ =	shalt  }
0x7b: {  	_ =	shalt  }
0x7c: {  	_ =	shalt  }
0x7d: {  	_ =	shalt  }
0x7e: {  	_ =	shalt  }
0x7f: {  	_ =	shalt  }
0x80: {  	_ =	shalt  }
0x81: {  	_ =	shalt  }
0x82: {  	_ =	shalt  }
0x83: {  	_ =	shalt  }
0x84: {  	_ =	shalt  }
0x85: {  	_ =	shalt  }
0x86: {  	_ =	shalt  }
0x87: {  	_ =	shalt  }
.Lfunc_end0:
.L_simem_size_0:
called_computation.1_lowered:
.L_overlay_start_0:
0x88: {  	s2 =	sld [smem:$0x3FD9]  }
0x89: {  	s3 =	sld [smem:$0x3FFE];
	_ =	sdelay $0x1  }
0x8a: {  	s1 =	srdreg.scid  }
0x8b: {  	s0 =	sand.u32 $0x1, s1  }
0x8c: {  	s17 =	sshll.u32 s0, $0xA;
	s2 =	sadd.s32 s3, s2  }
0x8d: {  	s2 =	sadd.s32 s2, s17  }
0x8e: {  	[smem:$0x3FC2] =	sst s2  }
0x8f: {  	_ = 	snop  }
0x90: {  	s2 =	sld [smem:$0x3FD0];
	(tm) =	ssettm $0x1  }
0x91: {  	s18 =	sld [smem:$0x3FFB];
	_ =	sdelay $0x3  }
0x92: {  	_ =	strace s18  }
0x93: {  	s3 =	sld [smem:$0x3FFC];
	_ =	sdelay $0x3  }
0x94: {  	_ =	strace s3  }
0x95: {  	s3 =	sld [smem:$0x3FFD];
	_ =	sdelay $0x3  }
0x96: {  	_ =	strace s3  }
0x97: {  	_ =	strace $0x8FFFFFFF  }
0x98: {  	s19 =	sld [smem:$0x3FDB];
	_ =	sdelay $0x1  }
0x99: {  	s4 =	simm.s32 $_scs_section_size  }
0x9a: {  	s5 =	simm.s32 $_size__tile_overlayer_lowered;
	s6 =	simm.s32 $_tile_overlayer_lowered  }
0x9b: {  	s22 =	simm.s32 $0x1BFF;
	s21 =	sshll.u32 s6, $0x1;
	s3 =	sadd.s32 s4, s19  }
0x9c: {  	s7 =	simm.s32 $0x0;
	s20 =	sshll.u32 s5, $0x1;
	s5 =	sadd.s32 s21, s3  }
0x9d: {  	[timem:s7], [sflag:s22] =	dma.local [hbm:s5], s20  }
0x9e: {  	_ =	swait.ge [sflag:s22], s20  }
0x9f: {  	s4 =	ssub.s32 $0x0, s20;
	[sflag:s22] =	ssyncset.done $0x0  }
0xa0: {  	[sflag:s22] =	ssyncadd.s32 s4;
	_ =	sdelay $0x1  }
0xa1: {  	s23 =	simm.s32 $0x1B8B  }
0xa2: {  	_ =	swait.ge [sflag:s23], $0x1  }
0xa3: {  	[sflag:s23] =	ssyncset.done $0x0  }
0xa4: {  	s25 =	simm.s32 $0x1B8E;
	s24 =	sld [smem:$0x3FFE];
	[sflag:s23] =	ssyncadd.s32 $0xFFFFFFFF  }
0xa5: {  	s26 =	simm.s32 $execute0_lowered;
	[smem:$0x3FD2] =	sst s25  }
0xa6: {  	s5 =	sshll.u32 s26, $0x1;
	_ =	strace $0x80000049;
	[dreg:$0x1] =	wrdreg $0xFFFFFFFF  }
0xa7: {  	s28 =	simm.s32 $_size_execute0_lowered;
	s3 =	sadd.s32 s3, s5;
	[dreg:$0x0] =	wrdreg $0x0  }
0xa8: {  	s5 =	sshll.u32 s28, $0x1;
	[dreg:$0x2] =	wrdreg s3  }
0xa9: {  	[dreg:$0x3] =	wrdreg s5  }
0xaa: {  	[dreg:$0x4] =	wrdreg $0xC0  }
0xab: {  	_ =	task [dreg:s7], $0x5FFFF  }
0xac: {  	[dreg:$0x1] =	wrdreg $0xFFFFFFFF  }
0xad: {  	[dreg:$0x0] =	wrdreg $0x60  }
0xae: {  	[dreg:$0x2] =	wrdreg s24  }
0xaf: {  	[dreg:$0x3] =	wrdreg s2  }
0xb0: {  	[dreg:$0x4] =	wrdreg $0x0  }
0xb1: {  	[dreg:$0x5] =	wrdreg $0x9  }
0xb2: {  	_ =	task.clear_ibuf [dreg:s7], $0x6FFFF;
	_ =	strace $0x90000049  }
0xb3: {  	s29 =	simm.s32 $0x9;
	_ =	strace $0x8000004B  }
0xb4: {  	_ =	swait.ge [sflag:s29], $0x1  }
0xb5: {  	[sflag:s29] =	ssyncadd.s32 $0xFFFFFFFF  }
0xb6: {  	_ =	strace $0x9000004B  }
0xb7: {  	_ =	sfence  }
0xb8: {  	s30 =	sld [smem:$0x0];
	_ =	sdelay $0x2  }
0xb9: {  	s31 =	sshll.u32 s1, $0xD;
	s1 =	sshrl.u32 s1, $0x2  }
0xba: {  	s3 =	sand.u32 $0x4000, s31;
	s1 =	sadd.s32 s1, s30  }
0xbb: {  	s0 =	sor.u32 s3, s0;
	s1 =	sshll.u32 s1, $0x11  }
0xbc: {  	s0 =	sor.u32 s1, s0  }
0xbd: {  	s0 =	sadd.s32 $0x8F2B, s0  }
0xbe: {  	[sflag:s0] =	ssyncadd.remote.s32 $0x1  }
0xbf: {  	_ =	sfence.sel $0xFFFF  }
0xc0: {  	[dreg:$0x0] =	wrdreg $0xFFFFFFFF;
	(pc) =	sbr.abs _section_cstart, $3  }
0xc1: {  	[dreg:$0x1] =	wrdreg $0xFFFFFFFF  }
0xc2: {  	_ =	task.clear_ibuf [dreg:s7], $0x2FFFF;
	_ =	strace $0x9FFFFFFF  }
0xc3: {  	(tm) =	ssettm $0x7FFFFFFF  }
tec
execute0_lowered:
.L_overlay_start_1:
0x0: {  	(tag) =	ssettag $0x1  }
0x1: {  	s0 =	rddreg [dreg:$0x0]  }
0x2: {  	s2 =	rddreg [dreg:$0x1]  }
0x3: {  	s1 =	rddreg [dreg:$0x2];
	s3 =	simm.s32 $0x0  }
0x4: {  	s4 =	srdreg.scid;
	s13 =	stileid.u32;
	s29 =	simm.s32 $0xE  }
0x5: {  	s30 =	simm.s32 $0xF;
	s31 =	simm.s32 $0x10;
	s7 =	smul.u32 $0x13C00, s13  }
0x6: {  	[smem:$0x7FF] =	sst s3;
	s5 =	sand.u32 $0x1, s4;
	s15 =	smul.u32 $0x4F000, s13  }
0x7: {  	s4 =	sadd.s32 $0x15600, s0;
	s8 =	sadd.s32 $0xB800, s0;
	s12 =	smul.u32 $0x2780, s13  }
0x8: {  	s9 =	sadd.s32 $0x1A00, s0;
	s6 =	smul.u32 $0x13C000, s5;
	_ =	strace $0x8000004A  }
0x9: {  	s10 =	sshll.u32 s5, $0x4;
	s11 =	ssub.s32 $0x2, s5;
	p0 =	sne.s32 s5, $0x0  }
0xa: {  	s14 =	sor.u32 s13, s10;
	s16 =	sshrl.u32 s11, $0x1;
	s6 =	sadd.s32 s7, s6  }
0xb: {  	s17 =	sshrl.u32 s15, $0x2;
	s7 =	smul.u32 $0x2710, s14;
	s6 =	sshrl.u32 s6, $0x3  }
0xc: {  	s11 =	ssub.s32 s11, s16;
	s16 =	smul.u32 $0x27100, s5;
	s0 =	sadd.s32 s6, s0  }
0xd: {  	s7 =	sshrl.u32 s7, $0x3;
	s6 =	sadd.s32 s17, s1;
	s17 =	smul.u32 $0x2710, s13  }
0xe: {  	[dreg:$0x4] =	wrdreg s6;
	s6 =	sadd.s32 s4, s12;
	s18 =	sadd.s32 $0xA, s7  }
0xf: {  	s19 =	sadd.s32 s8, s7;
	s20 =	sadd.s32 s9, s7;
	s22 =	sadd.s32 $0x14, s7  }
0x10: {  	s14 =	sadd.s32 $0x1E, s7;
	s7 =	sadd.s32 $0x28, s7;
	[dreg:$0x5] =	wrdreg s19  }
0x11: {  	[dreg:$0x6] =	wrdreg s20;
	s21 =	sadd.s32 s8, s18;
	s10 =	sadd.s32 s9, s18  }
0x12: {  	s23 =	sadd.s32 s8, s22;
	s24 =	sadd.s32 s8, s14;
	s25 =	sadd.s32 s9, s14  }
0x13: {  	s15 =	sadd.s32 s8, s7;
	s26 =	sadd.s32 s17, s16;
	[dreg:$0x7] =	wrdreg s21  }
0x14: {  	s16 =	sadd.s32 s9, s7;
	s17 =	sadd.s32 $0x3CE00, s0;
	[dreg:$0x8] =	wrdreg s10  }
0x15: {  	s18 =	smax.u32 s11, $0x1;
	s6 =	smov.u32 @p0 s2;
	[dreg:$0x9] =	wrdreg s23  }
0x16: {  	s2 =	simm.s32 $0x1;
	s10 =	sadd.s32 s9, s22;
	[dreg:$0xb] =	wrdreg s24  }
.Ltmp0:
0x17: {  	[dreg:$0xc] =	wrdreg s25;
	s28 =	sadd.s32 $0x190, s26;
	(pc) =	sbr.rel .LBB2_1-.Ltmp0, $4  }
0x18: {  	s14 =	smov.u32 s6;
	s21 =	simm.s32 $0x11;
	s22 =	simm.s32 $0x13C00  }
0x19: {  	s24 =	simm.s32 $0x13C80;
	s23 =	simm.s32 $0x50;
	s26 =	simm.s32 $0x2  }
0x1a: {  	s25 =	simm.s32 $0x0;
	[dreg:$0xa] =	wrdreg s10;
	s0 =	sshrl.u32 s28, $0x3  }
0x1b: {  	s9 =	sadd.s32 s0, s9;
	s8 =	sadd.s32 s0, s8;
	s0 =	simm.s32 $0xD  }
.LBB2_9:
0x1c: {  	_ =	swait.ge [sflag:s29], $0x2800  }
0x1d: {  	[sflag:s29] =	ssyncset.done $0x0  }
0x1e: {  	[sflag:s29] =	ssyncadd.s32 $0xFFFFD800  }
0x1f: {  	_ =	swait.ge [sflag:s30], $0x2800  }
0x20: {  	[sflag:s30] =	ssyncset.done $0x0  }
0x21: {  	[sflag:s30] =	ssyncadd.s32 $0xFFFFD800  }
0x22: {  	_ =	swait.ge [sflag:s31], $0x2800  }
0x23: {  	[sflag:s31] =	ssyncset.done $0x0  }
0x24: {  	[sflag:s31] =	ssyncadd.s32 $0xFFFFD800  }
0x25: {  	_ =	swait.ge [sflag:s0], $0x2800  }
0x26: {  	s25 =	sadd.s32 $0x1, s25;
	[sflag:s0] =	ssyncset.done $0x0  }
0x27: {  	p0 =	sne.s32 s25, s18;
	[sflag:s0] =	ssyncadd.s32 $0xFFFFD800  }
.Ltmp1:
0x28: {  	[bflag:$0x0] =	sbarrier.arrive $0xFFFF;
	(pc) =	sbr.rel @!p0 .LBB2_10-.Ltmp1, $4  }
0x29: {  	[hbm:s17], [sflag:s28] =	dma.local [spmem:s5], $0x2780  }
0x2a: {  	_ =	swait.ge [sflag:s21], $0x2780  }
0x2b: {  	[sflag:s21] =	ssyncset.done $0x0  }
0x2c: {  	[sflag:s21] =	ssyncadd.s32 $0xFFFFD880  }
.LBB2_1:
0x2d: {  	s5 =	stileid.u32  }
0x2e: {  	s11 =	rddreg [dreg:$0x4];
	s5 =	sshll.u32 s5, $0x6  }
0x2f: {  	s28 =	sor.u32 $0x1C11, s5;
	s5 =	sshrl.u32 s11, $0x3  }
0x30: {  	[spmem:s5], [sflag:s28] =	dma.local [hbm:s14], $0x2780  }
0x31: {  	_ =	swait.ge [sflag:s21], $0x2780  }
0x32: {  	[sflag:s21] =	ssyncset.done $0x0  }
0x33: {  	[sflag:s21] =	ssyncadd.s32 $0xFFFFD880  }
0x34: {  	[bflag:$0x0] =	sbarrier.arrive $0xFFFF  }
0x35: {  	s6 =	rddreg [dreg:$0x5]  }
0x36: {  	[tilespmem:s22], [sflag:$0x1] =	stream.linear.gather [hbm4b:s6+s3], $0x50, $0x38;
	[tilespmem:$0x1E400] =	vst v63  }
0x37: {  	s7 =	simm.s32 $0x14000;
	s12 =	rddreg [dreg:$0x6]  }
0x38: {  	[tilespmem:s7], [sflag:$0x1] =	stream.linear.gather [hbm4b:s12+s3], $0x50, $0x38;
	[tilespmem:$0x1E400] =	vst v63  }
0x39: {  	s13 =	rddreg [dreg:$0x7]  }
0x3a: {  	[tilespmem:s24], [sflag:$0x2] =	stream.linear.gather [hbm4b:s13+s3], $0x50, $0x38;
	[tilespmem:$0x1E400] =	vst v63  }
0x3b: {  	s20 =	simm.s32 $0x14080;
	s19 =	rddreg [dreg:$0x8]  }
0x3c: {  	[tilespmem:s20], [sflag:$0x2] =	stream.linear.gather [hbm4b:s19+s3], $0x50, $0x38;
	[tilespmem:$0x1E400] =	vst v63  }
0x3d: {  	s11 =	simm.s32 $0x13D00;
	s10 =	rddreg [dreg:$0x9]  }
0x3e: {  	[tilespmem:s11], [sflag:$0x3] =	stream.linear.gather [hbm4b:s10+s3], $0x50, $0x38;
	[tilespmem:$0x1E400] =	vst v63  }
0x3f: {  	s12 =	rddreg [dreg:$0xa];
	s13 =	simm.s32 $0x14100  }
0x40: {  	[tilespmem:s13], [sflag:$0x3] =	stream.linear.gather [hbm4b:s12+s3], $0x50, $0x38;
	[tilespmem:$0x1E400] =	vst v63  }
0x41: {  	s19 =	rddreg [dreg:$0xb];
	s20 =	simm.s32 $0x13D80  }
0x42: {  	[tilespmem:s20], [sflag:$0x4] =	stream.linear.gather [hbm4b:s19+s3], $0x50, $0x38;
	[tilespmem:$0x1E400] =	vst v63  }
0x43: {  	s10 =	rddreg [dreg:$0xc];
	s11 =	simm.s32 $0x14180  }
0x44: {  	[tilespmem:s11], [sflag:$0x4] =	stream.linear.gather [hbm4b:s10+s3], $0x50, $0x38;
	[tilespmem:$0x1E400] =	vst v63  }
0x45: {  	s12 =	simm.s32 $0x13E00  }
0x46: {  	[tilespmem:s12], [sflag:$0x5] =	stream.linear.gather [hbm4b:s15+s3], $0x50, $0x38;
	[tilespmem:$0x1E400] =	vst v63  }
0x47: {  	s13 =	simm.s32 $0x14200  }
0x48: {  	[tilespmem:s13], [sflag:$0x5] =	stream.linear.gather [hbm4b:s16+s3], $0x50, $0x38;
	[tilespmem:$0x1E400] =	vst v63  }
0x49: {  	_ =	swait.ge [sflag:s2], $0x50  }
0x4a: {  	[sflag:s2] =	ssyncset.done $0x0  }
0x4b: {  	[sflag:s2] =	ssyncadd.s32 $0xFFFFFFB0  }
0x4c: {  	_ =	swait.ge [sflag:s2], $0x50  }
0x4d: {  	[sflag:s2] =	ssyncset.done $0x0  }
0x4e: {  	s19 =	simm.s32 $0x14400;
	[sflag:s2] =	ssyncadd.s32 $0xFFFFFFB0  }
0x4f: {  	[tilespmem:s19], [sflag:$0x9] =	stream.indirect.gather [hbm4b:s4+s23], $0x80, s22, s23, $0xb8;
	[tilespmem:$0x1E400] =	vst v63  }
0x50: {  	_ =	swait.ge [sflag:s26], $0x50  }
0x51: {  	[sflag:s26] =	ssyncset.done $0x0  }
0x52: {  	[sflag:s26] =	ssyncadd.s32 $0xFFFFFFB0  }
.Ltmp2:
0x53: {  	_ =	swait.ge [sflag:s26], $0x50;
	(pc) =	sbr.rel .LBB2_2-.Ltmp2, $4  }
0x54: {  	[sflag:s26] =	ssyncset.done $0x0  }
0x55: {  	s7 =	simm.s32 $0x0;
	s20 =	simm.s32 $0x16C00;
	[sflag:s26] =	ssyncadd.s32 $0xFFFFFFB0  }
0x56: {  	[tilespmem:s20], [sflag:$0xA] =	stream.indirect.gather [hbm4b:s4+s23], $0x80, s24, s23, $0xb8;
	[tilespmem:$0x1E400] =	vst v63  }
0x57: {  	s10 =	simm.s32 $0x0;
	s19 =	smov.u32 s9;
	s20 =	smov.u32 s8  }
.LBB2_6:
0x58: {  	s11 =	sadd.s32 $0x2, s10  }
.LBB2_7:
0x59: {  	s6 =	sand.u32 $0x7, s11  }
0x5a: {  	s12 =	sadd.s32 $0x1, s6  }
0x5b: {  	_ =	swait.ge [sflag:s12], $0x50  }
0x5c: {  	s11 =	sand.u32 $0x3, s11;
	[sflag:s12] =	ssyncset.done $0x0  }
0x5d: {  	s13 =	smul.u32 $0xA000, s11;
	[sflag:s12] =	ssyncadd.s32 $0xFFFFFFB0  }
0x5e: {  	s6 =	sshll.u32 s6, $0x7;
	_ =	swait.ge [sflag:s12], $0x50  }
0x5f: {  	s11 =	sadd.s32 $0x9, s11;
	s13 =	sshrl.u32 s13, $0x2;
	[sflag:s12] =	ssyncset.done $0x0  }
0x60: {  	s6 =	sor.u32 $0x13C00, s6;
	[sflag:s12] =	ssyncadd.s32 $0xFFFFFFB0;
	s12 =	sadd.s32 $0x14400, s13  }
0x61: {  	[tilespmem:s12], [sflag:s11] =	stream.indirect.gather [hbm4b:s4+s23], $0x80, s6, s23, $0xb8;
	[tilespmem:$0x1E400] =	vst v63  }
.LBB2_8:
0x62: {  	s10 =	sadd.s32 $0x1, s10  }
0x63: {  	p0 =	sne.s32 s10, $0x7D  }
.Ltmp3:
0x64: {  	_ = 	snop;
	(pc) =	sbr.rel @!p0 .LBB2_9-.Ltmp3, $2  }
0x65: {  	_ =	sdelay $0x2  }
0x66: {  	s19 =	sadd.s32 $0xA, s19;
	s20 =	sadd.s32 $0xA, s20;
	s7 =	sadd.s32 $0x200, s7  }
.LBB2_2:
0x67: {  	s11 =	sand.u32 $0x3, s10  }
0x68: {  	p0 =	slt.u32 s10, $0x78;
	s12 =	smul.u32 $0xA000, s11  }
.Ltmp4:
0x69: {  	s6 =	sadd.s32 $0x9, s11;
	(pc) =	sbr.rel @!p0 .LBB2_3-.Ltmp4, $4  }
0x6a: {  	s13 =	sand.u32 $0xE00, s7;
	_ =	swait.ge [sflag:s6], $0x2800;
	s12 =	sshrl.u32 s12, $0x2  }
0x6b: {  	s13 =	sshrl.u32 s13, $0x2;
	[sflag:s6] =	ssyncset.done $0x0;
	s12 =	sadd.s32 $0x14400, s12  }
0x6c: {  	[sflag:s6] =	ssyncadd.s32 $0xFFFFD800;
	s6 =	sor.u32 $0x14000, s13;
	s13 =	sadd.s32 $0xD, s11  }
0x6d: {  	[spmem:s1] =	stream.indirect.scatter.add.f32 [tilespmem:s12], [sflag:s13], $0x80, s6, s23, $0xb8;
	[tilespmem:$0x1E400] =	vst v63  }
0x6e: {  	s6 =	sadd.s32 $0x5, s10  }
0x6f: {  	p0 =	slt.u32 s10, $0x2;
	s6 =	sand.u32 $0x7, s6  }
.Ltmp5:
0x70: {  	s12 =	sshll.u32 s6, $0x7;
	(pc) =	sbr.rel @!p0 .LBB2_4-.Ltmp5, $4  }
.Ltmp6:
0x71: {  	s6 =	sadd.s32 $0x1, s6;
	s13 =	sor.u32 $0x13C00, s12;
	(pc) =	sbr.rel @p0 .LBB2_6-.Ltmp6, $4  }
0x72: {  	[tilespmem:s13], [sflag:s6] =	stream.linear.gather [hbm4b:s20+s3], $0x50, $0x38;
	[tilespmem:$0x1E400] =	vst v63  }
0x73: {  	s12 =	sor.u32 $0x14000, s12  }
0x74: {  	[tilespmem:s12], [sflag:s6] =	stream.linear.gather [hbm4b:s19+s3], $0x50, $0x38;
	[tilespmem:$0x1E400] =	vst v63  }
0x75: {  	_ = 	snop  }
.LBB2_3:
0x76: {  	p0 =	slt.u32 s10, $0x7B  }
.Ltmp7:
0x77: {  	_ = 	snop;
	(pc) =	sbr.rel @!p0 .LBB2_8-.Ltmp7, $1  }
0x78: {  	_ =	sdelay $0x3  }
.LBB2_4:
.Ltmp8:
0x79: {  	s6 =	sxor.u32 $0x2, s11;
	(pc) =	sbr.rel .LBB2_7-.Ltmp8, $4  }
0x7a: {  	s6 =	sadd.s32 $0xD, s6  }
0x7b: {  	_ =	swait.ge [sflag:s6], $0x2800  }
0x7c: {  	[sflag:s6] =	ssyncset.done $0x0  }
0x7d: {  	s11 =	sadd.s32 $0x2, s10;
	[sflag:s6] =	ssyncadd.s32 $0xFFFFD800  }
.LBB2_10:
0x7e: {  	_ =	sfence.sel $0x180000  }
0x7f: {  	[bflag:$0x0] =	sbarrier.arrive $0xFFFF  }
0x80: {  	_ =	strace $0x9000004A  }
0x81: {  	s0 =	stileid.u32;
	[bflag:$0x2] =	sbarrier.arrive $0xFFFF  }
0x82: {  	p0 =	sne.s32 s0, $0x0;
	s0 =	rddreg [dreg:$0x3]  }
0x83: {  	s0 =	sadd.s32 @!p0 $0x100000, s0  }
0x84: {  	[sflag:s0] =	ssyncadd.tile.s32 @!p0 $0x1;
	_ =	shalt  }
.Lfunc_end2:
_tile_overlayer_lowered:
.L_overlay_start_2:
0x85: {  	(tag) =	ssettag $0x2  }
0x86: {  	s0 =	rddreg [dreg:$0x0];
	s2 =	stileid.u32  }
0x87: {  	s1 =	rddreg [dreg:$0x1];
	p0 =	sne.s32 s2, $0x0  }
0x88: {  	s3 =	rddreg [dreg:$0x2];
	[bflag:$0x3] =	sbarrier.arrive $0xFFFF;
	s2 =	simm.s32 @!p0 $0x1C11  }
0x89: {  	[timem:s3], [sflag:s2] =	dma.local @!p0 [hbm:s0], s1  }
0x8a: {  	s0 =	simm.s32 @!p0 $0x11  }
0x8b: {  	_ =	swait.ge @!p0 [sflag:s0], s1  }
0x8c: {  	s1 =	ssub.s32 @!p0 $0x0, s1;
	[sflag:s0] =	ssyncset.done @!p0 $0x0  }
0x8d: {  	[sflag:s0] =	ssyncadd.s32 @!p0 s1  }
0x8e: {  	[bflag:$0x3] =	sbarrier.arrive $0xFFFF  }
0x8f: {  	_ =	shalt  }

// kernel: kernel.14.cloned.1.call-start
scs
__scs_entry_jumppad:
0x0: {  	(pc) =	sbr.rel $0x88, $3  }
0x1: {  	(tag) =	ssettag $0x0;
	lr =	simm.s32 $0x1  }
0x2: {  	[smem:$0x3F9B] =	sst lr;
	_ =	strace $0xD0000000  }
0x3: {  	_ = 	snop  }
0x4: {  	_ = 	snop  }
0x5: {  	_ = 	snop  }
0x6: {  	_ = 	snop  }
0x7: {  	_ = 	snop  }
__scs_overlays_trampoline_lowered:
0x8: {  	[smem:$0x3FAA] =	sst s0  }
0x9: {  	[smem:$0x3FAB] =	sst s1  }
0xa: {  	[smem:$0x3FAC] =	sst s2  }
0xb: {  	[smem:$0x3FAD] =	sst s3  }
0xc: {  	[smem:$0x3FAE] =	sst s4  }
0xd: {  	[smem:$0x3FAF] =	sst s5  }
0xe: {  	[smem:$0x3FB0] =	sst s6  }
0xf: {  	[smem:$0x3FB1] =	sst s7  }
0x10: {  	[smem:$0x3FB2] =	sst s8  }
0x11: {  	[smem:$0x3FB3] =	sst s9;
	s0 =	simm.s32 @!p0 $0x0  }
0x12: {  	s1 =	sld [smem:$0x3F99];
	s0 =	simm.s32 @p0 $0x1  }
0x13: {  	[smem:$0x3FB4] =	sst s0;
	s0 =	simm.s32 @!p1 $0x0  }
0x14: {  	s2 =	sld [smem:$0x3F98];
	s0 =	simm.s32 @p1 $0x1  }
0x15: {  	[smem:$0x3FB5] =	sst s0;
	s0 =	simm.s32 @!p2 $0x0  }
0x16: {  	s3 =	sld [smem:$0x3FDB];
	s0 =	simm.s32 @p2 $0x1  }
0x17: {  	s4 =	simm.s32 $0x1BF5;
	[smem:$0x3FB7] =	sst s0  }
0x18: {  	s0 =	sld [smem:$0x3F9A];
	_ =	swait.ge [sflag:s4], $0x0  }
0x19: {  	s7 =	sld [smem:$0x3F9B]  }
0x1a: {  	s8 =	sadd.s32 $0xFFFFE003, lr  }
0x1b: {  	s9 =	sadd.s32 $0xFFFFFEF7, lr;
	s5 =	simm.s32 $0xFFFFFFFF;
	p2 =	slt.u32 s8, $0xFFFFF086  }
0x1c: {  	p1 =	slt.u32 s9, $0xF7A;
	s5 =	simm.s32 @!p2 $0x0  }
0x1d: {  	s5 =	simm.s32 @p1 $0x1;
	p0 =	seq.s32 s7, s2  }
0x1e: {  	s7 =	smul.u32 @!p0 $0xF7A, s2;
	p2 =	seq.s32 @!p0 s5, $0x0  }
0x1f: {  	s9 =	smul.u32 $0xF7A, s1;
	s8 =	simm.s32 @!p0 $0x1BF5;
	p2 =	por !p2, p0  }
0x20: {  	[sflag:s8] =	ssyncset.s32 @!p0 $0xFFFFF086;
	s6 =	sadd.s32 @!p0 s3, s7;
	s7 =	simm.s32 @!p0 $0x108  }
0x21: {  	s3 =	sadd.s32 s3, s9;
	s6 =	sadd.s32 @!p0 $0x88, s6;
	s7 =	simm.s32 @p2 $0x1082  }
0x22: {  	[simem:s7], [sflag:s8] =	dma.local @!p0 [hbm:s6], $0xF7A  }
0x23: {  	s9 =	sor.u32 $0xD0000000, s2;
	s6 =	simm.s32 $0x108;
	_ =	swait.ge @!p0 [sflag:s8], $0x0  }
0x24: {  	s3 =	sadd.s32 $0x88, s3;
	s6 =	simm.s32 @!p1 $0x1082;
	[sflag:s4] =	ssyncset.s32 $0xFFFFF086  }
0x25: {  	[simem:s6], [sflag:s4] =	dma.local [hbm:s3], $0xF7A  }
0x26: {  	[smem:$0x3F9B] =	sst s1;
	(tag) =	ssettag s2;
	_ =	strace s9  }
0x27: {  	s1 =	sld [smem:$0x3FAB]  }
0x28: {  	s2 =	sld [smem:$0x3FAC]  }
0x29: {  	s4 =	sld [smem:$0x3FAE]  }
0x2a: {  	p0 =	seq.s32 s5, $0x0;
	s5 =	sld [smem:$0x3FAF]  }
0x2b: {  	s6 =	sld [smem:$0x3FB0]  }
0x2c: {  	s7 =	sld [smem:$0x3FB1]  }
0x2d: {  	s3 =	simm.s32 $0x108;
	s8 =	sld [smem:$0x3FB2]  }
0x2e: {  	s3 =	simm.s32 @!p0 $0x1082;
	s9 =	sld [smem:$0x3FB3]  }
0x2f: {  	lr =	sadd.s32 s0, s3;
	s0 =	sld [smem:$0x3FAA]  }
0x30: {  	s3 =	sld [smem:$0x3FAD]  }
0x31: {  	[smem:$0x3FB6] =	sst s10  }
0x32: {  	s10 =	sld [smem:$0x3FB4];
	_ =	sdelay $0x3  }
0x33: {  	p0 =	seq.s32 s10, $0x1;
	s10 =	sld [smem:$0x3FB6];
	_ =	sdelay $0x3  }
0x34: {  	[smem:$0x3FB6] =	sst s10  }
0x35: {  	s10 =	sld [smem:$0x3FB5];
	_ =	sdelay $0x3  }
0x36: {  	p1 =	seq.s32 s10, $0x1;
	s10 =	sld [smem:$0x3FB6];
	_ =	sdelay $0x3  }
0x37: {  	[smem:$0x3FB6] =	sst s10  }
0x38: {  	s10 =	sld [smem:$0x3FB7]  }
0x39: {  	_ = 	snop;
	(pc) =	sbr.ind lr, $3  }
0x3a: {  	_ = 	snop  }
0x3b: {  	_ = 	snop  }
0x3c: {  	p2 =	seq.s32 s10, $0x1;
	s10 =	sld [smem:$0x3FB6]  }
0x3d: {  	_ =	shalt  }
0x3e: {  	_ =	shalt  }
0x3f: {  	_ =	shalt  }
0x40: {  	_ =	shalt  }
0x41: {  	_ =	shalt  }
0x42: {  	_ =	shalt  }
0x43: {  	_ =	shalt  }
0x44: {  	_ =	shalt  }
0x45: {  	_ =	shalt  }
0x46: {  	_ =	shalt  }
0x47: {  	_ =	shalt  }
0x48: {  	_ =	shalt  }
0x49: {  	_ =	shalt  }
0x4a: {  	_ =	shalt  }
0x4b: {  	_ =	shalt  }
0x4c: {  	_ =	shalt  }
0x4d: {  	_ =	shalt  }
0x4e: {  	_ =	shalt  }
0x4f: {  	_ =	shalt  }
0x50: {  	_ =	shalt  }
0x51: {  	_ =	shalt  }
0x52: {  	_ =	shalt  }
0x53: {  	_ =	shalt  }
0x54: {  	_ =	shalt  }
0x55: {  	_ =	shalt  }
0x56: {  	_ =	shalt  }
0x57: {  	_ =	shalt  }
0x58: {  	_ =	shalt  }
0x59: {  	_ =	shalt  }
0x5a: {  	_ =	shalt  }
0x5b: {  	_ =	shalt  }
0x5c: {  	_ =	shalt  }
0x5d: {  	_ =	shalt  }
0x5e: {  	_ =	shalt  }
0x5f: {  	_ =	shalt  }
0x60: {  	_ =	shalt  }
0x61: {  	_ =	shalt  }
0x62: {  	_ =	shalt  }
0x63: {  	_ =	shalt  }
0x64: {  	_ =	shalt  }
0x65: {  	_ =	shalt  }
0x66: {  	_ =	shalt  }
0x67: {  	_ =	shalt  }
0x68: {  	_ =	shalt  }
0x69: {  	_ =	shalt  }
0x6a: {  	_ =	shalt  }
0x6b: {  	_ =	shalt  }
0x6c: {  	_ =	shalt  }
0x6d: {  	_ =	shalt  }
0x6e: {  	_ =	shalt  }
0x6f: {  	_ =	shalt  }
0x70: {  	_ =	shalt  }
0x71: {  	_ =	shalt  }
0x72: {  	_ =	shalt  }
0x73: {  	_ =	shalt  }
0x74: {  	_ =	shalt  }
0x75: {  	_ =	shalt  }
0x76: {  	_ =	shalt  }
0x77: {  	_ =	shalt  }
0x78: {  	_ =	shalt  }
0x79: {  	_ =	shalt  }
0x7a: {  	_ =	shalt  }
0x7b: {  	_ =	shalt  }
0x7c: {  	_ =	shalt  }
0x7d: {  	_ =	shalt  }
0x7e: {  	_ =	shalt  }
0x7f: {  	_ =	shalt  }
0x80: {  	_ =	shalt  }
0x81: {  	_ =	shalt  }
0x82: {  	_ =	shalt  }
0x83: {  	_ =	shalt  }
0x84: {  	_ =	shalt  }
0x85: {  	_ =	shalt  }
0x86: {  	_ =	shalt  }
0x87: {  	_ =	shalt  }
.Lfunc_end0:
.L_simem_size_0:
called_computation.2_lowered:
.L_overlay_start_0:
0x88: {  	s2 =	sld [smem:$0x3FD9]  }
0x89: {  	s3 =	sld [smem:$0x3FFE];
	_ =	sdelay $0x1  }
0x8a: {  	s1 =	srdreg.scid  }
0x8b: {  	s0 =	sand.u32 $0x1, s1  }
0x8c: {  	s17 =	sshll.u32 s0, $0xA;
	s2 =	sadd.s32 s3, s2  }
0x8d: {  	s2 =	sadd.s32 s2, s17  }
0x8e: {  	[smem:$0x3FC2] =	sst s2  }
0x8f: {  	_ = 	snop  }
0x90: {  	s2 =	sld [smem:$0x3FD0];
	(tm) =	ssettm $0x1  }
0x91: {  	s18 =	sld [smem:$0x3FFB];
	_ =	sdelay $0x3  }
0x92: {  	_ =	strace s18  }
0x93: {  	s3 =	sld [smem:$0x3FFC];
	_ =	sdelay $0x3  }
0x94: {  	_ =	strace s3  }
0x95: {  	s3 =	sld [smem:$0x3FFD];
	_ =	sdelay $0x3  }
0x96: {  	_ =	strace s3  }
0x97: {  	_ =	strace $0x8FFFFFFF  }
0x98: {  	s19 =	sld [smem:$0x3FDB];
	_ =	sdelay $0x1  }
0x99: {  	s4 =	simm.s32 $_scs_section_size  }
0x9a: {  	s5 =	simm.s32 $_size__tile_overlayer_lowered;
	s6 =	simm.s32 $_tile_overlayer_lowered  }
0x9b: {  	s22 =	simm.s32 $0x1BFF;
	s21 =	sshll.u32 s6, $0x1;
	s3 =	sadd.s32 s4, s19  }
0x9c: {  	s7 =	simm.s32 $0x0;
	s20 =	sshll.u32 s5, $0x1;
	s5 =	sadd.s32 s21, s3  }
0x9d: {  	[timem:s7], [sflag:s22] =	dma.local [hbm:s5], s20  }
0x9e: {  	_ =	swait.ge [sflag:s22], s20  }
0x9f: {  	s4 =	ssub.s32 $0x0, s20;
	[sflag:s22] =	ssyncset.done $0x0  }
0xa0: {  	[sflag:s22] =	ssyncadd.s32 s4;
	_ =	sdelay $0x1  }
0xa1: {  	s23 =	simm.s32 $0x1B8B  }
0xa2: {  	_ =	swait.ge [sflag:s23], $0x1  }
0xa3: {  	[sflag:s23] =	ssyncset.done $0x0  }
0xa4: {  	s25 =	simm.s32 $0x1B8E;
	s24 =	sld [smem:$0x3FFE];
	[sflag:s23] =	ssyncadd.s32 $0xFFFFFFFF  }
0xa5: {  	s26 =	simm.s32 $execute0_lowered;
	[smem:$0x3FD2] =	sst s25  }
0xa6: {  	s5 =	sshll.u32 s26, $0x1;
	_ =	strace $0x8000004C;
	[dreg:$0x1] =	wrdreg $0xFFFFFFFF  }
0xa7: {  	s28 =	simm.s32 $_size_execute0_lowered;
	s3 =	sadd.s32 s3, s5;
	[dreg:$0x0] =	wrdreg $0x0  }
0xa8: {  	s5 =	sshll.u32 s28, $0x1;
	[dreg:$0x2] =	wrdreg s3  }
0xa9: {  	[dreg:$0x3] =	wrdreg s5  }
0xaa: {  	[dreg:$0x4] =	wrdreg $0xC0  }
0xab: {  	_ =	task [dreg:s7], $0x5FFFF  }
0xac: {  	[dreg:$0x1] =	wrdreg $0xFFFFFFFF  }
0xad: {  	[dreg:$0x0] =	wrdreg $0x60  }
0xae: {  	[dreg:$0x2] =	wrdreg s24  }
0xaf: {  	[dreg:$0x3] =	wrdreg s2  }
0xb0: {  	[dreg:$0x4] =	wrdreg $0x0  }
0xb1: {  	[dreg:$0x5] =	wrdreg $0x9  }
0xb2: {  	_ =	task.clear_ibuf [dreg:s7], $0x6FFFF;
	_ =	strace $0x9000004C  }
0xb3: {  	s29 =	simm.s32 $0x9;
	_ =	strace $0x8000004E  }
0xb4: {  	_ =	swait.ge [sflag:s29], $0x1  }
0xb5: {  	[sflag:s29] =	ssyncadd.s32 $0xFFFFFFFF  }
0xb6: {  	_ =	strace $0x9000004E  }
0xb7: {  	_ =	sfence  }
0xb8: {  	s30 =	sld [smem:$0x0];
	_ =	sdelay $0x2  }
0xb9: {  	s31 =	sshll.u32 s1, $0xD;
	s1 =	sshrl.u32 s1, $0x2  }
0xba: {  	s3 =	sand.u32 $0x4000, s31;
	s1 =	sadd.s32 s1, s30  }
0xbb: {  	s0 =	sor.u32 s3, s0;
	s1 =	sshll.u32 s1, $0x11  }
0xbc: {  	s0 =	sor.u32 s1, s0  }
0xbd: {  	s0 =	sadd.s32 $0x8F2B, s0  }
0xbe: {  	[sflag:s0] =	ssyncadd.remote.s32 $0x1  }
0xbf: {  	_ =	sfence.sel $0xFFFF  }
0xc0: {  	[dreg:$0x0] =	wrdreg $0xFFFFFFFF;
	(pc) =	sbr.abs _section_cstart, $3  }
0xc1: {  	[dreg:$0x1] =	wrdreg $0xFFFFFFFF  }
0xc2: {  	_ =	task.clear_ibuf [dreg:s7], $0x2FFFF;
	_ =	strace $0x9FFFFFFF  }
0xc3: {  	(tm) =	ssettm $0x7FFFFFFF  }
tec
execute0_lowered:
.L_overlay_start_1:
0x0: {  	(tag) =	ssettag $0x1  }
0x1: {  	s0 =	rddreg [dreg:$0x0]  }
0x2: {  	s2 =	rddreg [dreg:$0x1]  }
0x3: {  	s1 =	rddreg [dreg:$0x2];
	s3 =	simm.s32 $0x0  }
0x4: {  	s4 =	srdreg.scid;
	s13 =	stileid.u32;
	s29 =	simm.s32 $0xE  }
0x5: {  	s30 =	simm.s32 $0xF;
	s31 =	simm.s32 $0x10;
	s7 =	smul.u32 $0x13C00, s13  }
0x6: {  	[smem:$0x7FF] =	sst s3;
	s5 =	sand.u32 $0x1, s4;
	s15 =	smul.u32 $0x4F000, s13  }
0x7: {  	s4 =	sadd.s32 $0x15600, s0;
	s8 =	sadd.s32 $0xB800, s0;
	s12 =	smul.u32 $0x2780, s13  }
0x8: {  	s9 =	sadd.s32 $0x1A00, s0;
	s6 =	smul.u32 $0x13C000, s5;
	_ =	strace $0x8000004D  }
0x9: {  	s10 =	sshll.u32 s5, $0x4;
	s11 =	ssub.s32 $0x2, s5;
	p0 =	sne.s32 s5, $0x0  }
0xa: {  	s14 =	sor.u32 s13, s10;
	s16 =	sshrl.u32 s11, $0x1;
	s6 =	sadd.s32 s7, s6  }
0xb: {  	s17 =	sshrl.u32 s15, $0x2;
	s7 =	smul.u32 $0x2710, s14;
	s6 =	sshrl.u32 s6, $0x3  }
0xc: {  	s11 =	ssub.s32 s11, s16;
	s16 =	smul.u32 $0x27100, s5;
	s0 =	sadd.s32 s6, s0  }
0xd: {  	s7 =	sshrl.u32 s7, $0x3;
	s6 =	sadd.s32 s17, s1;
	s17 =	smul.u32 $0x2710, s13  }
0xe: {  	[dreg:$0x4] =	wrdreg s6;
	s6 =	sadd.s32 s4, s12;
	s18 =	sadd.s32 $0xA, s7  }
0xf: {  	s19 =	sadd.s32 s8, s7;
	s20 =	sadd.s32 s9, s7;
	s22 =	sadd.s32 $0x14, s7  }
0x10: {  	s14 =	sadd.s32 $0x1E, s7;
	s7 =	sadd.s32 $0x28, s7;
	[dreg:$0x5] =	wrdreg s19  }
0x11: {  	[dreg:$0x6] =	wrdreg s20;
	s21 =	sadd.s32 s8, s18;
	s10 =	sadd.s32 s9, s18  }
0x12: {  	s23 =	sadd.s32 s8, s22;
	s24 =	sadd.s32 s8, s14;
	s25 =	sadd.s32 s9, s14  }
0x13: {  	s15 =	sadd.s32 s8, s7;
	s26 =	sadd.s32 s17, s16;
	[dreg:$0x7] =	wrdreg s21  }
0x14: {  	s16 =	sadd.s32 s9, s7;
	s17 =	sadd.s32 $0x3CE00, s0;
	[dreg:$0x8] =	wrdreg s10  }
0x15: {  	s18 =	smax.u32 s11, $0x1;
	s6 =	smov.u32 @p0 s2;
	[dreg:$0x9] =	wrdreg s23  }
0x16: {  	s2 =	simm.s32 $0x1;
	s10 =	sadd.s32 s9, s22;
	[dreg:$0xb] =	wrdreg s24  }
.Ltmp0:
0x17: {  	[dreg:$0xc] =	wrdreg s25;
	s28 =	sadd.s32 $0x190, s26;
	(pc) =	sbr.rel .LBB2_1-.Ltmp0, $4  }
0x18: {  	s14 =	smov.u32 s6;
	s21 =	simm.s32 $0x11;
	s22 =	simm.s32 $0x13C00  }
0x19: {  	s24 =	simm.s32 $0x13C80;
	s23 =	simm.s32 $0x50;
	s26 =	simm.s32 $0x2  }
0x1a: {  	s25 =	simm.s32 $0x0;
	[dreg:$0xa] =	wrdreg s10;
	s0 =	sshrl.u32 s28, $0x3  }
0x1b: {  	s9 =	sadd.s32 s0, s9;
	s8 =	sadd.s32 s0, s8;
	s0 =	simm.s32 $0xD  }
.LBB2_9:
0x1c: {  	_ =	swait.ge [sflag:s29], $0x2800  }
0x1d: {  	[sflag:s29] =	ssyncset.done $0x0  }
0x1e: {  	[sflag:s29] =	ssyncadd.s32 $0xFFFFD800  }
0x1f: {  	_ =	swait.ge [sflag:s30], $0x2800  }
0x20: {  	[sflag:s30] =	ssyncset.done $0x0  }
0x21: {  	[sflag:s30] =	ssyncadd.s32 $0xFFFFD800  }
0x22: {  	_ =	swait.ge [sflag:s31], $0x2800  }
0x23: {  	[sflag:s31] =	ssyncset.done $0x0  }
0x24: {  	[sflag:s31] =	ssyncadd.s32 $0xFFFFD800  }
0x25: {  	_ =	swait.ge [sflag:s0], $0x2800  }
0x26: {  	s25 =	sadd.s32 $0x1, s25;
	[sflag:s0] =	ssyncset.done $0x0  }
0x27: {  	p0 =	sne.s32 s25, s18;
	[sflag:s0] =	ssyncadd.s32 $0xFFFFD800  }
.Ltmp1:
0x28: {  	[bflag:$0x0] =	sbarrier.arrive $0xFFFF;
	(pc) =	sbr.rel @!p0 .LBB2_10-.Ltmp1, $4  }
0x29: {  	[hbm:s17], [sflag:s28] =	dma.local [spmem:s5], $0x2780  }
0x2a: {  	_ =	swait.ge [sflag:s21], $0x2780  }
0x2b: {  	[sflag:s21] =	ssyncset.done $0x0  }
0x2c: {  	[sflag:s21] =	ssyncadd.s32 $0xFFFFD880  }
.LBB2_1:
0x2d: {  	s5 =	stileid.u32  }
0x2e: {  	s11 =	rddreg [dreg:$0x4];
	s5 =	sshll.u32 s5, $0x6  }
0x2f: {  	s28 =	sor.u32 $0x1C11, s5;
	s5 =	sshrl.u32 s11, $0x3  }
0x30: {  	[spmem:s5], [sflag:s28] =	dma.local [hbm:s14], $0x2780  }
0x31: {  	_ =	swait.ge [sflag:s21], $0x2780  }
0x32: {  	[sflag:s21] =	ssyncset.done $0x0  }
0x33: {  	[sflag:s21] =	ssyncadd.s32 $0xFFFFD880  }
0x34: {  	[bflag:$0x0] =	sbarrier.arrive $0xFFFF  }
0x35: {  	s6 =	rddreg [dreg:$0x5]  }
0x36: {  	[tilespmem:s22], [sflag:$0x1] =	stream.linear.gather [hbm4b:s6+s3], $0x50, $0x38;
	[tilespmem:$0x1E400] =	vst v63  }
0x37: {  	s7 =	simm.s32 $0x14000;
	s12 =	rddreg [dreg:$0x6]  }
0x38: {  	[tilespmem:s7], [sflag:$0x1] =	stream.linear.gather [hbm4b:s12+s3], $0x50, $0x38;
	[tilespmem:$0x1E400] =	vst v63  }
0x39: {  	s13 =	rddreg [dreg:$0x7]  }
0x3a: {  	[tilespmem:s24], [sflag:$0x2] =	stream.linear.gather [hbm4b:s13+s3], $0x50, $0x38;
	[tilespmem:$0x1E400] =	vst v63  }
0x3b: {  	s20 =	simm.s32 $0x14080;
	s19 =	rddreg [dreg:$0x8]  }
0x3c: {  	[tilespmem:s20], [sflag:$0x2] =	stream.linear.gather [hbm4b:s19+s3], $0x50, $0x38;
	[tilespmem:$0x1E400] =	vst v63  }
0x3d: {  	s11 =	simm.s32 $0x13D00;
	s10 =	rddreg [dreg:$0x9]  }
0x3e: {  	[tilespmem:s11], [sflag:$0x3] =	stream.linear.gather [hbm4b:s10+s3], $0x50, $0x38;
	[tilespmem:$0x1E400] =	vst v63  }
0x3f: {  	s12 =	rddreg [dreg:$0xa];
	s13 =	simm.s32 $0x14100  }
0x40: {  	[tilespmem:s13], [sflag:$0x3] =	stream.linear.gather [hbm4b:s12+s3], $0x50, $0x38;
	[tilespmem:$0x1E400] =	vst v63  }
0x41: {  	s19 =	rddreg [dreg:$0xb];
	s20 =	simm.s32 $0x13D80  }
0x42: {  	[tilespmem:s20], [sflag:$0x4] =	stream.linear.gather [hbm4b:s19+s3], $0x50, $0x38;
	[tilespmem:$0x1E400] =	vst v63  }
0x43: {  	s10 =	rddreg [dreg:$0xc];
	s11 =	simm.s32 $0x14180  }
0x44: {  	[tilespmem:s11], [sflag:$0x4] =	stream.linear.gather [hbm4b:s10+s3], $0x50, $0x38;
	[tilespmem:$0x1E400] =	vst v63  }
0x45: {  	s12 =	simm.s32 $0x13E00  }
0x46: {  	[tilespmem:s12], [sflag:$0x5] =	stream.linear.gather [hbm4b:s15+s3], $0x50, $0x38;
	[tilespmem:$0x1E400] =	vst v63  }
0x47: {  	s13 =	simm.s32 $0x14200  }
0x48: {  	[tilespmem:s13], [sflag:$0x5] =	stream.linear.gather [hbm4b:s16+s3], $0x50, $0x38;
	[tilespmem:$0x1E400] =	vst v63  }
0x49: {  	_ =	swait.ge [sflag:s2], $0x50  }
0x4a: {  	[sflag:s2] =	ssyncset.done $0x0  }
0x4b: {  	[sflag:s2] =	ssyncadd.s32 $0xFFFFFFB0  }
0x4c: {  	_ =	swait.ge [sflag:s2], $0x50  }
0x4d: {  	[sflag:s2] =	ssyncset.done $0x0  }
0x4e: {  	s19 =	simm.s32 $0x14400;
	[sflag:s2] =	ssyncadd.s32 $0xFFFFFFB0  }
0x4f: {  	[tilespmem:s19], [sflag:$0x9] =	stream.indirect.gather [hbm4b:s4+s23], $0x80, s22, s23, $0xb8;
	[tilespmem:$0x1E400] =	vst v63  }
0x50: {  	_ =	swait.ge [sflag:s26], $0x50  }
0x51: {  	[sflag:s26] =	ssyncset.done $0x0  }
0x52: {  	[sflag:s26] =	ssyncadd.s32 $0xFFFFFFB0  }
.Ltmp2:
0x53: {  	_ =	swait.ge [sflag:s26], $0x50;
	(pc) =	sbr.rel .LBB2_2-.Ltmp2, $4  }
0x54: {  	[sflag:s26] =	ssyncset.done $0x0  }
0x55: {  	s7 =	simm.s32 $0x0;
	s20 =	simm.s32 $0x16C00;
	[sflag:s26] =	ssyncadd.s32 $0xFFFFFFB0  }
0x56: {  	[tilespmem:s20], [sflag:$0xA] =	stream.indirect.gather [hbm4b:s4+s23], $0x80, s24, s23, $0xb8;
	[tilespmem:$0x1E400] =	vst v63  }
0x57: {  	s10 =	simm.s32 $0x0;
	s19 =	smov.u32 s9;
	s20 =	smov.u32 s8  }
.LBB2_6:
0x58: {  	s11 =	sadd.s32 $0x2, s10  }
.LBB2_7:
0x59: {  	s6 =	sand.u32 $0x7, s11  }
0x5a: {  	s12 =	sadd.s32 $0x1, s6  }
0x5b: {  	_ =	swait.ge [sflag:s12], $0x50  }
0x5c: {  	s11 =	sand.u32 $0x3, s11;
	[sflag:s12] =	ssyncset.done $0x0  }
0x5d: {  	s13 =	smul.u32 $0xA000, s11;
	[sflag:s12] =	ssyncadd.s32 $0xFFFFFFB0  }
0x5e: {  	s6 =	sshll.u32 s6, $0x7;
	_ =	swait.ge [sflag:s12], $0x50  }
0x5f: {  	s11 =	sadd.s32 $0x9, s11;
	s13 =	sshrl.u32 s13, $0x2;
	[sflag:s12] =	ssyncset.done $0x0  }
0x60: {  	s6 =	sor.u32 $0x13C00, s6;
	[sflag:s12] =	ssyncadd.s32 $0xFFFFFFB0;
	s12 =	sadd.s32 $0x14400, s13  }
0x61: {  	[tilespmem:s12], [sflag:s11] =	stream.indirect.gather [hbm4b:s4+s23], $0x80, s6, s23, $0xb8;
	[tilespmem:$0x1E400] =	vst v63  }
.LBB2_8:
0x62: {  	s10 =	sadd.s32 $0x1, s10  }
0x63: {  	p0 =	sne.s32 s10, $0x7D  }
.Ltmp3:
0x64: {  	_ = 	snop;
	(pc) =	sbr.rel @!p0 .LBB2_9-.Ltmp3, $2  }
0x65: {  	_ =	sdelay $0x2  }
0x66: {  	s19 =	sadd.s32 $0xA, s19;
	s20 =	sadd.s32 $0xA, s20;
	s7 =	sadd.s32 $0x200, s7  }
.LBB2_2:
0x67: {  	s11 =	sand.u32 $0x3, s10  }
0x68: {  	p0 =	slt.u32 s10, $0x78;
	s12 =	smul.u32 $0xA000, s11  }
.Ltmp4:
0x69: {  	s6 =	sadd.s32 $0x9, s11;
	(pc) =	sbr.rel @!p0 .LBB2_3-.Ltmp4, $4  }
0x6a: {  	s13 =	sand.u32 $0xE00, s7;
	_ =	swait.ge [sflag:s6], $0x2800;
	s12 =	sshrl.u32 s12, $0x2  }
0x6b: {  	s13 =	sshrl.u32 s13, $0x2;
	[sflag:s6] =	ssyncset.done $0x0;
	s12 =	sadd.s32 $0x14400, s12  }
0x6c: {  	[sflag:s6] =	ssyncadd.s32 $0xFFFFD800;
	s6 =	sor.u32 $0x14000, s13;
	s13 =	sadd.s32 $0xD, s11  }
0x6d: {  	[spmem:s1] =	stream.indirect.scatter.add.f32 [tilespmem:s12], [sflag:s13], $0x80, s6, s23, $0xb8;
	[tilespmem:$0x1E400] =	vst v63  }
0x6e: {  	s6 =	sadd.s32 $0x5, s10  }
0x6f: {  	p0 =	slt.u32 s10, $0x2;
	s6 =	sand.u32 $0x7, s6  }
.Ltmp5:
0x70: {  	s12 =	sshll.u32 s6, $0x7;
	(pc) =	sbr.rel @!p0 .LBB2_4-.Ltmp5, $4  }
.Ltmp6:
0x71: {  	s6 =	sadd.s32 $0x1, s6;
	s13 =	sor.u32 $0x13C00, s12;
	(pc) =	sbr.rel @p0 .LBB2_6-.Ltmp6, $4  }
0x72: {  	[tilespmem:s13], [sflag:s6] =	stream.linear.gather [hbm4b:s20+s3], $0x50, $0x38;
	[tilespmem:$0x1E400] =	vst v63  }
0x73: {  	s12 =	sor.u32 $0x14000, s12  }
0x74: {  	[tilespmem:s12], [sflag:s6] =	stream.linear.gather [hbm4b:s19+s3], $0x50, $0x38;
	[tilespmem:$0x1E400] =	vst v63  }
0x75: {  	_ = 	snop  }
.LBB2_3:
0x76: {  	p0 =	slt.u32 s10, $0x7B  }
.Ltmp7:
0x77: {  	_ = 	snop;
	(pc) =	sbr.rel @!p0 .LBB2_8-.Ltmp7, $1  }
0x78: {  	_ =	sdelay $0x3  }
.LBB2_4:
.Ltmp8:
0x79: {  	s6 =	sxor.u32 $0x2, s11;
	(pc) =	sbr.rel .LBB2_7-.Ltmp8, $4  }
0x7a: {  	s6 =	sadd.s32 $0xD, s6  }
0x7b: {  	_ =	swait.ge [sflag:s6], $0x2800  }
0x7c: {  	[sflag:s6] =	ssyncset.done $0x0  }
0x7d: {  	s11 =	sadd.s32 $0x2, s10;
	[sflag:s6] =	ssyncadd.s32 $0xFFFFD800  }
.LBB2_10:
0x7e: {  	_ =	sfence.sel $0x180000  }
0x7f: {  	[bflag:$0x0] =	sbarrier.arrive $0xFFFF  }
0x80: {  	_ =	strace $0x9000004D  }
0x81: {  	s0 =	stileid.u32;
	[bflag:$0x2] =	sbarrier.arrive $0xFFFF  }
0x82: {  	p0 =	sne.s32 s0, $0x0;
	s0 =	rddreg [dreg:$0x3]  }
0x83: {  	s0 =	sadd.s32 @!p0 $0x100000, s0  }
0x84: {  	[sflag:s0] =	ssyncadd.tile.s32 @!p0 $0x1;
	_ =	shalt  }
.Lfunc_end2:
_tile_overlayer_lowered:
.L_overlay_start_2:
0x85: {  	(tag) =	ssettag $0x2  }
0x86: {  	s0 =	rddreg [dreg:$0x0];
	s2 =	stileid.u32  }
0x87: {  	s1 =	rddreg [dreg:$0x1];
	p0 =	sne.s32 s2, $0x0  }
0x88: {  	s3 =	rddreg [dreg:$0x2];
	[bflag:$0x3] =	sbarrier.arrive $0xFFFF;
	s2 =	simm.s32 @!p0 $0x1C11  }
0x89: {  	[timem:s3], [sflag:s2] =	dma.local @!p0 [hbm:s0], s1  }
0x8a: {  	s0 =	simm.s32 @!p0 $0x11  }
0x8b: {  	_ =	swait.ge @!p0 [sflag:s0], s1  }
0x8c: {  	s1 =	ssub.s32 @!p0 $0x0, s1;
	[sflag:s0] =	ssyncset.done @!p0 $0x0  }
0x8d: {  	[sflag:s0] =	ssyncadd.s32 @!p0 s1  }
0x8e: {  	[bflag:$0x3] =	sbarrier.arrive $0xFFFF  }
0x8f: {  	_ =	shalt  }

// kernel: kernel.8.cloned.1.call-start
scs
__scs_entry_jumppad:
0x0: {  	(pc) =	sbr.rel $0x88, $3  }
0x1: {  	(tag) =	ssettag $0x0;
	lr =	simm.s32 $0x1  }
0x2: {  	[smem:$0x3F9B] =	sst lr;
	_ =	strace $0xD0000000  }
0x3: {  	_ = 	snop  }
0x4: {  	_ = 	snop  }
0x5: {  	_ = 	snop  }
0x6: {  	_ = 	snop  }
0x7: {  	_ = 	snop  }
__scs_overlays_trampoline_lowered:
0x8: {  	[smem:$0x3FAA] =	sst s0  }
0x9: {  	[smem:$0x3FAB] =	sst s1  }
0xa: {  	[smem:$0x3FAC] =	sst s2  }
0xb: {  	[smem:$0x3FAD] =	sst s3  }
0xc: {  	[smem:$0x3FAE] =	sst s4  }
0xd: {  	[smem:$0x3FAF] =	sst s5  }
0xe: {  	[smem:$0x3FB0] =	sst s6  }
0xf: {  	[smem:$0x3FB1] =	sst s7  }
0x10: {  	[smem:$0x3FB2] =	sst s8  }
0x11: {  	[smem:$0x3FB3] =	sst s9;
	s0 =	simm.s32 @!p0 $0x0  }
0x12: {  	s1 =	sld [smem:$0x3F99];
	s0 =	simm.s32 @p0 $0x1  }
0x13: {  	[smem:$0x3FB4] =	sst s0;
	s0 =	simm.s32 @!p1 $0x0  }
0x14: {  	s2 =	sld [smem:$0x3F98];
	s0 =	simm.s32 @p1 $0x1  }
0x15: {  	[smem:$0x3FB5] =	sst s0;
	s0 =	simm.s32 @!p2 $0x0  }
0x16: {  	s3 =	sld [smem:$0x3FDB];
	s0 =	simm.s32 @p2 $0x1  }
0x17: {  	s4 =	simm.s32 $0x1BF5;
	[smem:$0x3FB7] =	sst s0  }
0x18: {  	s0 =	sld [smem:$0x3F9A];
	_ =	swait.ge [sflag:s4], $0x0  }
0x19: {  	s7 =	sld [smem:$0x3F9B]  }
0x1a: {  	s8 =	sadd.s32 $0xFFFFE003, lr  }
0x1b: {  	s9 =	sadd.s32 $0xFFFFFEF7, lr;
	s5 =	simm.s32 $0xFFFFFFFF;
	p2 =	slt.u32 s8, $0xFFFFF086  }
0x1c: {  	p1 =	slt.u32 s9, $0xF7A;
	s5 =	simm.s32 @!p2 $0x0  }
0x1d: {  	s5 =	simm.s32 @p1 $0x1;
	p0 =	seq.s32 s7, s2  }
0x1e: {  	s7 =	smul.u32 @!p0 $0xF7A, s2;
	p2 =	seq.s32 @!p0 s5, $0x0  }
0x1f: {  	s9 =	smul.u32 $0xF7A, s1;
	s8 =	simm.s32 @!p0 $0x1BF5;
	p2 =	por !p2, p0  }
0x20: {  	[sflag:s8] =	ssyncset.s32 @!p0 $0xFFFFF086;
	s6 =	sadd.s32 @!p0 s3, s7;
	s7 =	simm.s32 @!p0 $0x108  }
0x21: {  	s3 =	sadd.s32 s3, s9;
	s6 =	sadd.s32 @!p0 $0x88, s6;
	s7 =	simm.s32 @p2 $0x1082  }
0x22: {  	[simem:s7], [sflag:s8] =	dma.local @!p0 [hbm:s6], $0xF7A  }
0x23: {  	s9 =	sor.u32 $0xD0000000, s2;
	s6 =	simm.s32 $0x108;
	_ =	swait.ge @!p0 [sflag:s8], $0x0  }
0x24: {  	s3 =	sadd.s32 $0x88, s3;
	s6 =	simm.s32 @!p1 $0x1082;
	[sflag:s4] =	ssyncset.s32 $0xFFFFF086  }
0x25: {  	[simem:s6], [sflag:s4] =	dma.local [hbm:s3], $0xF7A  }
0x26: {  	[smem:$0x3F9B] =	sst s1;
	(tag) =	ssettag s2;
	_ =	strace s9  }
0x27: {  	s1 =	sld [smem:$0x3FAB]  }
0x28: {  	s2 =	sld [smem:$0x3FAC]  }
0x29: {  	s4 =	sld [smem:$0x3FAE]  }
0x2a: {  	p0 =	seq.s32 s5, $0x0;
	s5 =	sld [smem:$0x3FAF]  }
0x2b: {  	s6 =	sld [smem:$0x3FB0]  }
0x2c: {  	s7 =	sld [smem:$0x3FB1]  }
0x2d: {  	s3 =	simm.s32 $0x108;
	s8 =	sld [smem:$0x3FB2]  }
0x2e: {  	s3 =	simm.s32 @!p0 $0x1082;
	s9 =	sld [smem:$0x3FB3]  }
0x2f: {  	lr =	sadd.s32 s0, s3;
	s0 =	sld [smem:$0x3FAA]  }
0x30: {  	s3 =	sld [smem:$0x3FAD]  }
0x31: {  	[smem:$0x3FB6] =	sst s10  }
0x32: {  	s10 =	sld [smem:$0x3FB4];
	_ =	sdelay $0x3  }
0x33: {  	p0 =	seq.s32 s10, $0x1;
	s10 =	sld [smem:$0x3FB6];
	_ =	sdelay $0x3  }
0x34: {  	[smem:$0x3FB6] =	sst s10  }
0x35: {  	s10 =	sld [smem:$0x3FB5];
	_ =	sdelay $0x3  }
0x36: {  	p1 =	seq.s32 s10, $0x1;
	s10 =	sld [smem:$0x3FB6];
	_ =	sdelay $0x3  }
0x37: {  	[smem:$0x3FB6] =	sst s10  }
0x38: {  	s10 =	sld [smem:$0x3FB7]  }
0x39: {  	_ = 	snop;
	(pc) =	sbr.ind lr, $3  }
0x3a: {  	_ = 	snop  }
0x3b: {  	_ = 	snop  }
0x3c: {  	p2 =	seq.s32 s10, $0x1;
	s10 =	sld [smem:$0x3FB6]  }
0x3d: {  	_ =	shalt  }
0x3e: {  	_ =	shalt  }
0x3f: {  	_ =	shalt  }
0x40: {  	_ =	shalt  }
0x41: {  	_ =	shalt  }
0x42: {  	_ =	shalt  }
0x43: {  	_ =	shalt  }
0x44: {  	_ =	shalt  }
0x45: {  	_ =	shalt  }
0x46: {  	_ =	shalt  }
0x47: {  	_ =	shalt  }
0x48: {  	_ =	shalt  }
0x49: {  	_ =	shalt  }
0x4a: {  	_ =	shalt  }
0x4b: {  	_ =	shalt  }
0x4c: {  	_ =	shalt  }
0x4d: {  	_ =	shalt  }
0x4e: {  	_ =	shalt  }
0x4f: {  	_ =	shalt  }
0x50: {  	_ =	shalt  }
0x51: {  	_ =	shalt  }
0x52: {  	_ =	shalt  }
0x53: {  	_ =	shalt  }
0x54: {  	_ =	shalt  }
0x55: {  	_ =	shalt  }
0x56: {  	_ =	shalt  }
0x57: {  	_ =	shalt  }
0x58: {  	_ =	shalt  }
0x59: {  	_ =	shalt  }
0x5a: {  	_ =	shalt  }
0x5b: {  	_ =	shalt  }
0x5c: {  	_ =	shalt  }
0x5d: {  	_ =	shalt  }
0x5e: {  	_ =	shalt  }
0x5f: {  	_ =	shalt  }
0x60: {  	_ =	shalt  }
0x61: {  	_ =	shalt  }
0x62: {  	_ =	shalt  }
0x63: {  	_ =	shalt  }
0x64: {  	_ =	shalt  }
0x65: {  	_ =	shalt  }
0x66: {  	_ =	shalt  }
0x67: {  	_ =	shalt  }
0x68: {  	_ =	shalt  }
0x69: {  	_ =	shalt  }
0x6a: {  	_ =	shalt  }
0x6b: {  	_ =	shalt  }
0x6c: {  	_ =	shalt  }
0x6d: {  	_ =	shalt  }
0x6e: {  	_ =	shalt  }
0x6f: {  	_ =	shalt  }
0x70: {  	_ =	shalt  }
0x71: {  	_ =	shalt  }
0x72: {  	_ =	shalt  }
0x73: {  	_ =	shalt  }
0x74: {  	_ =	shalt  }
0x75: {  	_ =	shalt  }
0x76: {  	_ =	shalt  }
0x77: {  	_ =	shalt  }
0x78: {  	_ =	shalt  }
0x79: {  	_ =	shalt  }
0x7a: {  	_ =	shalt  }
0x7b: {  	_ =	shalt  }
0x7c: {  	_ =	shalt  }
0x7d: {  	_ =	shalt  }
0x7e: {  	_ =	shalt  }
0x7f: {  	_ =	shalt  }
0x80: {  	_ =	shalt  }
0x81: {  	_ =	shalt  }
0x82: {  	_ =	shalt  }
0x83: {  	_ =	shalt  }
0x84: {  	_ =	shalt  }
0x85: {  	_ =	shalt  }
0x86: {  	_ =	shalt  }
0x87: {  	_ =	shalt  }
.Lfunc_end0:
.L_simem_size_0:
called_computation_lowered:
.L_overlay_start_0:
0x88: {  	s2 =	sld [smem:$0x3FD9]  }
0x89: {  	s3 =	sld [smem:$0x3FFE];
	_ =	sdelay $0x1  }
0x8a: {  	s1 =	srdreg.scid  }
0x8b: {  	s0 =	sand.u32 $0x1, s1  }
0x8c: {  	s17 =	sshll.u32 s0, $0xA;
	s2 =	sadd.s32 s3, s2  }
0x8d: {  	s2 =	sadd.s32 s2, s17  }
0x8e: {  	[smem:$0x3FC2] =	sst s2  }
0x8f: {  	_ = 	snop  }
0x90: {  	s2 =	sld [smem:$0x3FD0];
	(tm) =	ssettm $0x1  }
0x91: {  	s18 =	sld [smem:$0x3FFB];
	_ =	sdelay $0x3  }
0x92: {  	_ =	strace s18  }
0x93: {  	s3 =	sld [smem:$0x3FFC];
	_ =	sdelay $0x3  }
0x94: {  	_ =	strace s3  }
0x95: {  	s3 =	sld [smem:$0x3FFD];
	_ =	sdelay $0x3  }
0x96: {  	_ =	strace s3  }
0x97: {  	_ =	strace $0x8FFFFFFF  }
0x98: {  	s19 =	sld [smem:$0x3FDB];
	_ =	sdelay $0x1  }
0x99: {  	s4 =	simm.s32 $_scs_section_size  }
0x9a: {  	s5 =	simm.s32 $_size__tile_overlayer_lowered;
	s6 =	simm.s32 $_tile_overlayer_lowered  }
0x9b: {  	s22 =	simm.s32 $0x1BFF;
	s21 =	sshll.u32 s6, $0x1;
	s3 =	sadd.s32 s4, s19  }
0x9c: {  	s7 =	simm.s32 $0x0;
	s20 =	sshll.u32 s5, $0x1;
	s5 =	sadd.s32 s21, s3  }
0x9d: {  	[timem:s7], [sflag:s22] =	dma.local [hbm:s5], s20  }
0x9e: {  	_ =	swait.ge [sflag:s22], s20  }
0x9f: {  	s4 =	ssub.s32 $0x0, s20;
	[sflag:s22] =	ssyncset.done $0x0  }
0xa0: {  	[sflag:s22] =	ssyncadd.s32 s4;
	_ =	sdelay $0x1  }
0xa1: {  	s23 =	simm.s32 $0x1B8B  }
0xa2: {  	_ =	swait.ge [sflag:s23], $0x1  }
0xa3: {  	[sflag:s23] =	ssyncset.done $0x0  }
0xa4: {  	s25 =	simm.s32 $0x1B8E;
	s24 =	sld [smem:$0x3FFE];
	[sflag:s23] =	ssyncadd.s32 $0xFFFFFFFF  }
0xa5: {  	s26 =	simm.s32 $execute0_lowered;
	[smem:$0x3FD2] =	sst s25  }
0xa6: {  	s5 =	sshll.u32 s26, $0x1;
	_ =	strace $0x80000046;
	[dreg:$0x1] =	wrdreg $0xFFFFFFFF  }
0xa7: {  	s28 =	simm.s32 $_size_execute0_lowered;
	s3 =	sadd.s32 s3, s5;
	[dreg:$0x0] =	wrdreg $0x0  }
0xa8: {  	s5 =	sshll.u32 s28, $0x1;
	[dreg:$0x2] =	wrdreg s3  }
0xa9: {  	[dreg:$0x3] =	wrdreg s5  }
0xaa: {  	[dreg:$0x4] =	wrdreg $0xC0  }
0xab: {  	_ =	task [dreg:s7], $0x5FFFF  }
0xac: {  	[dreg:$0x1] =	wrdreg $0xFFFFFFFF  }
0xad: {  	[dreg:$0x0] =	wrdreg $0x60  }
0xae: {  	[dreg:$0x2] =	wrdreg s24  }
0xaf: {  	[dreg:$0x3] =	wrdreg s2  }
0xb0: {  	[dreg:$0x4] =	wrdreg $0x0  }
0xb1: {  	[dreg:$0x5] =	wrdreg $0x9  }
0xb2: {  	_ =	task.clear_ibuf [dreg:s7], $0x6FFFF;
	_ =	strace $0x90000046  }
0xb3: {  	s29 =	simm.s32 $0x9;
	_ =	strace $0x80000048  }
0xb4: {  	_ =	swait.ge [sflag:s29], $0x1  }
0xb5: {  	[sflag:s29] =	ssyncadd.s32 $0xFFFFFFFF  }
0xb6: {  	_ =	strace $0x90000048  }
0xb7: {  	_ =	sfence  }
0xb8: {  	s30 =	sld [smem:$0x0];
	_ =	sdelay $0x2  }
0xb9: {  	s31 =	sshll.u32 s1, $0xD;
	s1 =	sshrl.u32 s1, $0x2  }
0xba: {  	s3 =	sand.u32 $0x4000, s31;
	s1 =	sadd.s32 s1, s30  }
0xbb: {  	s0 =	sor.u32 s3, s0;
	s1 =	sshll.u32 s1, $0x11  }
0xbc: {  	s0 =	sor.u32 s1, s0  }
0xbd: {  	s0 =	sadd.s32 $0x8F2B, s0  }
0xbe: {  	[sflag:s0] =	ssyncadd.remote.s32 $0x1  }
0xbf: {  	_ =	sfence.sel $0xFFFF  }
0xc0: {  	[dreg:$0x0] =	wrdreg $0xFFFFFFFF;
	(pc) =	sbr.abs _section_cstart, $3  }
0xc1: {  	[dreg:$0x1] =	wrdreg $0xFFFFFFFF  }
0xc2: {  	_ =	task.clear_ibuf [dreg:s7], $0x2FFFF;
	_ =	strace $0x9FFFFFFF  }
0xc3: {  	(tm) =	ssettm $0x7FFFFFFF  }
tec
execute0_lowered:
.L_overlay_start_1:
0x0: {  	(tag) =	ssettag $0x1  }
0x1: {  	s0 =	rddreg [dreg:$0x0]  }
0x2: {  	s3 =	rddreg [dreg:$0x1]  }
0x3: {  	s1 =	rddreg [dreg:$0x2];
	s2 =	simm.s32 $0x0  }
0x4: {  	s5 =	srdreg.scid;
	s19 =	stileid.u32;
	s20 =	simm.s32 $0xD  }
0x5: {  	s21 =	simm.s32 $0x2A00;
	s28 =	simm.s32 $0x50;
	s29 =	simm.s32 $0xA  }
0x6: {  	s30 =	simm.s32 $0xB;
	s31 =	simm.s32 $0xC;
	s6 =	smul.u32 $0x9E00, s19  }
0x7: {  	[smem:$0x7FF] =	sst s2;
	s4 =	sadd.s32 $0x15C00, s0;
	s12 =	smul.u32 $0x2780, s19  }
0x8: {  	s15 =	sadd.s32 $0x1A00, s0;
	s14 =	sand.u32 $0x1, s5;
	s26 =	smul.u32 $0x2710, s19  }
0x9: {  	s5 =	sadd.s32 $0x15600, s0;
	_ =	strace $0x80000047;
	s13 =	smul.u32 $0x27800, s14  }
0xa: {  	s24 =	sshll.u32 s14, $0x4;
	s7 =	ssub.s32 $0x2, s14;
	s18 =	smul.u32 $0x27100, s14  }
0xb: {  	p0 =	sne.s32 s14, $0x0;
	s0 =	sor.u32 s19, s24;
	s8 =	sshrl.u32 s7, $0x1  }
0xc: {  	s6 =	sshrl.u32 s6, $0x2;
	s25 =	sshrl.u32 s12, $0x3;
	s0 =	smul.u32 $0x2710, s0  }
0xd: {  	s16 =	ssub.s32 s7, s8;
	s17 =	sadd.s32 s6, s1;
	s13 =	sadd.s32 s12, s13  }
0xe: {  	s6 =	sadd.s32 s12, s1;
	s8 =	sadd.s32 s4, s25;
	s13 =	sshrl.u32 s13, $0x3  }
0xf: {  	s14 =	smax.u32 s16, $0x1;
	s17 =	sshrl.u32 @p0 s17, $0x3;
	s0 =	sshrl.u32 s0, $0x3  }
0x10: {  	s13 =	sadd.s32 s3, s13;
	s7 =	sadd.s32 s15, s0;
	s0 =	sadd.s32 s26, s18  }
.Ltmp0:
0x11: {  	s3 =	simm.s32 $0x0;
	s0 =	sadd.s32 $0x190, s0;
	(pc) =	sbr.rel .LBB2_1-.Ltmp0, $4  }
0x12: {  	s9 =	sadd.s32 $0xA, s7;
	s10 =	sadd.s32 $0x14, s7;
	s0 =	sshrl.u32 s0, $0x3  }
0x13: {  	s11 =	sadd.s32 $0x1E, s7;
	s22 =	sadd.s32 s0, s15;
	s0 =	sshll.u32 @p0 s19, $0x6  }
0x14: {  	s12 =	sadd.s32 $0x28, s7;
	s16 =	sor.u32 @p0 $0x1C0D, s0;
	s0 =	sshll.u32 @!p0 s19, $0x6  }
0x15: {  	s19 =	sshrl.u32 @!p0 s6, $0x3;
	s18 =	sor.u32 @!p0 $0x1C0D, s0;
	s0 =	simm.s32 $0x9  }
.LBB2_7:
0x16: {  	_ =	swait.ge [sflag:s29], $0x500  }
0x17: {  	[sflag:s29] =	ssyncset.done $0x0  }
0x18: {  	[sflag:s29] =	ssyncadd.s32 $0xFFFFFB00  }
0x19: {  	_ =	swait.ge [sflag:s30], $0x500  }
0x1a: {  	[sflag:s30] =	ssyncset.done $0x0  }
0x1b: {  	[sflag:s30] =	ssyncadd.s32 $0xFFFFFB00  }
0x1c: {  	_ =	swait.ge [sflag:s31], $0x500  }
0x1d: {  	[sflag:s31] =	ssyncset.done $0x0  }
0x1e: {  	[sflag:s31] =	ssyncadd.s32 $0xFFFFFB00  }
0x1f: {  	s15 =	stileid.u32;
	_ =	swait.ge [sflag:s0], $0x500  }
0x20: {  	s23 =	sshrl.u32 s6, $0x3;
	s3 =	sadd.s32 $0x1, s3;
	[sflag:s0] =	ssyncset.done $0x0  }
0x21: {  	s15 =	sshll.u32 s15, $0x6;
	p1 =	sne.s32 s3, s14;
	[sflag:s0] =	ssyncadd.s32 $0xFFFFFB00  }
.Ltmp1:
0x22: {  	s15 =	sor.u32 $0x1C0D, s15;
	[bflag:$0x0] =	sbarrier.arrive $0xFFFF;
	(pc) =	sbr.rel @!p1 .LBB2_8-.Ltmp1, $4  }
0x23: {  	[hbm:s13], [sflag:s15] =	dma.local [spmem:s23], $0x4F0  }
0x24: {  	_ =	swait.ge [sflag:s20], $0x4F0  }
0x25: {  	[sflag:s20] =	ssyncset.done $0x0  }
0x26: {  	[sflag:s20] =	ssyncadd.s32 $0xFFFFFB10  }
.LBB2_1:
0x27: {  	[spmem:s17], [sflag:s16] =	dma.local @p0 [hbm:s5], $0x4F0  }
0x28: {  	[spmem:s19], [sflag:s18] =	dma.local @!p0 [hbm:s8], $0x4F0  }
0x29: {  	_ =	swait.ge [sflag:s20], $0x4F0  }
0x2a: {  	[sflag:s20] =	ssyncset.done $0x0  }
0x2b: {  	[sflag:s20] =	ssyncadd.s32 $0xFFFFFB10  }
0x2c: {  	[tilespmem:s21], [sflag:$0xD] =	stream.linear.gather [hbm4b:s4+s2], $0x500, $0x38;
	[tilespmem:$0x2F00] =	vst v63  }
0x2d: {  	_ =	swait.ge [sflag:s20], $0x500  }
0x2e: {  	[sflag:s20] =	ssyncset.done $0x0  }
0x2f: {  	[sflag:s20] =	ssyncadd.s32 $0xFFFFFB00  }
0x30: {  	s15 =	simm.s32 $0x2780;
	[bflag:$0x0] =	sbarrier.arrive $0xFFFF  }
0x31: {  	[tilespmem:s15], [sflag:$0x1] =	stream.linear.gather [hbm4b:s7+s2], $0x50, $0x38;
	[tilespmem:$0x2F00] =	vst v63  }
0x32: {  	s23 =	simm.s32 $0x27D0  }
0x33: {  	[tilespmem:s23], [sflag:$0x2] =	stream.linear.gather [hbm4b:s9+s2], $0x50, $0x38;
	[tilespmem:$0x2F00] =	vst v63  }
0x34: {  	s24 =	simm.s32 $0x2820  }
0x35: {  	[tilespmem:s24], [sflag:$0x3] =	stream.linear.gather [hbm4b:s10+s2], $0x50, $0x38;
	[tilespmem:$0x2F00] =	vst v63  }
.Ltmp2:
0x36: {  	_ = 	snop;
	(pc) =	sbr.rel .LBB2_2-.Ltmp2, $4  }
0x37: {  	s25 =	simm.s32 $0x2870;
	s26 =	simm.s32 $0x28C0  }
0x38: {  	[tilespmem:s25], [sflag:$0x4] =	stream.linear.gather [hbm4b:s11+s2], $0x50, $0x38;
	[tilespmem:$0x2F00] =	vst v63  }
0x39: {  	s15 =	smov.u32 s22;
	s23 =	simm.s32 $0x9;
	s24 =	simm.s32 $0x0  }
0x3a: {  	[tilespmem:s26], [sflag:$0x5] =	stream.linear.gather [hbm4b:s12+s2], $0x50, $0x38;
	[tilespmem:$0x2F00] =	vst v63  }
.LBB2_3:
0x3b: {  	[spmem:s1] =	stream.indirect.scatter.add.f32 [tilespmem:s21], [sflag:s23], $0x10, s25, s28, $0xb8;
	[tilespmem:$0x2F00] =	vst v63  }
.LBB2_5:
0x3c: {  	s25 =	sadd.s32 $0x5, s24  }
0x3d: {  	s25 =	sand.u32 $0x7, s25  }
0x3e: {  	s26 =	smul.u32 $0x140, s25;
	_ =	sdelay $0x1  }
0x3f: {  	s26 =	sshrl.u32 s26, $0x2  }
0x40: {  	s25 =	sadd.s32 $0x1, s25;
	s26 =	sadd.s32 $0x2780, s26  }
0x41: {  	[tilespmem:s26], [sflag:s25] =	stream.linear.gather [hbm4b:s15+s2], $0x50, $0x38;
	[tilespmem:$0x2F00] =	vst v63  }
.LBB2_6:
0x42: {  	s24 =	sadd.s32 $0x1, s24  }
0x43: {  	p1 =	sne.s32 s24, $0x7D  }
.Ltmp3:
0x44: {  	_ = 	snop;
	(pc) =	sbr.rel @!p1 .LBB2_7-.Ltmp3, $2  }
0x45: {  	_ =	sdelay $0x2  }
0x46: {  	s23 =	sadd.s32 $0x1, s23;
	s15 =	sadd.s32 $0xA, s15  }
.LBB2_2:
0x47: {  	p1 =	sgt.u32 s24, $0x3  }
.Ltmp4:
0x48: {  	s25 =	sand.u32 $0x7, s24;
	(pc) =	sbr.rel @!p1 .LBB2_3-.Ltmp4, $4  }
0x49: {  	s26 =	sadd.s32 $0x1, s25;
	s25 =	smul.u32 $0x140, s25  }
0x4a: {  	_ =	swait.ge [sflag:s26], $0x50  }
0x4b: {  	s25 =	sshrl.u32 s25, $0x2;
	[sflag:s26] =	ssyncset.done $0x0  }
0x4c: {  	s25 =	sadd.s32 $0x2780, s25;
	[sflag:s26] =	ssyncadd.s32 $0xFFFFFFB0  }
0x4d: {  	s26 =	sand.u32 $0x3, s24;
	p1 =	sgt.u32 s24, $0x77  }
.Ltmp5:
0x4e: {  	s26 =	sadd.s32 $0x9, s26;
	(pc) =	sbr.rel @p1 .LBB2_6-.Ltmp5, $4  }
.Ltmp6:
0x4f: {  	_ =	swait.ge [sflag:s26], $0x500;
	(pc) =	sbr.rel @!p1 .LBB2_5-.Ltmp6, $4  }
0x50: {  	[sflag:s26] =	ssyncset.done $0x0  }
0x51: {  	[sflag:s26] =	ssyncadd.s32 $0xFFFFFB00  }
0x52: {  	[spmem:s1] =	stream.indirect.scatter.add.f32 [tilespmem:s21], [sflag:s26], $0x10, s25, s28, $0xb8;
	[tilespmem:$0x2F00] =	vst v63  }
0x53: {  	_ = 	snop  }
.LBB2_8:
0x54: {  	_ =	sfence.sel $0x180000  }
0x55: {  	[bflag:$0x0] =	sbarrier.arrive $0xFFFF  }
0x56: {  	_ =	strace $0x90000047  }
0x57: {  	s0 =	stileid.u32;
	[bflag:$0x2] =	sbarrier.arrive $0xFFFF  }
0x58: {  	p0 =	sne.s32 s0, $0x0;
	s0 =	rddreg [dreg:$0x3]  }
0x59: {  	s0 =	sadd.s32 @!p0 $0x100000, s0  }
0x5a: {  	[sflag:s0] =	ssyncadd.tile.s32 @!p0 $0x1;
	_ =	shalt  }
.Lfunc_end2:
_tile_overlayer_lowered:
.L_overlay_start_2:
0x5b: {  	(tag) =	ssettag $0x2  }
0x5c: {  	s0 =	rddreg [dreg:$0x0];
	s2 =	stileid.u32  }
0x5d: {  	s1 =	rddreg [dreg:$0x1];
	p0 =	sne.s32 s2, $0x0  }
0x5e: {  	s3 =	rddreg [dreg:$0x2];
	[bflag:$0x3] =	sbarrier.arrive $0xFFFF;
	s2 =	simm.s32 @!p0 $0x1C0D  }
0x5f: {  	[timem:s3], [sflag:s2] =	dma.local @!p0 [hbm:s0], s1  }
0x60: {  	s0 =	simm.s32 @!p0 $0xD  }
0x61: {  	_ =	swait.ge @!p0 [sflag:s0], s1  }
0x62: {  	s1 =	ssub.s32 @!p0 $0x0, s1;
	[sflag:s0] =	ssyncset.done @!p0 $0x0  }
0x63: {  	[sflag:s0] =	ssyncadd.s32 @!p0 s1  }
0x64: {  	[bflag:$0x3] =	sbarrier.arrive $0xFFFF  }
0x65: {  	_ =	shalt  }

</sc_bundles>
